<compile_context>
chip_gen: v7x
topology: tpu7x:2x2x1
jax: 0.10.2.dev20260603
libtpu: 0.0.44.dev20260713+nightly
codegen_flags: <defaults>
</compile_context>

<pallas_src>
import functools
import jax
import jax.numpy as jnp
from jax import lax
from jax.experimental import pallas as pl
from jax.experimental.pallas import tpu as pltpu
from jax.experimental.pallas import tpu_sc as plsc

NC, NS, LANES = 2, 16, 16
NW = NC * NS
K = 128
ZR = 64
BLK = 10240

FRAC_DEG = 0.55
FRAC_S64 = 0.51
FRAC_S16 = 0.56


def _split(total, frac):
    a = int(round(total * frac / 8.0)) * 8
    a = max(8, min(total - 8, a))
    return a, total - a


def _sc_mesh():
    return plsc.VectorSubcoreMesh(core_axis_name="c", subcore_axis_name="s")


def _deg_kernel(n_pad, cha, chb):
    rpt = n_pad // NS
    chm = max(cha, chb)

    def body(ei_hbm, out_hbm, idx_d, zbuf, obuf, deg_sh):
        c = lax.axis_index("c")
        s = lax.axis_index("s")

        def zb(i, _):
            zbuf[pl.ds(i * LANES, LANES)] = jnp.zeros((LANES,), jnp.float32)
            return _
        lax.fori_loop(0, rpt // LANES, zb, None)

        def ob(i, _):
            obuf[pl.ds(i * LANES, LANES)] = jnp.ones((LANES,), jnp.float32)
            return _
        lax.fori_loop(0, K // LANES, ob, None)

        pltpu.sync_copy(zbuf, deg_sh.at[pl.ds(s * rpt, rpt)])

        @pl.when(c == 0)
        def _():
            pltpu.sync_copy(ei_hbm.at[1, pl.ds(s * cha, cha)],
                            idx_d.at[pl.ds(0, cha)])

        @pl.when(c == 1)
        def _():
            pltpu.sync_copy(ei_hbm.at[1, pl.ds(NS * cha + s * chb, chb)],
                            idx_d.at[pl.ds(0, chb)])

        plsc.subcore_barrier()

        def step(j, _):
            pltpu.sync_copy(obuf, deg_sh.at[idx_d.at[j]], add=True)
            return _

        @pl.when(c == 0)
        def _():
            lax.fori_loop(0, cha, step, None)

        @pl.when(c == 1)
        def _():
            lax.fori_loop(0, chb, step, None)

        plsc.subcore_barrier()
        pltpu.sync_copy(deg_sh.at[pl.ds(s * rpt, rpt)],
                        out_hbm.at[c, pl.ds(s * rpt, rpt)])

    return pl.kernel(
        body,
        out_type=jax.ShapeDtypeStruct((NC, n_pad), jnp.float32),
        mesh=_sc_mesh(),
        scratch_types=[
            pltpu.VMEM((chm, K), jnp.int32),
            pltpu.VMEM((rpt,), jnp.float32),
            pltpu.VMEM((K,), jnp.float32),
            pltpu.VMEM_SHARED((n_pad,), jnp.float32),
        ],
        compiler_params=pltpu.CompilerParams(use_tc_tiling_on_sc=False),
    )


def _segsum_kernel(n_pad, d, cha, chb):
    rpt = n_pad // NS
    chm = max(cha, chb)

    def body(hs_hbm, ei_hbm, out_hbm, idx_s, idx_d, r0, r1,
             zbuf, agg_sh, hs_sh, g0, g1, c0, c1):
        rows = [r0, r1]
        gsem = [g0, g1]
        csem = [c0, c1]
        c = lax.axis_index("c")
        s = lax.axis_index("s")

        pltpu.sync_copy(hs_hbm.at[pl.ds(s * rpt, rpt)],
                        hs_sh.at[pl.ds(s * rpt, rpt)])

        def zb(i, _):
            zbuf[i // (d // LANES), pl.ds((i % (d // LANES)) * LANES, LANES)] = (
                jnp.zeros((LANES,), jnp.float32))
            return _
        lax.fori_loop(0, ZR * d // LANES, zb, None)

        def zs(r, _):
            pltpu.sync_copy(zbuf, agg_sh.at[pl.ds(s * rpt + r * ZR, ZR)])
            return _
        lax.fori_loop(0, rpt // ZR, zs, None)

        @pl.when(c == 0)
        def _():
            pltpu.sync_copy(ei_hbm.at[0, pl.ds(s * cha, cha)],
                            idx_s.at[pl.ds(0, cha)])
            pltpu.sync_copy(ei_hbm.at[1, pl.ds(s * cha, cha)],
                            idx_d.at[pl.ds(0, cha)])

        @pl.when(c == 1)
        def _():
            pltpu.sync_copy(ei_hbm.at[0, pl.ds(NS * cha + s * chb, chb)],
                            idx_s.at[pl.ds(0, chb)])
            pltpu.sync_copy(ei_hbm.at[1, pl.ds(NS * cha + s * chb, chb)],
                            idx_d.at[pl.ds(0, chb)])

        plsc.subcore_barrier()

        def run_edges(chc):
            pltpu.async_copy(hs_sh.at[idx_s.at[0]], rows[0], gsem[0])

            def step(j2, _):
                j = j2 * 2
                pltpu.async_copy(hs_sh.at[idx_s.at[j + 1]], rows[1], gsem[1])
                pltpu.make_async_copy(hs_sh.at[idx_s.at[j]], rows[0],
                                      gsem[0]).wait()
                pltpu.sync_copy(rows[0], agg_sh.at[idx_d.at[j]], add=True)
                jn = jnp.minimum(j + 2, chc - 1)
                pltpu.async_copy(hs_sh.at[idx_s.at[jn]], rows[0], gsem[0])
                pltpu.make_async_copy(hs_sh.at[idx_s.at[j + 1]], rows[1],
                                      gsem[1]).wait()
                pltpu.sync_copy(rows[1], agg_sh.at[idx_d.at[j + 1]], add=True)
                return _
            lax.fori_loop(0, chc // 2, step, None)
            pltpu.make_async_copy(hs_sh.at[idx_s.at[0]], rows[0],
                                  gsem[0]).wait()

        @pl.when(c == 0)
        def _():
            run_edges(cha)

        @pl.when(c == 1)
        def _():
            run_edges(chb)

        plsc.subcore_barrier()
        pltpu.sync_copy(agg_sh.at[pl.ds(s * rpt, rpt)],
                        out_hbm.at[c, pl.ds(s * rpt, rpt)])

    return pl.kernel(
        body,
        out_type=jax.ShapeDtypeStruct((NC, n_pad, d), jnp.float32),
        mesh=_sc_mesh(),
        scratch_types=[
            pltpu.VMEM((chm, K), jnp.int32),
            pltpu.VMEM((chm, K), jnp.int32),
            pltpu.VMEM((K, d), jnp.float32),
            pltpu.VMEM((K, d), jnp.float32),
            pltpu.VMEM((ZR, d), jnp.float32),
            pltpu.VMEM_SHARED((n_pad, d), jnp.float32),
            pltpu.VMEM_SHARED((n_pad, d), jnp.float32),
        ] + [pltpu.SemaphoreType.DMA] * 4,
        compiler_params=pltpu.CompilerParams(use_tc_tiling_on_sc=False),
    )


def _tc1a(n_pad, f, h):
    def body(x_ref, w_ref, b_ref, hw_ref):
        hw_ref[...] = jnp.dot(x_ref[...], w_ref[...],
                              preferred_element_type=jnp.float32) + b_ref[...]

    grid = n_pad // BLK
    return pl.pallas_call(
        body,
        grid=(grid,),
        in_specs=[
            pl.BlockSpec((BLK, f), lambda i: (i, 0)),
            pl.BlockSpec((f, h), lambda i: (0, 0)),
            pl.BlockSpec((1, h), lambda i: (0, 0)),
        ],
        out_specs=pl.BlockSpec((BLK, h), lambda i: (i, 0)),
        out_shape=jax.ShapeDtypeStruct((n_pad, h), jnp.float32),
    )


def _tc1b(n, n_pad, h):
    def body(degT_ref, hw_ref, hs_ref, isq_ref):
        i = pl.program_id(0)
        deg = degT_ref[:, 0:1] + degT_ref[:, 1:2] + 1.0
        isq = lax.rsqrt(deg)
        rows = i * BLK + lax.broadcasted_iota(jnp.int32, (BLK, 1), 0)
        isq = jnp.where(rows < n, isq, 0.0)
        hs_ref[...] = hw_ref[...] * isq
        isq_ref[...] = isq

    grid = n_pad // BLK
    return pl.pallas_call(
        body,
        grid=(grid,),
        in_specs=[
            pl.BlockSpec((BLK, 2), lambda i: (i, 0)),
            pl.BlockSpec((BLK, h), lambda i: (i, 0)),
        ],
        out_specs=[
            pl.BlockSpec((BLK, h), lambda i: (i, 0)),
            pl.BlockSpec((BLK, 1), lambda i: (i, 0)),
        ],
        out_shape=[
            jax.ShapeDtypeStruct((n_pad, h), jnp.float32),
            jax.ShapeDtypeStruct((n_pad, 1), jnp.float32),
        ],
    )


def _tc2(n_pad, h, d2, c_out):
    def body(s1_ref, hs1_ref, isq_ref, w_ref, b_ref, hs2_ref):
        isq = isq_ref[...]
        ssum = s1_ref[0] + s1_ref[1] + hs1_ref[...]
        embed = jnp.maximum(isq * ssum, 0.0)
        hw = jnp.dot(embed, w_ref[...],
                     preferred_element_type=jnp.float32) + b_ref[...]
        hs2_ref[:, c_out:] = jnp.zeros((BLK, d2 - c_out), jnp.float32)
        hs2_ref[:, :c_out] = hw * isq

    grid = n_pad // BLK
    return pl.pallas_call(
        body,
        grid=(grid,),
        in_specs=[
            pl.BlockSpec((NC, BLK, h), lambda i: (0, i, 0)),
            pl.BlockSpec((BLK, h), lambda i: (i, 0)),
            pl.BlockSpec((BLK, 1), lambda i: (i, 0)),
            pl.BlockSpec((h, c_out), lambda i: (0, 0)),
            pl.BlockSpec((1, c_out), lambda i: (0, 0)),
        ],
        out_specs=pl.BlockSpec((BLK, d2), lambda i: (i, 0)),
        out_shape=jax.ShapeDtypeStruct((n_pad, d2), jnp.float32),
    )


def _tc3(n, n_pad, d2, c_out):
    def body(s2_ref, hs2_ref, isq_ref, out_ref):
        out = isq_ref[...] * (s2_ref[0] + s2_ref[1] + hs2_ref[...])
        out_ref[...] = out[:, :c_out]

    grid = n_pad // BLK
    return pl.pallas_call(
        body,
        grid=(grid,),
        in_specs=[
            pl.BlockSpec((NC, BLK, d2), lambda i: (0, i, 0)),
            pl.BlockSpec((BLK, d2), lambda i: (i, 0)),
            pl.BlockSpec((BLK, 1), lambda i: (i, 0)),
        ],
        out_specs=pl.BlockSpec((BLK, c_out), lambda i: (i, 0)),
        out_shape=jax.ShapeDtypeStruct((n, c_out), jnp.float32),
    )


def kernel(x, y, edge_index, W1, b1, W2, b2):
    n, f = x.shape
    h = W1.shape[1]
    c_out = W2.shape[1]
    d2 = 16

    src = edge_index[0]
    dst = edge_index[1]
    e = src.shape[0]
    total_ch = -(-(-(-e // (NS * K))) // 16) * 16
    e_pad = NS * K * total_ch
    n_pad = -(-(n + 1) // (NS * ZR)) * (NS * ZR)

    pad_e = e_pad - e
    eip = jnp.concatenate(
        [edge_index, jnp.full((2, pad_e), n, jnp.int32)],
        axis=1).reshape(2, NS * total_ch, K)
    b1r = b1.reshape(1, h)
    b2r = b2.reshape(1, c_out)

    hw1 = _tc1a(n_pad, f, h)(x, W1, b1r)
    deg_parts = _deg_kernel(n_pad, *_split(total_ch, FRAC_DEG))(eip)
    hs1, isq = _tc1b(n, n_pad, h)(deg_parts.T, hw1)
    s1 = _segsum_kernel(n_pad, h, *_split(total_ch, FRAC_S64))(hs1, eip)
    hs2 = _tc2(n_pad, h, d2, c_out)(s1, hs1, isq, W2, b2r)
    s2 = _segsum_kernel(n_pad, d2, *_split(total_ch, FRAC_S16))(hs2, eip)
    return _tc3(n, n_pad, d2, c_out)(s2, hs2, isq)

# --- scband reference (transcript-rebuilt; emitter-appended) ---
"""Pipeline reference for scband-model-4750233829679 (READ-ONLY COPY).

The authoritative reference and input builder live on the scoring server;
editing this copy changes nothing except your own understanding.
"""

import jax, jax.numpy as jnp
import numpy as np

N, E, F, H, C = 10000, 320000, 128, 64, 10


def setup_inputs(seed: int = 0) -> dict:
    key = jax.random.key(seed)
    ks = jax.random.split(key, 6)
    x = jax.random.normal(ks[0], (N, F), dtype=jnp.float32)
    edge_index = jax.random.randint(ks[1], (2, E), 0, N, dtype=jnp.int32)
    y = jax.random.randint(ks[2], (N,), 0, C, dtype=jnp.int32)
    W1 = jax.random.normal(ks[3], (F, H), dtype=jnp.float32) * 0.05
    b1 = jnp.zeros((H,), dtype=jnp.float32)
    W2 = jax.random.normal(ks[4], (H, C), dtype=jnp.float32) * 0.05
    b2 = jnp.zeros((C,), dtype=jnp.float32)
    return {"x": x, "y": y, "edge_index": edge_index, "W1": W1, "b1": b1, "W2": W2, "b2": b2}


def reference(x, y, edge_index, W1, b1, W2, b2):
    # Model.forward with phase='og', logit=True:
    #   embed = GNN_Encoder(x, edge_index)  (GCN conv nfeat->nhid, ReLU; dropout off in eval)
    #   output = GNN_Classifier(embed, edge_index)  (GCN conv nhid->nclass)
    src = edge_index[0]
    dst = edge_index[1]
    n = x.shape[0]
    # symmetric GCN normalization with self-loops: D^{-1/2} (A + I) D^{-1/2}
    deg = jnp.zeros((n,), dtype=x.dtype).at[dst].add(1.0) + 1.0
    inv_sqrt = jax.lax.rsqrt(deg)
    edge_coef = inv_sqrt[src] * inv_sqrt[dst]
    self_coef = inv_sqrt * inv_sqrt

    def gcn_conv(h, W, b):
        hw = h @ W + b
        msgs = hw[src] * edge_coef[:, None]          # gather over edges
        agg = jnp.zeros_like(hw).at[dst].add(msgs)   # scatter-add to dst nodes
        return agg + hw * self_coef[:, None]

    embed = jax.nn.relu(gcn_conv(x, W1, b1))
    logits = gcn_conv(embed, W2, b2)
    return logits

if __name__ == "__main__":
    import jax
    _d = setup_inputs()
    print(jax.jit(kernel)(*tuple(_d.values())))

</pallas_src>

<mosaic_0001>
#map = affine_map<(d0, d1) -> (0, 0)>
#map1 = affine_map<(d0, d1) -> (0, 0, 0)>
module attributes {stable_mosaic.version = 14 : i64} {
  func.func @body(%arg0: i32, %arg1: i32, %arg2: memref<10240x64xf32, #tpu.memory_space<hbm>>, %arg3: memref<2x2560x128xi32, #tpu.memory_space<hbm>>, %arg4: memref<2x10240x64xf32, #tpu.memory_space<hbm>>, %arg5: memref<80x128xi32, #tpu.memory_space<vmem>>, %arg6: memref<80x128xi32, #tpu.memory_space<vmem>>, %arg7: memref<128x64xf32, #tpu.memory_space<vmem>>, %arg8: memref<128x64xf32, #tpu.memory_space<vmem>>, %arg9: memref<64x64xf32, #tpu.memory_space<vmem>>, %arg10: memref<10240x64xf32, #tpu.memory_space<vmem_shared>>, %arg11: memref<10240x64xf32, #tpu.memory_space<vmem_shared>>, %arg12: memref<!tpu.dma_semaphore, #tpu.memory_space<semaphore_mem>>, %arg13: memref<!tpu.dma_semaphore, #tpu.memory_space<semaphore_mem>>, %arg14: memref<!tpu.dma_semaphore, #tpu.memory_space<semaphore_mem>>, %arg15: memref<!tpu.dma_semaphore, #tpu.memory_space<semaphore_mem>>) attributes {dimension_semantics = [#tpu.dimension_semantics<core_parallel>, #tpu.dimension_semantics<subcore_parallel>], iteration_bounds = array<i64: 2, 16>, scalar_prefetch = 0 : i64, scratch_operands = 11 : i64, tpu.core_type = #tpu.core_type<sc_vector_subcore>, window_params = [{transform_indices = #map}, {transform_indices = #map1}, {transform_indices = #map1}]} {
    %mul3A = arith.constant 640 : i32
    %mul3A_0 = arith.muli %arg1, %mul3A : i32
    %mul3A_1 = arith.constant 640 : i32
    %mul3A_2 = arith.muli %arg1, %mul3A_1 : i32
    "tpu.region"() ({
      %run_scoped3A = tpu.sem_alloc : memref<!tpu.dma_semaphore, #tpu.memory_space<semaphore_mem>>
      %dma_start3A = arith.constant 0 : i32
      %dma_start3A_34 = tpu.memref_slice %arg11[%mul3A_2, %dma_start3A] : memref<10240x64xf32, #tpu.memory_space<vmem_shared>> -> memref<640x64xf32, #tpu.memory_space<vmem_shared>>
      %dma_start3A_35 = arith.constant 0 : i32
      %dma_start3A_36 = tpu.memref_slice %arg2[%mul3A_0, %dma_start3A_35] : memref<10240x64xf32, #tpu.memory_space<hbm>> -> memref<640x64xf32, #tpu.memory_space<hbm>>
      tpu.enqueue_dma source(%dma_start3A_36 : memref<640x64xf32, #tpu.memory_space<hbm>>) target(%dma_start3A_34 : memref<640x64xf32, #tpu.memory_space<vmem_shared>>) target_semaphore(%run_scoped3A : memref<!tpu.dma_semaphore, #tpu.memory_space<semaphore_mem>>)
      %dma_wait3A = arith.constant 0 : i32
      %dma_wait3A_37 = tpu.memref_slice %arg11[%mul3A_2, %dma_wait3A] : memref<10240x64xf32, #tpu.memory_space<vmem_shared>> -> memref<640x64xf32, #tpu.memory_space<vmem_shared>>
      %dma_wait3A_38 = arith.constant 0 : i32
      %dma_wait3A_39 = tpu.memref_slice %arg2[%mul3A_0, %dma_wait3A_38] : memref<10240x64xf32, #tpu.memory_space<hbm>> -> memref<640x64xf32, #tpu.memory_space<hbm>>
      tpu.wait_dma2 semaphore(%run_scoped3A : memref<!tpu.dma_semaphore, #tpu.memory_space<semaphore_mem>>) src(%dma_wait3A_39 : memref<640x64xf32, #tpu.memory_space<hbm>>) dst(%dma_wait3A_37 : memref<640x64xf32, #tpu.memory_space<vmem_shared>>)
      tpu.yield
    }) : () -> ()
    %scan3A = arith.constant 0 : i32
    %scan3A_3 = arith.constant 256 : i32
    %scan3A_4 = arith.addi %scan3A, %scan3A_3 : i32
    %scan3A_5 = arith.constant 1 : i32
    scf.for %scan3A_34 = %scan3A to %scan3A_4 step %scan3A_5  : i32 {
      %broadcast_in_dim3A = arith.constant 0.000000e+00 : f32
      %broadcast_in_dim3A_35 = vector.broadcast %broadcast_in_dim3A : f32 to vector<16xf32>
      %jit3A = arith.constant 4 : i32
      %div3A = arith.divsi %scan3A_34, %jit3A : i32
      %sign3A = arith.constant 0 : i32
      %sign3A_36 = arith.cmpi sgt, %scan3A_34, %sign3A : i32
      %sign3A_37 = arith.extui %sign3A_36 : i1 to i32
      %sign3A_38 = arith.constant 0 : i32
      %sign3A_39 = arith.cmpi slt, %scan3A_34, %sign3A_38 : i32
      %sign3A_40 = arith.extui %sign3A_39 : i1 to i32
      %sign3A_41 = arith.subi %sign3A_37, %sign3A_40 : i32
      %sign3A_42 = arith.constant 0 : i32
      %sign3A_43 = arith.cmpi sgt, %jit3A, %sign3A_42 : i32
      %sign3A_44 = arith.extui %sign3A_43 : i1 to i32
      %sign3A_45 = arith.constant 0 : i32
      %sign3A_46 = arith.cmpi slt, %jit3A, %sign3A_45 : i32
      %sign3A_47 = arith.extui %sign3A_46 : i1 to i32
      %sign3A_48 = arith.subi %sign3A_44, %sign3A_47 : i32
      %ne3A = arith.cmpi ne, %sign3A_41, %sign3A_48 : i32
      %rem3A = arith.remsi %scan3A_34, %jit3A : i32
      %ne3A_49 = arith.constant 0 : i32
      %ne3A_50 = arith.cmpi ne, %rem3A, %ne3A_49 : i32
      %and3A = arith.andi %ne3A, %ne3A_50 : i1
      %sub3A = arith.constant 1 : i32
      %sub3A_51 = arith.subi %div3A, %sub3A : i32
      %select_n3A = arith.select %and3A, %sub3A_51, %div3A : i32
      %jit3A_52 = arith.constant 4 : i32
      %eq3A_53 = arith.constant 0 : i32
      %eq3A_54 = arith.cmpi eq, %jit3A_52, %eq3A_53 : i32
      %jit3A_55 = arith.constant 1 : i32
      %select_n3A_56 = arith.select %eq3A_54, %jit3A_55, %jit3A_52 : i32
      %rem3A_57 = arith.remsi %scan3A_34, %select_n3A_56 : i32
      %ne3A_58 = arith.constant 0 : i32
      %ne3A_59 = arith.cmpi ne, %rem3A_57, %ne3A_58 : i32
      %lt3A = arith.constant 0 : i32
      %lt3A_60 = arith.cmpi slt, %rem3A_57, %lt3A : i32
      %lt3A_61 = arith.constant 0 : i32
      %lt3A_62 = arith.cmpi slt, %select_n3A_56, %lt3A_61 : i32
      %ne3A_63 = arith.xori %lt3A_60, %lt3A_62 : i1
      %and3A_64 = arith.andi %ne3A_63, %ne3A_59 : i1
      %add3A = arith.addi %rem3A_57, %select_n3A_56 : i32
      %select_n3A_65 = arith.select %and3A_64, %add3A, %rem3A_57 : i32
      %mul3A_66 = arith.constant 16 : i32
      %mul3A_67 = arith.muli %select_n3A_65, %mul3A_66 : i32
      %swap3A = arith.index_cast %select_n3A : i32 to index
      %swap3A_68 = arith.index_cast %mul3A_67 : i32 to index
      %swap3A_69 = tpu.vector_load %arg9[%swap3A, %swap3A_68] {strides = array<i32>} : memref<64x64xf32, #tpu.memory_space<vmem>>, vector<1x16xf32>,
      %swap3A_70 = vector.shape_cast %swap3A_69 : vector<1x16xf32> to vector<16xf32>
      %swap3A_71 = vector.shape_cast %broadcast_in_dim3A_35 : vector<16xf32> to vector<1x16xf32>
      tpu.vector_store %arg9[%swap3A, %swap3A_68], %swap3A_71 {strides = array<i32>} : memref<64x64xf32, #tpu.memory_space<vmem>>, vector<1x16xf32>,
    }
    %scan3A_6 = arith.constant 256 : i32
    %scan3A_7 = arith.constant 0 : i32
    %scan3A_8 = arith.constant 10 : i32
    %scan3A_9 = arith.addi %scan3A_7, %scan3A_8 : i32
    %scan3A_10 = arith.constant 1 : i32
    scf.for %scan3A_34 = %scan3A_7 to %scan3A_9 step %scan3A_10  : i32 {
      %mul3A_35 = arith.constant 640 : i32
      %mul3A_36 = arith.muli %arg1, %mul3A_35 : i32
      %mul3A_37 = arith.constant 64 : i32
      %mul3A_38 = arith.muli %scan3A_34, %mul3A_37 : i32
      %add3A = arith.addi %mul3A_36, %mul3A_38 : i32
      "tpu.region"() ({
        %run_scoped3A = tpu.sem_alloc : memref<!tpu.dma_semaphore, #tpu.memory_space<semaphore_mem>>
        %dma_start3A = arith.constant 0 : i32
        %dma_start3A_39 = tpu.memref_slice %arg10[%add3A, %dma_start3A] : memref<10240x64xf32, #tpu.memory_space<vmem_shared>> -> memref<64x64xf32, #tpu.memory_space<vmem_shared>>
        %dma_start3A_40 = arith.constant 0 : i32
        %dma_start3A_41 = tpu.memref_slice %arg10[%add3A, %dma_start3A_40] : memref<10240x64xf32, #tpu.memory_space<vmem_shared>> -> memref<64x64xf32, #tpu.memory_space<vmem_shared>>
        tpu.enqueue_dma source(%arg9 : memref<64x64xf32, #tpu.memory_space<vmem>>) target(%dma_start3A_41 : memref<64x64xf32, #tpu.memory_space<vmem_shared>>) target_semaphore(%run_scoped3A : memref<!tpu.dma_semaphore, #tpu.memory_space<semaphore_mem>>)
        %dma_wait3A = arith.constant 0 : i32
        %dma_wait3A_42 = tpu.memref_slice %arg10[%add3A, %dma_wait3A] : memref<10240x64xf32, #tpu.memory_space<vmem_shared>> -> memref<64x64xf32, #tpu.memory_space<vmem_shared>>
        %dma_wait3A_43 = arith.constant 0 : i32
        %dma_wait3A_44 = tpu.memref_slice %arg10[%add3A, %dma_wait3A_43] : memref<10240x64xf32, #tpu.memory_space<vmem_shared>> -> memref<64x64xf32, #tpu.memory_space<vmem_shared>>
        tpu.wait_dma2 semaphore(%run_scoped3A : memref<!tpu.dma_semaphore, #tpu.memory_space<semaphore_mem>>) src(%arg9 : memref<64x64xf32, #tpu.memory_space<vmem>>) dst(%dma_wait3A_44 : memref<64x64xf32, #tpu.memory_space<vmem_shared>>)
        tpu.yield
      }) : () -> ()
    }
    %scan3A_11 = arith.constant 10 : i32
    %eq3A = arith.constant 0 : i32
    %eq3A_12 = arith.cmpi eq, %arg0, %eq3A : i32
    %convert_element_type3A = arith.extui %eq3A_12 : i1 to i32
    %cond3A = arith.constant 0 : i32
    %cond3A_13 = arith.cmpi ne, %convert_element_type3A, %cond3A : i32
    scf.if %cond3A_13 {
      %mul3A_34 = arith.constant 80 : i32
      %mul3A_35 = arith.muli %arg1, %mul3A_34 : i32
      %run_scoped3A = arith.constant 0 : i32
      "tpu.region"() ({
        %run_scoped3A_39 = tpu.sem_alloc : memref<!tpu.dma_semaphore, #tpu.memory_space<semaphore_mem>>
        %dma_start3A = arith.constant 0 : i32
        %dma_start3A_40 = arith.constant 0 : i32
        %dma_start3A_41 = tpu.memref_slice %arg5[%dma_start3A, %dma_start3A_40] : memref<80x128xi32, #tpu.memory_space<vmem>> -> memref<80x128xi32, #tpu.memory_space<vmem>>
        %dma_start3A_42 = arith.constant 0 : i32
        %dma_start3A_43 = tpu.memref_slice %arg3[%run_scoped3A, %mul3A_35, %dma_start3A_42] : memref<2x2560x128xi32, #tpu.memory_space<hbm>> -> memref<1x80x128xi32, #tpu.memory_space<hbm>>
        %dma_start3A_44 = tpu.memref_squeeze %dma_start3A_43 : memref<1x80x128xi32, #tpu.memory_space<hbm>> -> memref<80x128xi32, #tpu.memory_space<hbm>>
        %dma_start3A_45 = arith.constant 0 : i32
        %dma_start3A_46 = arith.constant 0 : i32
        %dma_start3A_47 = tpu.memref_slice %arg5[%dma_start3A_45, %dma_start3A_46] : memref<80x128xi32, #tpu.memory_space<vmem>> -> memref<80x128xi32, #tpu.memory_space<vmem>>
        %dma_start3A_48 = arith.constant 0 : i32
        %dma_start3A_49 = tpu.memref_slice %arg3[%run_scoped3A, %mul3A_35, %dma_start3A_48] : memref<2x2560x128xi32, #tpu.memory_space<hbm>> -> memref<1x80x128xi32, #tpu.memory_space<hbm>>
        %dma_start3A_50 = tpu.memref_squeeze %dma_start3A_49 : memref<1x80x128xi32, #tpu.memory_space<hbm>> -> memref<80x128xi32, #tpu.memory_space<hbm>>
        tpu.enqueue_dma source(%dma_start3A_50 : memref<80x128xi32, #tpu.memory_space<hbm>>) target(%dma_start3A_47 : memref<80x128xi32, #tpu.memory_space<vmem>>) target_semaphore(%run_scoped3A_39 : memref<!tpu.dma_semaphore, #tpu.memory_space<semaphore_mem>>)
        %dma_wait3A = arith.constant 0 : i32
        %dma_wait3A_51 = arith.constant 0 : i32
        %dma_wait3A_52 = tpu.memref_slice %arg5[%dma_wait3A, %dma_wait3A_51] : memref<80x128xi32, #tpu.memory_space<vmem>> -> memref<80x128xi32, #tpu.memory_space<vmem>>
        %dma_wait3A_53 = arith.constant 0 : i32
        %dma_wait3A_54 = tpu.memref_slice %arg3[%run_scoped3A, %mul3A_35, %dma_wait3A_53] : memref<2x2560x128xi32, #tpu.memory_space<hbm>> -> memref<1x80x128xi32, #tpu.memory_space<hbm>>
        %dma_wait3A_55 = tpu.memref_squeeze %dma_wait3A_54 : memref<1x80x128xi32, #tpu.memory_space<hbm>> -> memref<80x128xi32, #tpu.memory_space<hbm>>
        %dma_wait3A_56 = arith.constant 0 : i32
        %dma_wait3A_57 = arith.constant 0 : i32
        %dma_wait3A_58 = tpu.memref_slice %arg5[%dma_wait3A_56, %dma_wait3A_57] : memref<80x128xi32, #tpu.memory_space<vmem>> -> memref<80x128xi32, #tpu.memory_space<vmem>>
        %dma_wait3A_59 = arith.constant 0 : i32
        %dma_wait3A_60 = tpu.memref_slice %arg3[%run_scoped3A, %mul3A_35, %dma_wait3A_59] : memref<2x2560x128xi32, #tpu.memory_space<hbm>> -> memref<1x80x128xi32, #tpu.memory_space<hbm>>
        %dma_wait3A_61 = tpu.memref_squeeze %dma_wait3A_60 : memref<1x80x128xi32, #tpu.memory_space<hbm>> -> memref<80x128xi32, #tpu.memory_space<hbm>>
        tpu.wait_dma2 semaphore(%run_scoped3A_39 : memref<!tpu.dma_semaphore, #tpu.memory_space<semaphore_mem>>) src(%dma_wait3A_61 : memref<80x128xi32, #tpu.memory_space<hbm>>) dst(%dma_wait3A_58 : memref<80x128xi32, #tpu.memory_space<vmem>>)
        tpu.yield
      }) : () -> ()
      %mul3A_36 = arith.constant 80 : i32
      %mul3A_37 = arith.muli %arg1, %mul3A_36 : i32
      %run_scoped3A_38 = arith.constant 1 : i32
      "tpu.region"() ({
        %run_scoped3A_39 = tpu.sem_alloc : memref<!tpu.dma_semaphore, #tpu.memory_space<semaphore_mem>>
        %dma_start3A = arith.constant 0 : i32
        %dma_start3A_40 = arith.constant 0 : i32
        %dma_start3A_41 = tpu.memref_slice %arg6[%dma_start3A, %dma_start3A_40] : memref<80x128xi32, #tpu.memory_space<vmem>> -> memref<80x128xi32, #tpu.memory_space<vmem>>
        %dma_start3A_42 = arith.constant 0 : i32
        %dma_start3A_43 = tpu.memref_slice %arg3[%run_scoped3A_38, %mul3A_37, %dma_start3A_42] : memref<2x2560x128xi32, #tpu.memory_space<hbm>> -> memref<1x80x128xi32, #tpu.memory_space<hbm>>
        %dma_start3A_44 = tpu.memref_squeeze %dma_start3A_43 : memref<1x80x128xi32, #tpu.memory_space<hbm>> -> memref<80x128xi32, #tpu.memory_space<hbm>>
        %dma_start3A_45 = arith.constant 0 : i32
        %dma_start3A_46 = arith.constant 0 : i32
        %dma_start3A_47 = tpu.memref_slice %arg6[%dma_start3A_45, %dma_start3A_46] : memref<80x128xi32, #tpu.memory_space<vmem>> -> memref<80x128xi32, #tpu.memory_space<vmem>>
        %dma_start3A_48 = arith.constant 0 : i32
        %dma_start3A_49 = tpu.memref_slice %arg3[%run_scoped3A_38, %mul3A_37, %dma_start3A_48] : memref<2x2560x128xi32, #tpu.memory_space<hbm>> -> memref<1x80x128xi32, #tpu.memory_space<hbm>>
        %dma_start3A_50 = tpu.memref_squeeze %dma_start3A_49 : memref<1x80x128xi32, #tpu.memory_space<hbm>> -> memref<80x128xi32, #tpu.memory_space<hbm>>
        tpu.enqueue_dma source(%dma_start3A_50 : memref<80x128xi32, #tpu.memory_space<hbm>>) target(%dma_start3A_47 : memref<80x128xi32, #tpu.memory_space<vmem>>) target_semaphore(%run_scoped3A_39 : memref<!tpu.dma_semaphore, #tpu.memory_space<semaphore_mem>>)
        %dma_wait3A = arith.constant 0 : i32
        %dma_wait3A_51 = arith.constant 0 : i32
        %dma_wait3A_52 = tpu.memref_slice %arg6[%dma_wait3A, %dma_wait3A_51] : memref<80x128xi32, #tpu.memory_space<vmem>> -> memref<80x128xi32, #tpu.memory_space<vmem>>
        %dma_wait3A_53 = arith.constant 0 : i32
        %dma_wait3A_54 = tpu.memref_slice %arg3[%run_scoped3A_38, %mul3A_37, %dma_wait3A_53] : memref<2x2560x128xi32, #tpu.memory_space<hbm>> -> memref<1x80x128xi32, #tpu.memory_space<hbm>>
        %dma_wait3A_55 = tpu.memref_squeeze %dma_wait3A_54 : memref<1x80x128xi32, #tpu.memory_space<hbm>> -> memref<80x128xi32, #tpu.memory_space<hbm>>
        %dma_wait3A_56 = arith.constant 0 : i32
        %dma_wait3A_57 = arith.constant 0 : i32
        %dma_wait3A_58 = tpu.memref_slice %arg6[%dma_wait3A_56, %dma_wait3A_57] : memref<80x128xi32, #tpu.memory_space<vmem>> -> memref<80x128xi32, #tpu.memory_space<vmem>>
        %dma_wait3A_59 = arith.constant 0 : i32
        %dma_wait3A_60 = tpu.memref_slice %arg3[%run_scoped3A_38, %mul3A_37, %dma_wait3A_59] : memref<2x2560x128xi32, #tpu.memory_space<hbm>> -> memref<1x80x128xi32, #tpu.memory_space<hbm>>
        %dma_wait3A_61 = tpu.memref_squeeze %dma_wait3A_60 : memref<1x80x128xi32, #tpu.memory_space<hbm>> -> memref<80x128xi32, #tpu.memory_space<hbm>>
        tpu.wait_dma2 semaphore(%run_scoped3A_39 : memref<!tpu.dma_semaphore, #tpu.memory_space<semaphore_mem>>) src(%dma_wait3A_61 : memref<80x128xi32, #tpu.memory_space<hbm>>) dst(%dma_wait3A_58 : memref<80x128xi32, #tpu.memory_space<vmem>>)
        tpu.yield
      }) : () -> ()
    } else {
    }
    %eq3A_14 = arith.constant 1 : i32
    %eq3A_15 = arith.cmpi eq, %arg0, %eq3A_14 : i32
    %convert_element_type3A_16 = arith.extui %eq3A_15 : i1 to i32
    %cond3A_17 = arith.constant 0 : i32
    %cond3A_18 = arith.cmpi ne, %convert_element_type3A_16, %cond3A_17 : i32
    scf.if %cond3A_18 {
      %mul3A_34 = arith.constant 80 : i32
      %mul3A_35 = arith.muli %arg1, %mul3A_34 : i32
      %add3A = arith.constant 1280 : i32
      %add3A_36 = arith.addi %add3A, %mul3A_35 : i32
      %run_scoped3A = arith.constant 0 : i32
      "tpu.region"() ({
        %run_scoped3A_42 = tpu.sem_alloc : memref<!tpu.dma_semaphore, #tpu.memory_space<semaphore_mem>>
        %dma_start3A = arith.constant 0 : i32
        %dma_start3A_43 = arith.constant 0 : i32
        %dma_start3A_44 = tpu.memref_slice %arg5[%dma_start3A, %dma_start3A_43] : memref<80x128xi32, #tpu.memory_space<vmem>> -> memref<80x128xi32, #tpu.memory_space<vmem>>
        %dma_start3A_45 = arith.constant 0 : i32
        %dma_start3A_46 = tpu.memref_slice %arg3[%run_scoped3A, %add3A_36, %dma_start3A_45] : memref<2x2560x128xi32, #tpu.memory_space<hbm>> -> memref<1x80x128xi32, #tpu.memory_space<hbm>>
        %dma_start3A_47 = tpu.memref_squeeze %dma_start3A_46 : memref<1x80x128xi32, #tpu.memory_space<hbm>> -> memref<80x128xi32, #tpu.memory_space<hbm>>
        %dma_start3A_48 = arith.constant 0 : i32
        %dma_start3A_49 = arith.constant 0 : i32
        %dma_start3A_50 = tpu.memref_slice %arg5[%dma_start3A_48, %dma_start3A_49] : memref<80x128xi32, #tpu.memory_space<vmem>> -> memref<80x128xi32, #tpu.memory_space<vmem>>
        %dma_start3A_51 = arith.constant 0 : i32
        %dma_start3A_52 = tpu.memref_slice %arg3[%run_scoped3A, %add3A_36, %dma_start3A_51] : memref<2x2560x128xi32, #tpu.memory_space<hbm>> -> memref<1x80x128xi32, #tpu.memory_space<hbm>>
        %dma_start3A_53 = tpu.memref_squeeze %dma_start3A_52 : memref<1x80x128xi32, #tpu.memory_space<hbm>> -> memref<80x128xi32, #tpu.memory_space<hbm>>
        tpu.enqueue_dma source(%dma_start3A_53 : memref<80x128xi32, #tpu.memory_space<hbm>>) target(%dma_start3A_50 : memref<80x128xi32, #tpu.memory_space<vmem>>) target_semaphore(%run_scoped3A_42 : memref<!tpu.dma_semaphore, #tpu.memory_space<semaphore_mem>>)
        %dma_wait3A = arith.constant 0 : i32
        %dma_wait3A_54 = arith.constant 0 : i32
        %dma_wait3A_55 = tpu.memref_slice %arg5[%dma_wait3A, %dma_wait3A_54] : memref<80x128xi32, #tpu.memory_space<vmem>> -> memref<80x128xi32, #tpu.memory_space<vmem>>
        %dma_wait3A_56 = arith.constant 0 : i32
        %dma_wait3A_57 = tpu.memref_slice %arg3[%run_scoped3A, %add3A_36, %dma_wait3A_56] : memref<2x2560x128xi32, #tpu.memory_space<hbm>> -> memref<1x80x128xi32, #tpu.memory_space<hbm>>
        %dma_wait3A_58 = tpu.memref_squeeze %dma_wait3A_57 : memref<1x80x128xi32, #tpu.memory_space<hbm>> -> memref<80x128xi32, #tpu.memory_space<hbm>>
        %dma_wait3A_59 = arith.constant 0 : i32
        %dma_wait3A_60 = arith.constant 0 : i32
        %dma_wait3A_61 = tpu.memref_slice %arg5[%dma_wait3A_59, %dma_wait3A_60] : memref<80x128xi32, #tpu.memory_space<vmem>> -> memref<80x128xi32, #tpu.memory_space<vmem>>
        %dma_wait3A_62 = arith.constant 0 : i32
        %dma_wait3A_63 = tpu.memref_slice %arg3[%run_scoped3A, %add3A_36, %dma_wait3A_62] : memref<2x2560x128xi32, #tpu.memory_space<hbm>> -> memref<1x80x128xi32, #tpu.memory_space<hbm>>
        %dma_wait3A_64 = tpu.memref_squeeze %dma_wait3A_63 : memref<1x80x128xi32, #tpu.memory_space<hbm>> -> memref<80x128xi32, #tpu.memory_space<hbm>>
        tpu.wait_dma2 semaphore(%run_scoped3A_42 : memref<!tpu.dma_semaphore, #tpu.memory_space<semaphore_mem>>) src(%dma_wait3A_64 : memref<80x128xi32, #tpu.memory_space<hbm>>) dst(%dma_wait3A_61 : memref<80x128xi32, #tpu.memory_space<vmem>>)
        tpu.yield
      }) : () -> ()
      %mul3A_37 = arith.constant 80 : i32
      %mul3A_38 = arith.muli %arg1, %mul3A_37 : i32
      %add3A_39 = arith.constant 1280 : i32
      %add3A_40 = arith.addi %add3A_39, %mul3A_38 : i32
      %run_scoped3A_41 = arith.constant 1 : i32
      "tpu.region"() ({
        %run_scoped3A_42 = tpu.sem_alloc : memref<!tpu.dma_semaphore, #tpu.memory_space<semaphore_mem>>
        %dma_start3A = arith.constant 0 : i32
        %dma_start3A_43 = arith.constant 0 : i32
        %dma_start3A_44 = tpu.memref_slice %arg6[%dma_start3A, %dma_start3A_43] : memref<80x128xi32, #tpu.memory_space<vmem>> -> memref<80x128xi32, #tpu.memory_space<vmem>>
        %dma_start3A_45 = arith.constant 0 : i32
        %dma_start3A_46 = tpu.memref_slice %arg3[%run_scoped3A_41, %add3A_40, %dma_start3A_45] : memref<2x2560x128xi32, #tpu.memory_space<hbm>> -> memref<1x80x128xi32, #tpu.memory_space<hbm>>
        %dma_start3A_47 = tpu.memref_squeeze %dma_start3A_46 : memref<1x80x128xi32, #tpu.memory_space<hbm>> -> memref<80x128xi32, #tpu.memory_space<hbm>>
        %dma_start3A_48 = arith.constant 0 : i32
        %dma_start3A_49 = arith.constant 0 : i32
        %dma_start3A_50 = tpu.memref_slice %arg6[%dma_start3A_48, %dma_start3A_49] : memref<80x128xi32, #tpu.memory_space<vmem>> -> memref<80x128xi32, #tpu.memory_space<vmem>>
        %dma_start3A_51 = arith.constant 0 : i32
        %dma_start3A_52 = tpu.memref_slice %arg3[%run_scoped3A_41, %add3A_40, %dma_start3A_51] : memref<2x2560x128xi32, #tpu.memory_space<hbm>> -> memref<1x80x128xi32, #tpu.memory_space<hbm>>
        %dma_start3A_53 = tpu.memref_squeeze %dma_start3A_52 : memref<1x80x128xi32, #tpu.memory_space<hbm>> -> memref<80x128xi32, #tpu.memory_space<hbm>>
        tpu.enqueue_dma source(%dma_start3A_53 : memref<80x128xi32, #tpu.memory_space<hbm>>) target(%dma_start3A_50 : memref<80x128xi32, #tpu.memory_space<vmem>>) target_semaphore(%run_scoped3A_42 : memref<!tpu.dma_semaphore, #tpu.memory_space<semaphore_mem>>)
        %dma_wait3A = arith.constant 0 : i32
        %dma_wait3A_54 = arith.constant 0 : i32
        %dma_wait3A_55 = tpu.memref_slice %arg6[%dma_wait3A, %dma_wait3A_54] : memref<80x128xi32, #tpu.memory_space<vmem>> -> memref<80x128xi32, #tpu.memory_space<vmem>>
        %dma_wait3A_56 = arith.constant 0 : i32
        %dma_wait3A_57 = tpu.memref_slice %arg3[%run_scoped3A_41, %add3A_40, %dma_wait3A_56] : memref<2x2560x128xi32, #tpu.memory_space<hbm>> -> memref<1x80x128xi32, #tpu.memory_space<hbm>>
        %dma_wait3A_58 = tpu.memref_squeeze %dma_wait3A_57 : memref<1x80x128xi32, #tpu.memory_space<hbm>> -> memref<80x128xi32, #tpu.memory_space<hbm>>
        %dma_wait3A_59 = arith.constant 0 : i32
        %dma_wait3A_60 = arith.constant 0 : i32
        %dma_wait3A_61 = tpu.memref_slice %arg6[%dma_wait3A_59, %dma_wait3A_60] : memref<80x128xi32, #tpu.memory_space<vmem>> -> memref<80x128xi32, #tpu.memory_space<vmem>>
        %dma_wait3A_62 = arith.constant 0 : i32
        %dma_wait3A_63 = tpu.memref_slice %arg3[%run_scoped3A_41, %add3A_40, %dma_wait3A_62] : memref<2x2560x128xi32, #tpu.memory_space<hbm>> -> memref<1x80x128xi32, #tpu.memory_space<hbm>>
        %dma_wait3A_64 = tpu.memref_squeeze %dma_wait3A_63 : memref<1x80x128xi32, #tpu.memory_space<hbm>> -> memref<80x128xi32, #tpu.memory_space<hbm>>
        tpu.wait_dma2 semaphore(%run_scoped3A_42 : memref<!tpu.dma_semaphore, #tpu.memory_space<semaphore_mem>>) src(%dma_wait3A_64 : memref<80x128xi32, #tpu.memory_space<hbm>>) dst(%dma_wait3A_61 : memref<80x128xi32, #tpu.memory_space<vmem>>)
        tpu.yield
      }) : () -> ()
    } else {
    }
    %barrier3A = arith.constant 0 : index
    tpu.barrier barrier_id(%barrier3A)
    %eq3A_19 = arith.constant 0 : i32
    %eq3A_20 = arith.cmpi eq, %arg0, %eq3A_19 : i32
    %convert_element_type3A_21 = arith.extui %eq3A_20 : i1 to i32
    %cond3A_22 = arith.constant 0 : i32
    %cond3A_23 = arith.cmpi ne, %convert_element_type3A_21, %cond3A_22 : i32
    scf.if %cond3A_23 {
      %dma_start3A = arith.constant 0 : i32
      %dma_start3A_34 = arith.constant 0 : i32
      %dma_start3A_35 = tpu.memref_slice %arg5[%dma_start3A, %dma_start3A_34] : memref<80x128xi32, #tpu.memory_space<vmem>> -> memref<1x128xi32, #tpu.memory_space<vmem>>
      %dma_start3A_36 = tpu.memref_squeeze %dma_start3A_35 : memref<1x128xi32, #tpu.memory_space<vmem>> -> memref<128xi32, #tpu.memory_space<vmem>>
      %dma_start3A_37 = arith.constant 0 : i32
      %dma_start3A_38 = arith.constant 0 : i32
      %dma_start3A_39 = tpu.memref_slice %arg11[%dma_start3A_37, %dma_start3A_38] : memref<10240x64xf32, #tpu.memory_space<vmem_shared>> -> memref<10240x64xf32, #tpu.memory_space<vmem_shared>>
      tpu.enqueue_indirect_dma source(%dma_start3A_39 : memref<10240x64xf32, #tpu.memory_space<vmem_shared>>) target(%arg7 : memref<128x64xf32, #tpu.memory_space<vmem>>) offsets(%dma_start3A_36 : memref<128xi32, #tpu.memory_space<vmem>>) semaphore(%arg12 : memref<!tpu.dma_semaphore, #tpu.memory_space<semaphore_mem>>)
      %scan3A_40 = arith.constant 0 : i32
      %scan3A_41 = arith.constant 40 : i32
      %scan3A_42 = arith.addi %scan3A_40, %scan3A_41 : i32
      %scan3A_43 = arith.constant 1 : i32
      scf.for %scan3A_51 = %scan3A_40 to %scan3A_42 step %scan3A_43  : i32 {
        %mul3A_52 = arith.constant 2 : i32
        %mul3A_53 = arith.muli %scan3A_51, %mul3A_52 : i32
        %add3A = arith.constant 1 : i32
        %add3A_54 = arith.addi %mul3A_53, %add3A : i32
        %dma_start3A_55 = arith.constant 0 : i32
        %dma_start3A_56 = tpu.memref_slice %arg5[%add3A_54, %dma_start3A_55] : memref<80x128xi32, #tpu.memory_space<vmem>> -> memref<1x128xi32, #tpu.memory_space<vmem>>
        %dma_start3A_57 = tpu.memref_squeeze %dma_start3A_56 : memref<1x128xi32, #tpu.memory_space<vmem>> -> memref<128xi32, #tpu.memory_space<vmem>>
        %dma_start3A_58 = arith.constant 0 : i32
        %dma_start3A_59 = arith.constant 0 : i32
        %dma_start3A_60 = tpu.memref_slice %arg11[%dma_start3A_58, %dma_start3A_59] : memref<10240x64xf32, #tpu.memory_space<vmem_shared>> -> memref<10240x64xf32, #tpu.memory_space<vmem_shared>>
        tpu.enqueue_indirect_dma source(%dma_start3A_60 : memref<10240x64xf32, #tpu.memory_space<vmem_shared>>) target(%arg8 : memref<128x64xf32, #tpu.memory_space<vmem>>) offsets(%dma_start3A_57 : memref<128xi32, #tpu.memory_space<vmem>>) semaphore(%arg13 : memref<!tpu.dma_semaphore, #tpu.memory_space<semaphore_mem>>)
        %dma_wait3A_61 = arith.constant 0 : i32
        %dma_wait3A_62 = tpu.memref_slice %arg5[%mul3A_53, %dma_wait3A_61] : memref<80x128xi32, #tpu.memory_space<vmem>> -> memref<1x128xi32, #tpu.memory_space<vmem>>
        %dma_wait3A_63 = tpu.memref_squeeze %dma_wait3A_62 : memref<1x128xi32, #tpu.memory_space<vmem>> -> memref<128xi32, #tpu.memory_space<vmem>>
        %dma_wait3A_64 = arith.constant 0 : i32
        %dma_wait3A_65 = arith.constant 0 : i32
        %dma_wait3A_66 = tpu.memref_slice %arg11[%dma_wait3A_64, %dma_wait3A_65] : memref<10240x64xf32, #tpu.memory_space<vmem_shared>> -> memref<10240x64xf32, #tpu.memory_space<vmem_shared>>
        tpu.wait_indirect_dma semaphore(%arg12 : memref<!tpu.dma_semaphore, #tpu.memory_space<semaphore_mem>>) src(%dma_wait3A_66 : memref<10240x64xf32, #tpu.memory_space<vmem_shared>>) dst(%arg7 : memref<128x64xf32, #tpu.memory_space<vmem>>)
        "tpu.region"() ({
          %run_scoped3A = tpu.sem_alloc : memref<!tpu.dma_semaphore, #tpu.memory_space<semaphore_mem>>
          %dma_start3A_86 = arith.constant 0 : i32
          %dma_start3A_87 = tpu.memref_slice %arg6[%mul3A_53, %dma_start3A_86] : memref<80x128xi32, #tpu.memory_space<vmem>> -> memref<1x128xi32, #tpu.memory_space<vmem>>
          %dma_start3A_88 = tpu.memref_squeeze %dma_start3A_87 : memref<1x128xi32, #tpu.memory_space<vmem>> -> memref<128xi32, #tpu.memory_space<vmem>>
          %dma_start3A_89 = arith.constant 0 : i32
          %dma_start3A_90 = arith.constant 0 : i32
          %dma_start3A_91 = tpu.memref_slice %arg10[%dma_start3A_89, %dma_start3A_90] : memref<10240x64xf32, #tpu.memory_space<vmem_shared>> -> memref<10240x64xf32, #tpu.memory_space<vmem_shared>>
          tpu.enqueue_indirect_dma source(%arg7 : memref<128x64xf32, #tpu.memory_space<vmem>>) target(%dma_start3A_91 : memref<10240x64xf32, #tpu.memory_space<vmem_shared>>) offsets(%dma_start3A_88 : memref<128xi32, #tpu.memory_space<vmem>>) semaphore(%run_scoped3A : memref<!tpu.dma_semaphore, #tpu.memory_space<semaphore_mem>>) {add = true}
          %dma_wait3A_92 = arith.constant 0 : i32
          %dma_wait3A_93 = tpu.memref_slice %arg6[%mul3A_53, %dma_wait3A_92] : memref<80x128xi32, #tpu.memory_space<vmem>> -> memref<1x128xi32, #tpu.memory_space<vmem>>
          %dma_wait3A_94 = tpu.memref_squeeze %dma_wait3A_93 : memref<1x128xi32, #tpu.memory_space<vmem>> -> memref<128xi32, #tpu.memory_space<vmem>>
          %dma_wait3A_95 = arith.constant 0 : i32
          %dma_wait3A_96 = arith.constant 0 : i32
          %dma_wait3A_97 = tpu.memref_slice %arg10[%dma_wait3A_95, %dma_wait3A_96] : memref<10240x64xf32, #tpu.memory_space<vmem_shared>> -> memref<10240x64xf32, #tpu.memory_space<vmem_shared>>
          tpu.wait_indirect_dma semaphore(%run_scoped3A : memref<!tpu.dma_semaphore, #tpu.memory_space<semaphore_mem>>) src(%arg7 : memref<128x64xf32, #tpu.memory_space<vmem>>) dst(%dma_wait3A_97 : memref<10240x64xf32, #tpu.memory_space<vmem_shared>>)
          tpu.yield
        }) : () -> ()
        %add3A_67 = arith.constant 2 : i32
        %add3A_68 = arith.addi %mul3A_53, %add3A_67 : i32
        %min3A = arith.constant 79 : i32
        %min3A_69 = arith.minsi %add3A_68, %min3A : i32
        %dma_start3A_70 = arith.constant 0 : i32
        %dma_start3A_71 = tpu.memref_slice %arg5[%min3A_69, %dma_start3A_70] : memref<80x128xi32, #tpu.memory_space<vmem>> -> memref<1x128xi32, #tpu.memory_space<vmem>>
        %dma_start3A_72 = tpu.memref_squeeze %dma_start3A_71 : memref<1x128xi32, #tpu.memory_space<vmem>> -> memref<128xi32, #tpu.memory_space<vmem>>
        %dma_start3A_73 = arith.constant 0 : i32
        %dma_start3A_74 = arith.constant 0 : i32
        %dma_start3A_75 = tpu.memref_slice %arg11[%dma_start3A_73, %dma_start3A_74] : memref<10240x64xf32, #tpu.memory_space<vmem_shared>> -> memref<10240x64xf32, #tpu.memory_space<vmem_shared>>
        tpu.enqueue_indirect_dma source(%dma_start3A_75 : memref<10240x64xf32, #tpu.memory_space<vmem_shared>>) target(%arg7 : memref<128x64xf32, #tpu.memory_space<vmem>>) offsets(%dma_start3A_72 : memref<128xi32, #tpu.memory_space<vmem>>) semaphore(%arg12 : memref<!tpu.dma_semaphore, #tpu.memory_space<semaphore_mem>>)
        %add3A_76 = arith.constant 1 : i32
        %add3A_77 = arith.addi %mul3A_53, %add3A_76 : i32
        %dma_wait3A_78 = arith.constant 0 : i32
        %dma_wait3A_79 = tpu.memref_slice %arg5[%add3A_77, %dma_wait3A_78] : memref<80x128xi32, #tpu.memory_space<vmem>> -> memref<1x128xi32, #tpu.memory_space<vmem>>
        %dma_wait3A_80 = tpu.memref_squeeze %dma_wait3A_79 : memref<1x128xi32, #tpu.memory_space<vmem>> -> memref<128xi32, #tpu.memory_space<vmem>>
        %dma_wait3A_81 = arith.constant 0 : i32
        %dma_wait3A_82 = arith.constant 0 : i32
        %dma_wait3A_83 = tpu.memref_slice %arg11[%dma_wait3A_81, %dma_wait3A_82] : memref<10240x64xf32, #tpu.memory_space<vmem_shared>> -> memref<10240x64xf32, #tpu.memory_space<vmem_shared>>
        tpu.wait_indirect_dma semaphore(%arg13 : memref<!tpu.dma_semaphore, #tpu.memory_space<semaphore_mem>>) src(%dma_wait3A_83 : memref<10240x64xf32, #tpu.memory_space<vmem_shared>>) dst(%arg8 : memref<128x64xf32, #tpu.memory_space<vmem>>)
        %add3A_84 = arith.constant 1 : i32
        %add3A_85 = arith.addi %mul3A_53, %add3A_84 : i32
        "tpu.region"() ({
          %run_scoped3A = tpu.sem_alloc : memref<!tpu.dma_semaphore, #tpu.memory_space<semaphore_mem>>
          %dma_start3A_86 = arith.constant 0 : i32
          %dma_start3A_87 = tpu.memref_slice %arg6[%add3A_85, %dma_start3A_86] : memref<80x128xi32, #tpu.memory_space<vmem>> -> memref<1x128xi32, #tpu.memory_space<vmem>>
          %dma_start3A_88 = tpu.memref_squeeze %dma_start3A_87 : memref<1x128xi32, #tpu.memory_space<vmem>> -> memref<128xi32, #tpu.memory_space<vmem>>
          %dma_start3A_89 = arith.constant 0 : i32
          %dma_start3A_90 = arith.constant 0 : i32
          %dma_start3A_91 = tpu.memref_slice %arg10[%dma_start3A_89, %dma_start3A_90] : memref<10240x64xf32, #tpu.memory_space<vmem_shared>> -> memref<10240x64xf32, #tpu.memory_space<vmem_shared>>
          tpu.enqueue_indirect_dma source(%arg8 : memref<128x64xf32, #tpu.memory_space<vmem>>) target(%dma_start3A_91 : memref<10240x64xf32, #tpu.memory_space<vmem_shared>>) offsets(%dma_start3A_88 : memref<128xi32, #tpu.memory_space<vmem>>) semaphore(%run_scoped3A : memref<!tpu.dma_semaphore, #tpu.memory_space<semaphore_mem>>) {add = true}
          %dma_wait3A_92 = arith.constant 0 : i32
          %dma_wait3A_93 = tpu.memref_slice %arg6[%add3A_85, %dma_wait3A_92] : memref<80x128xi32, #tpu.memory_space<vmem>> -> memref<1x128xi32, #tpu.memory_space<vmem>>
          %dma_wait3A_94 = tpu.memref_squeeze %dma_wait3A_93 : memref<1x128xi32, #tpu.memory_space<vmem>> -> memref<128xi32, #tpu.memory_space<vmem>>
          %dma_wait3A_95 = arith.constant 0 : i32
          %dma_wait3A_96 = arith.constant 0 : i32
          %dma_wait3A_97 = tpu.memref_slice %arg10[%dma_wait3A_95, %dma_wait3A_96] : memref<10240x64xf32, #tpu.memory_space<vmem_shared>> -> memref<10240x64xf32, #tpu.memory_space<vmem_shared>>
          tpu.wait_indirect_dma semaphore(%run_scoped3A : memref<!tpu.dma_semaphore, #tpu.memory_space<semaphore_mem>>) src(%arg8 : memref<128x64xf32, #tpu.memory_space<vmem>>) dst(%dma_wait3A_97 : memref<10240x64xf32, #tpu.memory_space<vmem_shared>>)
          tpu.yield
        }) : () -> ()
      }
      %scan3A_44 = arith.constant 40 : i32
      %dma_wait3A = arith.constant 0 : i32
      %dma_wait3A_45 = arith.constant 0 : i32
      %dma_wait3A_46 = tpu.memref_slice %arg5[%dma_wait3A, %dma_wait3A_45] : memref<80x128xi32, #tpu.memory_space<vmem>> -> memref<1x128xi32, #tpu.memory_space<vmem>>
      %dma_wait3A_47 = tpu.memref_squeeze %dma_wait3A_46 : memref<1x128xi32, #tpu.memory_space<vmem>> -> memref<128xi32, #tpu.memory_space<vmem>>
      %dma_wait3A_48 = arith.constant 0 : i32
      %dma_wait3A_49 = arith.constant 0 : i32
      %dma_wait3A_50 = tpu.memref_slice %arg11[%dma_wait3A_48, %dma_wait3A_49] : memref<10240x64xf32, #tpu.memory_space<vmem_shared>> -> memref<10240x64xf32, #tpu.memory_space<vmem_shared>>
      tpu.wait_indirect_dma semaphore(%arg12 : memref<!tpu.dma_semaphore, #tpu.memory_space<semaphore_mem>>) src(%dma_wait3A_50 : memref<10240x64xf32, #tpu.memory_space<vmem_shared>>) dst(%arg7 : memref<128x64xf32, #tpu.memory_space<vmem>>)
    } else {
    }
    %eq3A_24 = arith.constant 1 : i32
    %eq3A_25 = arith.cmpi eq, %arg0, %eq3A_24 : i32
    %convert_element_type3A_26 = arith.extui %eq3A_25 : i1 to i32
    %cond3A_27 = arith.constant 0 : i32
    %cond3A_28 = arith.cmpi ne, %convert_element_type3A_26, %cond3A_27 : i32
    scf.if %cond3A_28 {
      %dma_start3A = arith.constant 0 : i32
      %dma_start3A_34 = arith.constant 0 : i32
      %dma_start3A_35 = tpu.memref_slice %arg5[%dma_start3A, %dma_start3A_34] : memref<80x128xi32, #tpu.memory_space<vmem>> -> memref<1x128xi32, #tpu.memory_space<vmem>>
      %dma_start3A_36 = tpu.memref_squeeze %dma_start3A_35 : memref<1x128xi32, #tpu.memory_space<vmem>> -> memref<128xi32, #tpu.memory_space<vmem>>
      %dma_start3A_37 = arith.constant 0 : i32
      %dma_start3A_38 = arith.constant 0 : i32
      %dma_start3A_39 = tpu.memref_slice %arg11[%dma_start3A_37, %dma_start3A_38] : memref<10240x64xf32, #tpu.memory_space<vmem_shared>> -> memref<10240x64xf32, #tpu.memory_space<vmem_shared>>
      tpu.enqueue_indirect_dma source(%dma_start3A_39 : memref<10240x64xf32, #tpu.memory_space<vmem_shared>>) target(%arg7 : memref<128x64xf32, #tpu.memory_space<vmem>>) offsets(%dma_start3A_36 : memref<128xi32, #tpu.memory_space<vmem>>) semaphore(%arg12 : memref<!tpu.dma_semaphore, #tpu.memory_space<semaphore_mem>>)
      %scan3A_40 = arith.constant 0 : i32
      %scan3A_41 = arith.constant 40 : i32
      %scan3A_42 = arith.addi %scan3A_40, %scan3A_41 : i32
      %scan3A_43 = arith.constant 1 : i32
      scf.for %scan3A_51 = %scan3A_40 to %scan3A_42 step %scan3A_43  : i32 {
        %mul3A_52 = arith.constant 2 : i32
        %mul3A_53 = arith.muli %scan3A_51, %mul3A_52 : i32
        %add3A = arith.constant 1 : i32
        %add3A_54 = arith.addi %mul3A_53, %add3A : i32
        %dma_start3A_55 = arith.constant 0 : i32
        %dma_start3A_56 = tpu.memref_slice %arg5[%add3A_54, %dma_start3A_55] : memref<80x128xi32, #tpu.memory_space<vmem>> -> memref<1x128xi32, #tpu.memory_space<vmem>>
        %dma_start3A_57 = tpu.memref_squeeze %dma_start3A_56 : memref<1x128xi32, #tpu.memory_space<vmem>> -> memref<128xi32, #tpu.memory_space<vmem>>
        %dma_start3A_58 = arith.constant 0 : i32
        %dma_start3A_59 = arith.constant 0 : i32
        %dma_start3A_60 = tpu.memref_slice %arg11[%dma_start3A_58, %dma_start3A_59] : memref<10240x64xf32, #tpu.memory_space<vmem_shared>> -> memref<10240x64xf32, #tpu.memory_space<vmem_shared>>
        tpu.enqueue_indirect_dma source(%dma_start3A_60 : memref<10240x64xf32, #tpu.memory_space<vmem_shared>>) target(%arg8 : memref<128x64xf32, #tpu.memory_space<vmem>>) offsets(%dma_start3A_57 : memref<128xi32, #tpu.memory_space<vmem>>) semaphore(%arg13 : memref<!tpu.dma_semaphore, #tpu.memory_space<semaphore_mem>>)
        %dma_wait3A_61 = arith.constant 0 : i32
        %dma_wait3A_62 = tpu.memref_slice %arg5[%mul3A_53, %dma_wait3A_61] : memref<80x128xi32, #tpu.memory_space<vmem>> -> memref<1x128xi32, #tpu.memory_space<vmem>>
        %dma_wait3A_63 = tpu.memref_squeeze %dma_wait3A_62 : memref<1x128xi32, #tpu.memory_space<vmem>> -> memref<128xi32, #tpu.memory_space<vmem>>
        %dma_wait3A_64 = arith.constant 0 : i32
        %dma_wait3A_65 = arith.constant 0 : i32
        %dma_wait3A_66 = tpu.memref_slice %arg11[%dma_wait3A_64, %dma_wait3A_65] : memref<10240x64xf32, #tpu.memory_space<vmem_shared>> -> memref<10240x64xf32, #tpu.memory_space<vmem_shared>>
        tpu.wait_indirect_dma semaphore(%arg12 : memref<!tpu.dma_semaphore, #tpu.memory_space<semaphore_mem>>) src(%dma_wait3A_66 : memref<10240x64xf32, #tpu.memory_space<vmem_shared>>) dst(%arg7 : memref<128x64xf32, #tpu.memory_space<vmem>>)
        "tpu.region"() ({
          %run_scoped3A = tpu.sem_alloc : memref<!tpu.dma_semaphore, #tpu.memory_space<semaphore_mem>>
          %dma_start3A_86 = arith.constant 0 : i32
          %dma_start3A_87 = tpu.memref_slice %arg6[%mul3A_53, %dma_start3A_86] : memref<80x128xi32, #tpu.memory_space<vmem>> -> memref<1x128xi32, #tpu.memory_space<vmem>>
          %dma_start3A_88 = tpu.memref_squeeze %dma_start3A_87 : memref<1x128xi32, #tpu.memory_space<vmem>> -> memref<128xi32, #tpu.memory_space<vmem>>
          %dma_start3A_89 = arith.constant 0 : i32
          %dma_start3A_90 = arith.constant 0 : i32
          %dma_start3A_91 = tpu.memref_slice %arg10[%dma_start3A_89, %dma_start3A_90] : memref<10240x64xf32, #tpu.memory_space<vmem_shared>> -> memref<10240x64xf32, #tpu.memory_space<vmem_shared>>
          tpu.enqueue_indirect_dma source(%arg7 : memref<128x64xf32, #tpu.memory_space<vmem>>) target(%dma_start3A_91 : memref<10240x64xf32, #tpu.memory_space<vmem_shared>>) offsets(%dma_start3A_88 : memref<128xi32, #tpu.memory_space<vmem>>) semaphore(%run_scoped3A : memref<!tpu.dma_semaphore, #tpu.memory_space<semaphore_mem>>) {add = true}
          %dma_wait3A_92 = arith.constant 0 : i32
          %dma_wait3A_93 = tpu.memref_slice %arg6[%mul3A_53, %dma_wait3A_92] : memref<80x128xi32, #tpu.memory_space<vmem>> -> memref<1x128xi32, #tpu.memory_space<vmem>>
          %dma_wait3A_94 = tpu.memref_squeeze %dma_wait3A_93 : memref<1x128xi32, #tpu.memory_space<vmem>> -> memref<128xi32, #tpu.memory_space<vmem>>
          %dma_wait3A_95 = arith.constant 0 : i32
          %dma_wait3A_96 = arith.constant 0 : i32
          %dma_wait3A_97 = tpu.memref_slice %arg10[%dma_wait3A_95, %dma_wait3A_96] : memref<10240x64xf32, #tpu.memory_space<vmem_shared>> -> memref<10240x64xf32, #tpu.memory_space<vmem_shared>>
          tpu.wait_indirect_dma semaphore(%run_scoped3A : memref<!tpu.dma_semaphore, #tpu.memory_space<semaphore_mem>>) src(%arg7 : memref<128x64xf32, #tpu.memory_space<vmem>>) dst(%dma_wait3A_97 : memref<10240x64xf32, #tpu.memory_space<vmem_shared>>)
          tpu.yield
        }) : () -> ()
        %add3A_67 = arith.constant 2 : i32
        %add3A_68 = arith.addi %mul3A_53, %add3A_67 : i32
        %min3A = arith.constant 79 : i32
        %min3A_69 = arith.minsi %add3A_68, %min3A : i32
        %dma_start3A_70 = arith.constant 0 : i32
        %dma_start3A_71 = tpu.memref_slice %arg5[%min3A_69, %dma_start3A_70] : memref<80x128xi32, #tpu.memory_space<vmem>> -> memref<1x128xi32, #tpu.memory_space<vmem>>
        %dma_start3A_72 = tpu.memref_squeeze %dma_start3A_71 : memref<1x128xi32, #tpu.memory_space<vmem>> -> memref<128xi32, #tpu.memory_space<vmem>>
        %dma_start3A_73 = arith.constant 0 : i32
        %dma_start3A_74 = arith.constant 0 : i32
        %dma_start3A_75 = tpu.memref_slice %arg11[%dma_start3A_73, %dma_start3A_74] : memref<10240x64xf32, #tpu.memory_space<vmem_shared>> -> memref<10240x64xf32, #tpu.memory_space<vmem_shared>>
        tpu.enqueue_indirect_dma source(%dma_start3A_75 : memref<10240x64xf32, #tpu.memory_space<vmem_shared>>) target(%arg7 : memref<128x64xf32, #tpu.memory_space<vmem>>) offsets(%dma_start3A_72 : memref<128xi32, #tpu.memory_space<vmem>>) semaphore(%arg12 : memref<!tpu.dma_semaphore, #tpu.memory_space<semaphore_mem>>)
        %add3A_76 = arith.constant 1 : i32
        %add3A_77 = arith.addi %mul3A_53, %add3A_76 : i32
        %dma_wait3A_78 = arith.constant 0 : i32
        %dma_wait3A_79 = tpu.memref_slice %arg5[%add3A_77, %dma_wait3A_78] : memref<80x128xi32, #tpu.memory_space<vmem>> -> memref<1x128xi32, #tpu.memory_space<vmem>>
        %dma_wait3A_80 = tpu.memref_squeeze %dma_wait3A_79 : memref<1x128xi32, #tpu.memory_space<vmem>> -> memref<128xi32, #tpu.memory_space<vmem>>
        %dma_wait3A_81 = arith.constant 0 : i32
        %dma_wait3A_82 = arith.constant 0 : i32
        %dma_wait3A_83 = tpu.memref_slice %arg11[%dma_wait3A_81, %dma_wait3A_82] : memref<10240x64xf32, #tpu.memory_space<vmem_shared>> -> memref<10240x64xf32, #tpu.memory_space<vmem_shared>>
        tpu.wait_indirect_dma semaphore(%arg13 : memref<!tpu.dma_semaphore, #tpu.memory_space<semaphore_mem>>) src(%dma_wait3A_83 : memref<10240x64xf32, #tpu.memory_space<vmem_shared>>) dst(%arg8 : memref<128x64xf32, #tpu.memory_space<vmem>>)
        %add3A_84 = arith.constant 1 : i32
        %add3A_85 = arith.addi %mul3A_53, %add3A_84 : i32
        "tpu.region"() ({
          %run_scoped3A = tpu.sem_alloc : memref<!tpu.dma_semaphore, #tpu.memory_space<semaphore_mem>>
          %dma_start3A_86 = arith.constant 0 : i32
          %dma_start3A_87 = tpu.memref_slice %arg6[%add3A_85, %dma_start3A_86] : memref<80x128xi32, #tpu.memory_space<vmem>> -> memref<1x128xi32, #tpu.memory_space<vmem>>
          %dma_start3A_88 = tpu.memref_squeeze %dma_start3A_87 : memref<1x128xi32, #tpu.memory_space<vmem>> -> memref<128xi32, #tpu.memory_space<vmem>>
          %dma_start3A_89 = arith.constant 0 : i32
          %dma_start3A_90 = arith.constant 0 : i32
          %dma_start3A_91 = tpu.memref_slice %arg10[%dma_start3A_89, %dma_start3A_90] : memref<10240x64xf32, #tpu.memory_space<vmem_shared>> -> memref<10240x64xf32, #tpu.memory_space<vmem_shared>>
          tpu.enqueue_indirect_dma source(%arg8 : memref<128x64xf32, #tpu.memory_space<vmem>>) target(%dma_start3A_91 : memref<10240x64xf32, #tpu.memory_space<vmem_shared>>) offsets(%dma_start3A_88 : memref<128xi32, #tpu.memory_space<vmem>>) semaphore(%run_scoped3A : memref<!tpu.dma_semaphore, #tpu.memory_space<semaphore_mem>>) {add = true}
          %dma_wait3A_92 = arith.constant 0 : i32
          %dma_wait3A_93 = tpu.memref_slice %arg6[%add3A_85, %dma_wait3A_92] : memref<80x128xi32, #tpu.memory_space<vmem>> -> memref<1x128xi32, #tpu.memory_space<vmem>>
          %dma_wait3A_94 = tpu.memref_squeeze %dma_wait3A_93 : memref<1x128xi32, #tpu.memory_space<vmem>> -> memref<128xi32, #tpu.memory_space<vmem>>
          %dma_wait3A_95 = arith.constant 0 : i32
          %dma_wait3A_96 = arith.constant 0 : i32
          %dma_wait3A_97 = tpu.memref_slice %arg10[%dma_wait3A_95, %dma_wait3A_96] : memref<10240x64xf32, #tpu.memory_space<vmem_shared>> -> memref<10240x64xf32, #tpu.memory_space<vmem_shared>>
          tpu.wait_indirect_dma semaphore(%run_scoped3A : memref<!tpu.dma_semaphore, #tpu.memory_space<semaphore_mem>>) src(%arg8 : memref<128x64xf32, #tpu.memory_space<vmem>>) dst(%dma_wait3A_97 : memref<10240x64xf32, #tpu.memory_space<vmem_shared>>)
          tpu.yield
        }) : () -> ()
      }
      %scan3A_44 = arith.constant 40 : i32
      %dma_wait3A = arith.constant 0 : i32
      %dma_wait3A_45 = arith.constant 0 : i32
      %dma_wait3A_46 = tpu.memref_slice %arg5[%dma_wait3A, %dma_wait3A_45] : memref<80x128xi32, #tpu.memory_space<vmem>> -> memref<1x128xi32, #tpu.memory_space<vmem>>
      %dma_wait3A_47 = tpu.memref_squeeze %dma_wait3A_46 : memref<1x128xi32, #tpu.memory_space<vmem>> -> memref<128xi32, #tpu.memory_space<vmem>>
      %dma_wait3A_48 = arith.constant 0 : i32
      %dma_wait3A_49 = arith.constant 0 : i32
      %dma_wait3A_50 = tpu.memref_slice %arg11[%dma_wait3A_48, %dma_wait3A_49] : memref<10240x64xf32, #tpu.memory_space<vmem_shared>> -> memref<10240x64xf32, #tpu.memory_space<vmem_shared>>
      tpu.wait_indirect_dma semaphore(%arg12 : memref<!tpu.dma_semaphore, #tpu.memory_space<semaphore_mem>>) src(%dma_wait3A_50 : memref<10240x64xf32, #tpu.memory_space<vmem_shared>>) dst(%arg7 : memref<128x64xf32, #tpu.memory_space<vmem>>)
    } else {
    }
    %barrier3A_29 = arith.constant 0 : index
    tpu.barrier barrier_id(%barrier3A_29)
    %mul3A_30 = arith.constant 640 : i32
    %mul3A_31 = arith.muli %arg1, %mul3A_30 : i32
    %mul3A_32 = arith.constant 640 : i32
    %mul3A_33 = arith.muli %arg1, %mul3A_32 : i32
    "tpu.region"() ({
      %run_scoped3A = tpu.sem_alloc : memref<!tpu.dma_semaphore, #tpu.memory_space<semaphore_mem>>
      %dma_start3A = arith.constant 0 : i32
      %dma_start3A_34 = tpu.memref_slice %arg4[%arg0, %mul3A_33, %dma_start3A] : memref<2x10240x64xf32, #tpu.memory_space<hbm>> -> memref<1x640x64xf32, #tpu.memory_space<hbm>>
      %dma_start3A_35 = tpu.memref_squeeze %dma_start3A_34 : memref<1x640x64xf32, #tpu.memory_space<hbm>> -> memref<640x64xf32, #tpu.memory_space<hbm>>
      %dma_start3A_36 = arith.constant 0 : i32
      %dma_start3A_37 = tpu.memref_slice %arg10[%mul3A_31, %dma_start3A_36] : memref<10240x64xf32, #tpu.memory_space<vmem_shared>> -> memref<640x64xf32, #tpu.memory_space<vmem_shared>>
      tpu.enqueue_dma source(%dma_start3A_37 : memref<640x64xf32, #tpu.memory_space<vmem_shared>>) target(%dma_start3A_35 : memref<640x64xf32, #tpu.memory_space<hbm>>) target_semaphore(%run_scoped3A : memref<!tpu.dma_semaphore, #tpu.memory_space<semaphore_mem>>)
      %dma_wait3A = arith.constant 0 : i32
      %dma_wait3A_38 = tpu.memref_slice %arg4[%arg0, %mul3A_33, %dma_wait3A] : memref<2x10240x64xf32, #tpu.memory_space<hbm>> -> memref<1x640x64xf32, #tpu.memory_space<hbm>>
      %dma_wait3A_39 = tpu.memref_squeeze %dma_wait3A_38 : memref<1x640x64xf32, #tpu.memory_space<hbm>> -> memref<640x64xf32, #tpu.memory_space<hbm>>
      %dma_wait3A_40 = arith.constant 0 : i32
      %dma_wait3A_41 = tpu.memref_slice %arg10[%mul3A_31, %dma_wait3A_40] : memref<10240x64xf32, #tpu.memory_space<vmem_shared>> -> memref<640x64xf32, #tpu.memory_space<vmem_shared>>
      tpu.wait_dma2 semaphore(%run_scoped3A : memref<!tpu.dma_semaphore, #tpu.memory_space<semaphore_mem>>) src(%dma_wait3A_41 : memref<640x64xf32, #tpu.memory_space<vmem_shared>>) dst(%dma_wait3A_39 : memref<640x64xf32, #tpu.memory_space<hbm>>)
      tpu.yield
    }) : () -> ()
    return
  }
}

#map = affine_map<(d0, d1) -> (0, 0)>
#map1 = affine_map<(d0, d1) -> (0, 0, 0)>
module attributes {stable_mosaic.version = 14 : i64} {
  func.func @body(%arg0: i32, %arg1: i32, %arg2: memref<10240x16xf32, #tpu.memory_space<hbm>>, %arg3: memref<2x2560x128xi32, #tpu.memory_space<hbm>>, %arg4: memref<2x10240x16xf32, #tpu.memory_space<hbm>>, %arg5: memref<88x128xi32, #tpu.memory_space<vmem>>, %arg6: memref<88x128xi32, #tpu.memory_space<vmem>>, %arg7: memref<128x16xf32, #tpu.memory_space<vmem>>, %arg8: memref<128x16xf32, #tpu.memory_space<vmem>>, %arg9: memref<64x16xf32, #tpu.memory_space<vmem>>, %arg10: memref<10240x16xf32, #tpu.memory_space<vmem_shared>>, %arg11: memref<10240x16xf32, #tpu.memory_space<vmem_shared>>, %arg12: memref<!tpu.dma_semaphore, #tpu.memory_space<semaphore_mem>>, %arg13: memref<!tpu.dma_semaphore, #tpu.memory_space<semaphore_mem>>, %arg14: memref<!tpu.dma_semaphore, #tpu.memory_space<semaphore_mem>>, %arg15: memref<!tpu.dma_semaphore, #tpu.memory_space<semaphore_mem>>) attributes {dimension_semantics = [#tpu.dimension_semantics<core_parallel>, #tpu.dimension_semantics<subcore_parallel>], iteration_bounds = array<i64: 2, 16>, scalar_prefetch = 0 : i64, scratch_operands = 11 : i64, tpu.core_type = #tpu.core_type<sc_vector_subcore>, window_params = [{transform_indices = #map}, {transform_indices = #map1}, {transform_indices = #map1}]} {
    %mul3A = arith.constant 640 : i32
    %mul3A_0 = arith.muli %arg1, %mul3A : i32
    %mul3A_1 = arith.constant 640 : i32
    %mul3A_2 = arith.muli %arg1, %mul3A_1 : i32
    "tpu.region"() ({
      %run_scoped3A = tpu.sem_alloc : memref<!tpu.dma_semaphore, #tpu.memory_space<semaphore_mem>>
      %dma_start3A = arith.constant 0 : i32
      %dma_start3A_34 = tpu.memref_slice %arg11[%mul3A_2, %dma_start3A] : memref<10240x16xf32, #tpu.memory_space<vmem_shared>> -> memref<640x16xf32, #tpu.memory_space<vmem_shared>>
      %dma_start3A_35 = arith.constant 0 : i32
      %dma_start3A_36 = tpu.memref_slice %arg2[%mul3A_0, %dma_start3A_35] : memref<10240x16xf32, #tpu.memory_space<hbm>> -> memref<640x16xf32, #tpu.memory_space<hbm>>
      tpu.enqueue_dma source(%dma_start3A_36 : memref<640x16xf32, #tpu.memory_space<hbm>>) target(%dma_start3A_34 : memref<640x16xf32, #tpu.memory_space<vmem_shared>>) target_semaphore(%run_scoped3A : memref<!tpu.dma_semaphore, #tpu.memory_space<semaphore_mem>>)
      %dma_wait3A = arith.constant 0 : i32
      %dma_wait3A_37 = tpu.memref_slice %arg11[%mul3A_2, %dma_wait3A] : memref<10240x16xf32, #tpu.memory_space<vmem_shared>> -> memref<640x16xf32, #tpu.memory_space<vmem_shared>>
      %dma_wait3A_38 = arith.constant 0 : i32
      %dma_wait3A_39 = tpu.memref_slice %arg2[%mul3A_0, %dma_wait3A_38] : memref<10240x16xf32, #tpu.memory_space<hbm>> -> memref<640x16xf32, #tpu.memory_space<hbm>>
      tpu.wait_dma2 semaphore(%run_scoped3A : memref<!tpu.dma_semaphore, #tpu.memory_space<semaphore_mem>>) src(%dma_wait3A_39 : memref<640x16xf32, #tpu.memory_space<hbm>>) dst(%dma_wait3A_37 : memref<640x16xf32, #tpu.memory_space<vmem_shared>>)
      tpu.yield
    }) : () -> ()
    %scan3A = arith.constant 0 : i32
    %scan3A_3 = arith.constant 64 : i32
    %scan3A_4 = arith.addi %scan3A, %scan3A_3 : i32
    %scan3A_5 = arith.constant 1 : i32
    scf.for %scan3A_34 = %scan3A to %scan3A_4 step %scan3A_5  : i32 {
      %broadcast_in_dim3A = arith.constant 0.000000e+00 : f32
      %broadcast_in_dim3A_35 = vector.broadcast %broadcast_in_dim3A : f32 to vector<16xf32>
      %jit3A = arith.constant 1 : i32
      %div3A = arith.divsi %scan3A_34, %jit3A : i32
      %sign3A = arith.constant 0 : i32
      %sign3A_36 = arith.cmpi sgt, %scan3A_34, %sign3A : i32
      %sign3A_37 = arith.extui %sign3A_36 : i1 to i32
      %sign3A_38 = arith.constant 0 : i32
      %sign3A_39 = arith.cmpi slt, %scan3A_34, %sign3A_38 : i32
      %sign3A_40 = arith.extui %sign3A_39 : i1 to i32
      %sign3A_41 = arith.subi %sign3A_37, %sign3A_40 : i32
      %sign3A_42 = arith.constant 0 : i32
      %sign3A_43 = arith.cmpi sgt, %jit3A, %sign3A_42 : i32
      %sign3A_44 = arith.extui %sign3A_43 : i1 to i32
      %sign3A_45 = arith.constant 0 : i32
      %sign3A_46 = arith.cmpi slt, %jit3A, %sign3A_45 : i32
      %sign3A_47 = arith.extui %sign3A_46 : i1 to i32
      %sign3A_48 = arith.subi %sign3A_44, %sign3A_47 : i32
      %ne3A = arith.cmpi ne, %sign3A_41, %sign3A_48 : i32
      %rem3A = arith.remsi %scan3A_34, %jit3A : i32
      %ne3A_49 = arith.constant 0 : i32
      %ne3A_50 = arith.cmpi ne, %rem3A, %ne3A_49 : i32
      %and3A = arith.andi %ne3A, %ne3A_50 : i1
      %sub3A = arith.constant 1 : i32
      %sub3A_51 = arith.subi %div3A, %sub3A : i32
      %select_n3A = arith.select %and3A, %sub3A_51, %div3A : i32
      %jit3A_52 = arith.constant 1 : i32
      %eq3A_53 = arith.constant 0 : i32
      %eq3A_54 = arith.cmpi eq, %jit3A_52, %eq3A_53 : i32
      %jit3A_55 = arith.constant 1 : i32
      %select_n3A_56 = arith.select %eq3A_54, %jit3A_55, %jit3A_52 : i32
      %rem3A_57 = arith.remsi %scan3A_34, %select_n3A_56 : i32
      %ne3A_58 = arith.constant 0 : i32
      %ne3A_59 = arith.cmpi ne, %rem3A_57, %ne3A_58 : i32
      %lt3A = arith.constant 0 : i32
      %lt3A_60 = arith.cmpi slt, %rem3A_57, %lt3A : i32
      %lt3A_61 = arith.constant 0 : i32
      %lt3A_62 = arith.cmpi slt, %select_n3A_56, %lt3A_61 : i32
      %ne3A_63 = arith.xori %lt3A_60, %lt3A_62 : i1
      %and3A_64 = arith.andi %ne3A_63, %ne3A_59 : i1
      %add3A = arith.addi %rem3A_57, %select_n3A_56 : i32
      %select_n3A_65 = arith.select %and3A_64, %add3A, %rem3A_57 : i32
      %mul3A_66 = arith.constant 16 : i32
      %mul3A_67 = arith.muli %select_n3A_65, %mul3A_66 : i32
      %swap3A = arith.index_cast %select_n3A : i32 to index
      %swap3A_68 = arith.index_cast %mul3A_67 : i32 to index
      %swap3A_69 = tpu.vector_load %arg9[%swap3A, %swap3A_68] {strides = array<i32>} : memref<64x16xf32, #tpu.memory_space<vmem>>, vector<1x16xf32>,
      %swap3A_70 = vector.shape_cast %swap3A_69 : vector<1x16xf32> to vector<16xf32>
      %swap3A_71 = vector.shape_cast %broadcast_in_dim3A_35 : vector<16xf32> to vector<1x16xf32>
      tpu.vector_store %arg9[%swap3A, %swap3A_68], %swap3A_71 {strides = array<i32>} : memref<64x16xf32, #tpu.memory_space<vmem>>, vector<1x16xf32>,
    }
    %scan3A_6 = arith.constant 64 : i32
    %scan3A_7 = arith.constant 0 : i32
    %scan3A_8 = arith.constant 10 : i32
    %scan3A_9 = arith.addi %scan3A_7, %scan3A_8 : i32
    %scan3A_10 = arith.constant 1 : i32
    scf.for %scan3A_34 = %scan3A_7 to %scan3A_9 step %scan3A_10  : i32 {
      %mul3A_35 = arith.constant 640 : i32
      %mul3A_36 = arith.muli %arg1, %mul3A_35 : i32
      %mul3A_37 = arith.constant 64 : i32
      %mul3A_38 = arith.muli %scan3A_34, %mul3A_37 : i32
      %add3A = arith.addi %mul3A_36, %mul3A_38 : i32
      "tpu.region"() ({
        %run_scoped3A = tpu.sem_alloc : memref<!tpu.dma_semaphore, #tpu.memory_space<semaphore_mem>>
        %dma_start3A = arith.constant 0 : i32
        %dma_start3A_39 = tpu.memref_slice %arg10[%add3A, %dma_start3A] : memref<10240x16xf32, #tpu.memory_space<vmem_shared>> -> memref<64x16xf32, #tpu.memory_space<vmem_shared>>
        %dma_start3A_40 = arith.constant 0 : i32
        %dma_start3A_41 = tpu.memref_slice %arg10[%add3A, %dma_start3A_40] : memref<10240x16xf32, #tpu.memory_space<vmem_shared>> -> memref<64x16xf32, #tpu.memory_space<vmem_shared>>
        tpu.enqueue_dma source(%arg9 : memref<64x16xf32, #tpu.memory_space<vmem>>) target(%dma_start3A_41 : memref<64x16xf32, #tpu.memory_space<vmem_shared>>) target_semaphore(%run_scoped3A : memref<!tpu.dma_semaphore, #tpu.memory_space<semaphore_mem>>)
        %dma_wait3A = arith.constant 0 : i32
        %dma_wait3A_42 = tpu.memref_slice %arg10[%add3A, %dma_wait3A] : memref<10240x16xf32, #tpu.memory_space<vmem_shared>> -> memref<64x16xf32, #tpu.memory_space<vmem_shared>>
        %dma_wait3A_43 = arith.constant 0 : i32
        %dma_wait3A_44 = tpu.memref_slice %arg10[%add3A, %dma_wait3A_43] : memref<10240x16xf32, #tpu.memory_space<vmem_shared>> -> memref<64x16xf32, #tpu.memory_space<vmem_shared>>
        tpu.wait_dma2 semaphore(%run_scoped3A : memref<!tpu.dma_semaphore, #tpu.memory_space<semaphore_mem>>) src(%arg9 : memref<64x16xf32, #tpu.memory_space<vmem>>) dst(%dma_wait3A_44 : memref<64x16xf32, #tpu.memory_space<vmem_shared>>)
        tpu.yield
      }) : () -> ()
    }
    %scan3A_11 = arith.constant 10 : i32
    %eq3A = arith.constant 0 : i32
    %eq3A_12 = arith.cmpi eq, %arg0, %eq3A : i32
    %convert_element_type3A = arith.extui %eq3A_12 : i1 to i32
    %cond3A = arith.constant 0 : i32
    %cond3A_13 = arith.cmpi ne, %convert_element_type3A, %cond3A : i32
    scf.if %cond3A_13 {
      %mul3A_34 = arith.constant 88 : i32
      %mul3A_35 = arith.muli %arg1, %mul3A_34 : i32
      %run_scoped3A = arith.constant 0 : i32
      "tpu.region"() ({
        %run_scoped3A_39 = tpu.sem_alloc : memref<!tpu.dma_semaphore, #tpu.memory_space<semaphore_mem>>
        %dma_start3A = arith.constant 0 : i32
        %dma_start3A_40 = arith.constant 0 : i32
        %dma_start3A_41 = tpu.memref_slice %arg5[%dma_start3A, %dma_start3A_40] : memref<88x128xi32, #tpu.memory_space<vmem>> -> memref<88x128xi32, #tpu.memory_space<vmem>>
        %dma_start3A_42 = arith.constant 0 : i32
        %dma_start3A_43 = tpu.memref_slice %arg3[%run_scoped3A, %mul3A_35, %dma_start3A_42] : memref<2x2560x128xi32, #tpu.memory_space<hbm>> -> memref<1x88x128xi32, #tpu.memory_space<hbm>>
        %dma_start3A_44 = tpu.memref_squeeze %dma_start3A_43 : memref<1x88x128xi32, #tpu.memory_space<hbm>> -> memref<88x128xi32, #tpu.memory_space<hbm>>
        %dma_start3A_45 = arith.constant 0 : i32
        %dma_start3A_46 = arith.constant 0 : i32
        %dma_start3A_47 = tpu.memref_slice %arg5[%dma_start3A_45, %dma_start3A_46] : memref<88x128xi32, #tpu.memory_space<vmem>> -> memref<88x128xi32, #tpu.memory_space<vmem>>
        %dma_start3A_48 = arith.constant 0 : i32
        %dma_start3A_49 = tpu.memref_slice %arg3[%run_scoped3A, %mul3A_35, %dma_start3A_48] : memref<2x2560x128xi32, #tpu.memory_space<hbm>> -> memref<1x88x128xi32, #tpu.memory_space<hbm>>
        %dma_start3A_50 = tpu.memref_squeeze %dma_start3A_49 : memref<1x88x128xi32, #tpu.memory_space<hbm>> -> memref<88x128xi32, #tpu.memory_space<hbm>>
        tpu.enqueue_dma source(%dma_start3A_50 : memref<88x128xi32, #tpu.memory_space<hbm>>) target(%dma_start3A_47 : memref<88x128xi32, #tpu.memory_space<vmem>>) target_semaphore(%run_scoped3A_39 : memref<!tpu.dma_semaphore, #tpu.memory_space<semaphore_mem>>)
        %dma_wait3A = arith.constant 0 : i32
        %dma_wait3A_51 = arith.constant 0 : i32
        %dma_wait3A_52 = tpu.memref_slice %arg5[%dma_wait3A, %dma_wait3A_51] : memref<88x128xi32, #tpu.memory_space<vmem>> -> memref<88x128xi32, #tpu.memory_space<vmem>>
        %dma_wait3A_53 = arith.constant 0 : i32
        %dma_wait3A_54 = tpu.memref_slice %arg3[%run_scoped3A, %mul3A_35, %dma_wait3A_53] : memref<2x2560x128xi32, #tpu.memory_space<hbm>> -> memref<1x88x128xi32, #tpu.memory_space<hbm>>
        %dma_wait3A_55 = tpu.memref_squeeze %dma_wait3A_54 : memref<1x88x128xi32, #tpu.memory_space<hbm>> -> memref<88x128xi32, #tpu.memory_space<hbm>>
        %dma_wait3A_56 = arith.constant 0 : i32
        %dma_wait3A_57 = arith.constant 0 : i32
        %dma_wait3A_58 = tpu.memref_slice %arg5[%dma_wait3A_56, %dma_wait3A_57] : memref<88x128xi32, #tpu.memory_space<vmem>> -> memref<88x128xi32, #tpu.memory_space<vmem>>
        %dma_wait3A_59 = arith.constant 0 : i32
        %dma_wait3A_60 = tpu.memref_slice %arg3[%run_scoped3A, %mul3A_35, %dma_wait3A_59] : memref<2x2560x128xi32, #tpu.memory_space<hbm>> -> memref<1x88x128xi32, #tpu.memory_space<hbm>>
        %dma_wait3A_61 = tpu.memref_squeeze %dma_wait3A_60 : memref<1x88x128xi32, #tpu.memory_space<hbm>> -> memref<88x128xi32, #tpu.memory_space<hbm>>
        tpu.wait_dma2 semaphore(%run_scoped3A_39 : memref<!tpu.dma_semaphore, #tpu.memory_space<semaphore_mem>>) src(%dma_wait3A_61 : memref<88x128xi32, #tpu.memory_space<hbm>>) dst(%dma_wait3A_58 : memref<88x128xi32, #tpu.memory_space<vmem>>)
        tpu.yield
      }) : () -> ()
      %mul3A_36 = arith.constant 88 : i32
      %mul3A_37 = arith.muli %arg1, %mul3A_36 : i32
      %run_scoped3A_38 = arith.constant 1 : i32
      "tpu.region"() ({
        %run_scoped3A_39 = tpu.sem_alloc : memref<!tpu.dma_semaphore, #tpu.memory_space<semaphore_mem>>
        %dma_start3A = arith.constant 0 : i32
        %dma_start3A_40 = arith.constant 0 : i32
        %dma_start3A_41 = tpu.memref_slice %arg6[%dma_start3A, %dma_start3A_40] : memref<88x128xi32, #tpu.memory_space<vmem>> -> memref<88x128xi32, #tpu.memory_space<vmem>>
        %dma_start3A_42 = arith.constant 0 : i32
        %dma_start3A_43 = tpu.memref_slice %arg3[%run_scoped3A_38, %mul3A_37, %dma_start3A_42] : memref<2x2560x128xi32, #tpu.memory_space<hbm>> -> memref<1x88x128xi32, #tpu.memory_space<hbm>>
        %dma_start3A_44 = tpu.memref_squeeze %dma_start3A_43 : memref<1x88x128xi32, #tpu.memory_space<hbm>> -> memref<88x128xi32, #tpu.memory_space<hbm>>
        %dma_start3A_45 = arith.constant 0 : i32
        %dma_start3A_46 = arith.constant 0 : i32
        %dma_start3A_47 = tpu.memref_slice %arg6[%dma_start3A_45, %dma_start3A_46] : memref<88x128xi32, #tpu.memory_space<vmem>> -> memref<88x128xi32, #tpu.memory_space<vmem>>
        %dma_start3A_48 = arith.constant 0 : i32
        %dma_start3A_49 = tpu.memref_slice %arg3[%run_scoped3A_38, %mul3A_37, %dma_start3A_48] : memref<2x2560x128xi32, #tpu.memory_space<hbm>> -> memref<1x88x128xi32, #tpu.memory_space<hbm>>
        %dma_start3A_50 = tpu.memref_squeeze %dma_start3A_49 : memref<1x88x128xi32, #tpu.memory_space<hbm>> -> memref<88x128xi32, #tpu.memory_space<hbm>>
        tpu.enqueue_dma source(%dma_start3A_50 : memref<88x128xi32, #tpu.memory_space<hbm>>) target(%dma_start3A_47 : memref<88x128xi32, #tpu.memory_space<vmem>>) target_semaphore(%run_scoped3A_39 : memref<!tpu.dma_semaphore, #tpu.memory_space<semaphore_mem>>)
        %dma_wait3A = arith.constant 0 : i32
        %dma_wait3A_51 = arith.constant 0 : i32
        %dma_wait3A_52 = tpu.memref_slice %arg6[%dma_wait3A, %dma_wait3A_51] : memref<88x128xi32, #tpu.memory_space<vmem>> -> memref<88x128xi32, #tpu.memory_space<vmem>>
        %dma_wait3A_53 = arith.constant 0 : i32
        %dma_wait3A_54 = tpu.memref_slice %arg3[%run_scoped3A_38, %mul3A_37, %dma_wait3A_53] : memref<2x2560x128xi32, #tpu.memory_space<hbm>> -> memref<1x88x128xi32, #tpu.memory_space<hbm>>
        %dma_wait3A_55 = tpu.memref_squeeze %dma_wait3A_54 : memref<1x88x128xi32, #tpu.memory_space<hbm>> -> memref<88x128xi32, #tpu.memory_space<hbm>>
        %dma_wait3A_56 = arith.constant 0 : i32
        %dma_wait3A_57 = arith.constant 0 : i32
        %dma_wait3A_58 = tpu.memref_slice %arg6[%dma_wait3A_56, %dma_wait3A_57] : memref<88x128xi32, #tpu.memory_space<vmem>> -> memref<88x128xi32, #tpu.memory_space<vmem>>
        %dma_wait3A_59 = arith.constant 0 : i32
        %dma_wait3A_60 = tpu.memref_slice %arg3[%run_scoped3A_38, %mul3A_37, %dma_wait3A_59] : memref<2x2560x128xi32, #tpu.memory_space<hbm>> -> memref<1x88x128xi32, #tpu.memory_space<hbm>>
        %dma_wait3A_61 = tpu.memref_squeeze %dma_wait3A_60 : memref<1x88x128xi32, #tpu.memory_space<hbm>> -> memref<88x128xi32, #tpu.memory_space<hbm>>
        tpu.wait_dma2 semaphore(%run_scoped3A_39 : memref<!tpu.dma_semaphore, #tpu.memory_space<semaphore_mem>>) src(%dma_wait3A_61 : memref<88x128xi32, #tpu.memory_space<hbm>>) dst(%dma_wait3A_58 : memref<88x128xi32, #tpu.memory_space<vmem>>)
        tpu.yield
      }) : () -> ()
    } else {
    }
    %eq3A_14 = arith.constant 1 : i32
    %eq3A_15 = arith.cmpi eq, %arg0, %eq3A_14 : i32
    %convert_element_type3A_16 = arith.extui %eq3A_15 : i1 to i32
    %cond3A_17 = arith.constant 0 : i32
    %cond3A_18 = arith.cmpi ne, %convert_element_type3A_16, %cond3A_17 : i32
    scf.if %cond3A_18 {
      %mul3A_34 = arith.constant 72 : i32
      %mul3A_35 = arith.muli %arg1, %mul3A_34 : i32
      %add3A = arith.constant 1408 : i32
      %add3A_36 = arith.addi %add3A, %mul3A_35 : i32
      %run_scoped3A = arith.constant 0 : i32
      "tpu.region"() ({
        %run_scoped3A_42 = tpu.sem_alloc : memref<!tpu.dma_semaphore, #tpu.memory_space<semaphore_mem>>
        %dma_start3A = arith.constant 0 : i32
        %dma_start3A_43 = arith.constant 0 : i32
        %dma_start3A_44 = tpu.memref_slice %arg5[%dma_start3A, %dma_start3A_43] : memref<88x128xi32, #tpu.memory_space<vmem>> -> memref<72x128xi32, #tpu.memory_space<vmem>>
        %dma_start3A_45 = arith.constant 0 : i32
        %dma_start3A_46 = tpu.memref_slice %arg3[%run_scoped3A, %add3A_36, %dma_start3A_45] : memref<2x2560x128xi32, #tpu.memory_space<hbm>> -> memref<1x72x128xi32, #tpu.memory_space<hbm>>
        %dma_start3A_47 = tpu.memref_squeeze %dma_start3A_46 : memref<1x72x128xi32, #tpu.memory_space<hbm>> -> memref<72x128xi32, #tpu.memory_space<hbm>>
        %dma_start3A_48 = arith.constant 0 : i32
        %dma_start3A_49 = arith.constant 0 : i32
        %dma_start3A_50 = tpu.memref_slice %arg5[%dma_start3A_48, %dma_start3A_49] : memref<88x128xi32, #tpu.memory_space<vmem>> -> memref<72x128xi32, #tpu.memory_space<vmem>>
        %dma_start3A_51 = arith.constant 0 : i32
        %dma_start3A_52 = tpu.memref_slice %arg3[%run_scoped3A, %add3A_36, %dma_start3A_51] : memref<2x2560x128xi32, #tpu.memory_space<hbm>> -> memref<1x72x128xi32, #tpu.memory_space<hbm>>
        %dma_start3A_53 = tpu.memref_squeeze %dma_start3A_52 : memref<1x72x128xi32, #tpu.memory_space<hbm>> -> memref<72x128xi32, #tpu.memory_space<hbm>>
        tpu.enqueue_dma source(%dma_start3A_53 : memref<72x128xi32, #tpu.memory_space<hbm>>) target(%dma_start3A_50 : memref<72x128xi32, #tpu.memory_space<vmem>>) target_semaphore(%run_scoped3A_42 : memref<!tpu.dma_semaphore, #tpu.memory_space<semaphore_mem>>)
        %dma_wait3A = arith.constant 0 : i32
        %dma_wait3A_54 = arith.constant 0 : i32
        %dma_wait3A_55 = tpu.memref_slice %arg5[%dma_wait3A, %dma_wait3A_54] : memref<88x128xi32, #tpu.memory_space<vmem>> -> memref<72x128xi32, #tpu.memory_space<vmem>>
        %dma_wait3A_56 = arith.constant 0 : i32
        %dma_wait3A_57 = tpu.memref_slice %arg3[%run_scoped3A, %add3A_36, %dma_wait3A_56] : memref<2x2560x128xi32, #tpu.memory_space<hbm>> -> memref<1x72x128xi32, #tpu.memory_space<hbm>>
        %dma_wait3A_58 = tpu.memref_squeeze %dma_wait3A_57 : memref<1x72x128xi32, #tpu.memory_space<hbm>> -> memref<72x128xi32, #tpu.memory_space<hbm>>
        %dma_wait3A_59 = arith.constant 0 : i32
        %dma_wait3A_60 = arith.constant 0 : i32
        %dma_wait3A_61 = tpu.memref_slice %arg5[%dma_wait3A_59, %dma_wait3A_60] : memref<88x128xi32, #tpu.memory_space<vmem>> -> memref<72x128xi32, #tpu.memory_space<vmem>>
        %dma_wait3A_62 = arith.constant 0 : i32
        %dma_wait3A_63 = tpu.memref_slice %arg3[%run_scoped3A, %add3A_36, %dma_wait3A_62] : memref<2x2560x128xi32, #tpu.memory_space<hbm>> -> memref<1x72x128xi32, #tpu.memory_space<hbm>>
        %dma_wait3A_64 = tpu.memref_squeeze %dma_wait3A_63 : memref<1x72x128xi32, #tpu.memory_space<hbm>> -> memref<72x128xi32, #tpu.memory_space<hbm>>
        tpu.wait_dma2 semaphore(%run_scoped3A_42 : memref<!tpu.dma_semaphore, #tpu.memory_space<semaphore_mem>>) src(%dma_wait3A_64 : memref<72x128xi32, #tpu.memory_space<hbm>>) dst(%dma_wait3A_61 : memref<72x128xi32, #tpu.memory_space<vmem>>)
        tpu.yield
      }) : () -> ()
      %mul3A_37 = arith.constant 72 : i32
      %mul3A_38 = arith.muli %arg1, %mul3A_37 : i32
      %add3A_39 = arith.constant 1408 : i32
      %add3A_40 = arith.addi %add3A_39, %mul3A_38 : i32
      %run_scoped3A_41 = arith.constant 1 : i32
      "tpu.region"() ({
        %run_scoped3A_42 = tpu.sem_alloc : memref<!tpu.dma_semaphore, #tpu.memory_space<semaphore_mem>>
        %dma_start3A = arith.constant 0 : i32
        %dma_start3A_43 = arith.constant 0 : i32
        %dma_start3A_44 = tpu.memref_slice %arg6[%dma_start3A, %dma_start3A_43] : memref<88x128xi32, #tpu.memory_space<vmem>> -> memref<72x128xi32, #tpu.memory_space<vmem>>
        %dma_start3A_45 = arith.constant 0 : i32
        %dma_start3A_46 = tpu.memref_slice %arg3[%run_scoped3A_41, %add3A_40, %dma_start3A_45] : memref<2x2560x128xi32, #tpu.memory_space<hbm>> -> memref<1x72x128xi32, #tpu.memory_space<hbm>>
        %dma_start3A_47 = tpu.memref_squeeze %dma_start3A_46 : memref<1x72x128xi32, #tpu.memory_space<hbm>> -> memref<72x128xi32, #tpu.memory_space<hbm>>
        %dma_start3A_48 = arith.constant 0 : i32
        %dma_start3A_49 = arith.constant 0 : i32
        %dma_start3A_50 = tpu.memref_slice %arg6[%dma_start3A_48, %dma_start3A_49] : memref<88x128xi32, #tpu.memory_space<vmem>> -> memref<72x128xi32, #tpu.memory_space<vmem>>
        %dma_start3A_51 = arith.constant 0 : i32
        %dma_start3A_52 = tpu.memref_slice %arg3[%run_scoped3A_41, %add3A_40, %dma_start3A_51] : memref<2x2560x128xi32, #tpu.memory_space<hbm>> -> memref<1x72x128xi32, #tpu.memory_space<hbm>>
        %dma_start3A_53 = tpu.memref_squeeze %dma_start3A_52 : memref<1x72x128xi32, #tpu.memory_space<hbm>> -> memref<72x128xi32, #tpu.memory_space<hbm>>
        tpu.enqueue_dma source(%dma_start3A_53 : memref<72x128xi32, #tpu.memory_space<hbm>>) target(%dma_start3A_50 : memref<72x128xi32, #tpu.memory_space<vmem>>) target_semaphore(%run_scoped3A_42 : memref<!tpu.dma_semaphore, #tpu.memory_space<semaphore_mem>>)
        %dma_wait3A = arith.constant 0 : i32
        %dma_wait3A_54 = arith.constant 0 : i32
        %dma_wait3A_55 = tpu.memref_slice %arg6[%dma_wait3A, %dma_wait3A_54] : memref<88x128xi32, #tpu.memory_space<vmem>> -> memref<72x128xi32, #tpu.memory_space<vmem>>
        %dma_wait3A_56 = arith.constant 0 : i32
        %dma_wait3A_57 = tpu.memref_slice %arg3[%run_scoped3A_41, %add3A_40, %dma_wait3A_56] : memref<2x2560x128xi32, #tpu.memory_space<hbm>> -> memref<1x72x128xi32, #tpu.memory_space<hbm>>
        %dma_wait3A_58 = tpu.memref_squeeze %dma_wait3A_57 : memref<1x72x128xi32, #tpu.memory_space<hbm>> -> memref<72x128xi32, #tpu.memory_space<hbm>>
        %dma_wait3A_59 = arith.constant 0 : i32
        %dma_wait3A_60 = arith.constant 0 : i32
        %dma_wait3A_61 = tpu.memref_slice %arg6[%dma_wait3A_59, %dma_wait3A_60] : memref<88x128xi32, #tpu.memory_space<vmem>> -> memref<72x128xi32, #tpu.memory_space<vmem>>
        %dma_wait3A_62 = arith.constant 0 : i32
        %dma_wait3A_63 = tpu.memref_slice %arg3[%run_scoped3A_41, %add3A_40, %dma_wait3A_62] : memref<2x2560x128xi32, #tpu.memory_space<hbm>> -> memref<1x72x128xi32, #tpu.memory_space<hbm>>
        %dma_wait3A_64 = tpu.memref_squeeze %dma_wait3A_63 : memref<1x72x128xi32, #tpu.memory_space<hbm>> -> memref<72x128xi32, #tpu.memory_space<hbm>>
        tpu.wait_dma2 semaphore(%run_scoped3A_42 : memref<!tpu.dma_semaphore, #tpu.memory_space<semaphore_mem>>) src(%dma_wait3A_64 : memref<72x128xi32, #tpu.memory_space<hbm>>) dst(%dma_wait3A_61 : memref<72x128xi32, #tpu.memory_space<vmem>>)
        tpu.yield
      }) : () -> ()
    } else {
    }
    %barrier3A = arith.constant 0 : index
    tpu.barrier barrier_id(%barrier3A)
    %eq3A_19 = arith.constant 0 : i32
    %eq3A_20 = arith.cmpi eq, %arg0, %eq3A_19 : i32
    %convert_element_type3A_21 = arith.extui %eq3A_20 : i1 to i32
    %cond3A_22 = arith.constant 0 : i32
    %cond3A_23 = arith.cmpi ne, %convert_element_type3A_21, %cond3A_22 : i32
    scf.if %cond3A_23 {
      %dma_start3A = arith.constant 0 : i32
      %dma_start3A_34 = arith.constant 0 : i32
      %dma_start3A_35 = tpu.memref_slice %arg5[%dma_start3A, %dma_start3A_34] : memref<88x128xi32, #tpu.memory_space<vmem>> -> memref<1x128xi32, #tpu.memory_space<vmem>>
      %dma_start3A_36 = tpu.memref_squeeze %dma_start3A_35 : memref<1x128xi32, #tpu.memory_space<vmem>> -> memref<128xi32, #tpu.memory_space<vmem>>
      %dma_start3A_37 = arith.constant 0 : i32
      %dma_start3A_38 = arith.constant 0 : i32
      %dma_start3A_39 = tpu.memref_slice %arg11[%dma_start3A_37, %dma_start3A_38] : memref<10240x16xf32, #tpu.memory_space<vmem_shared>> -> memref<10240x16xf32, #tpu.memory_space<vmem_shared>>
      tpu.enqueue_indirect_dma source(%dma_start3A_39 : memref<10240x16xf32, #tpu.memory_space<vmem_shared>>) target(%arg7 : memref<128x16xf32, #tpu.memory_space<vmem>>) offsets(%dma_start3A_36 : memref<128xi32, #tpu.memory_space<vmem>>) semaphore(%arg12 : memref<!tpu.dma_semaphore, #tpu.memory_space<semaphore_mem>>)
      %scan3A_40 = arith.constant 0 : i32
      %scan3A_41 = arith.constant 44 : i32
      %scan3A_42 = arith.addi %scan3A_40, %scan3A_41 : i32
      %scan3A_43 = arith.constant 1 : i32
      scf.for %scan3A_51 = %scan3A_40 to %scan3A_42 step %scan3A_43  : i32 {
        %mul3A_52 = arith.constant 2 : i32
        %mul3A_53 = arith.muli %scan3A_51, %mul3A_52 : i32
        %add3A = arith.constant 1 : i32
        %add3A_54 = arith.addi %mul3A_53, %add3A : i32
        %dma_start3A_55 = arith.constant 0 : i32
        %dma_start3A_56 = tpu.memref_slice %arg5[%add3A_54, %dma_start3A_55] : memref<88x128xi32, #tpu.memory_space<vmem>> -> memref<1x128xi32, #tpu.memory_space<vmem>>
        %dma_start3A_57 = tpu.memref_squeeze %dma_start3A_56 : memref<1x128xi32, #tpu.memory_space<vmem>> -> memref<128xi32, #tpu.memory_space<vmem>>
        %dma_start3A_58 = arith.constant 0 : i32
        %dma_start3A_59 = arith.constant 0 : i32
        %dma_start3A_60 = tpu.memref_slice %arg11[%dma_start3A_58, %dma_start3A_59] : memref<10240x16xf32, #tpu.memory_space<vmem_shared>> -> memref<10240x16xf32, #tpu.memory_space<vmem_shared>>
        tpu.enqueue_indirect_dma source(%dma_start3A_60 : memref<10240x16xf32, #tpu.memory_space<vmem_shared>>) target(%arg8 : memref<128x16xf32, #tpu.memory_space<vmem>>) offsets(%dma_start3A_57 : memref<128xi32, #tpu.memory_space<vmem>>) semaphore(%arg13 : memref<!tpu.dma_semaphore, #tpu.memory_space<semaphore_mem>>)
        %dma_wait3A_61 = arith.constant 0 : i32
        %dma_wait3A_62 = tpu.memref_slice %arg5[%mul3A_53, %dma_wait3A_61] : memref<88x128xi32, #tpu.memory_space<vmem>> -> memref<1x128xi32, #tpu.memory_space<vmem>>
        %dma_wait3A_63 = tpu.memref_squeeze %dma_wait3A_62 : memref<1x128xi32, #tpu.memory_space<vmem>> -> memref<128xi32, #tpu.memory_space<vmem>>
        %dma_wait3A_64 = arith.constant 0 : i32
        %dma_wait3A_65 = arith.constant 0 : i32
        %dma_wait3A_66 = tpu.memref_slice %arg11[%dma_wait3A_64, %dma_wait3A_65] : memref<10240x16xf32, #tpu.memory_space<vmem_shared>> -> memref<10240x16xf32, #tpu.memory_space<vmem_shared>>
        tpu.wait_indirect_dma semaphore(%arg12 : memref<!tpu.dma_semaphore, #tpu.memory_space<semaphore_mem>>) src(%dma_wait3A_66 : memref<10240x16xf32, #tpu.memory_space<vmem_shared>>) dst(%arg7 : memref<128x16xf32, #tpu.memory_space<vmem>>)
        "tpu.region"() ({
          %run_scoped3A = tpu.sem_alloc : memref<!tpu.dma_semaphore, #tpu.memory_space<semaphore_mem>>
          %dma_start3A_86 = arith.constant 0 : i32
          %dma_start3A_87 = tpu.memref_slice %arg6[%mul3A_53, %dma_start3A_86] : memref<88x128xi32, #tpu.memory_space<vmem>> -> memref<1x128xi32, #tpu.memory_space<vmem>>
          %dma_start3A_88 = tpu.memref_squeeze %dma_start3A_87 : memref<1x128xi32, #tpu.memory_space<vmem>> -> memref<128xi32, #tpu.memory_space<vmem>>
          %dma_start3A_89 = arith.constant 0 : i32
          %dma_start3A_90 = arith.constant 0 : i32
          %dma_start3A_91 = tpu.memref_slice %arg10[%dma_start3A_89, %dma_start3A_90] : memref<10240x16xf32, #tpu.memory_space<vmem_shared>> -> memref<10240x16xf32, #tpu.memory_space<vmem_shared>>
          tpu.enqueue_indirect_dma source(%arg7 : memref<128x16xf32, #tpu.memory_space<vmem>>) target(%dma_start3A_91 : memref<10240x16xf32, #tpu.memory_space<vmem_shared>>) offsets(%dma_start3A_88 : memref<128xi32, #tpu.memory_space<vmem>>) semaphore(%run_scoped3A : memref<!tpu.dma_semaphore, #tpu.memory_space<semaphore_mem>>) {add = true}
          %dma_wait3A_92 = arith.constant 0 : i32
          %dma_wait3A_93 = tpu.memref_slice %arg6[%mul3A_53, %dma_wait3A_92] : memref<88x128xi32, #tpu.memory_space<vmem>> -> memref<1x128xi32, #tpu.memory_space<vmem>>
          %dma_wait3A_94 = tpu.memref_squeeze %dma_wait3A_93 : memref<1x128xi32, #tpu.memory_space<vmem>> -> memref<128xi32, #tpu.memory_space<vmem>>
          %dma_wait3A_95 = arith.constant 0 : i32
          %dma_wait3A_96 = arith.constant 0 : i32
          %dma_wait3A_97 = tpu.memref_slice %arg10[%dma_wait3A_95, %dma_wait3A_96] : memref<10240x16xf32, #tpu.memory_space<vmem_shared>> -> memref<10240x16xf32, #tpu.memory_space<vmem_shared>>
          tpu.wait_indirect_dma semaphore(%run_scoped3A : memref<!tpu.dma_semaphore, #tpu.memory_space<semaphore_mem>>) src(%arg7 : memref<128x16xf32, #tpu.memory_space<vmem>>) dst(%dma_wait3A_97 : memref<10240x16xf32, #tpu.memory_space<vmem_shared>>)
          tpu.yield
        }) : () -> ()
        %add3A_67 = arith.constant 2 : i32
        %add3A_68 = arith.addi %mul3A_53, %add3A_67 : i32
        %min3A = arith.constant 87 : i32
        %min3A_69 = arith.minsi %add3A_68, %min3A : i32
        %dma_start3A_70 = arith.constant 0 : i32
        %dma_start3A_71 = tpu.memref_slice %arg5[%min3A_69, %dma_start3A_70] : memref<88x128xi32, #tpu.memory_space<vmem>> -> memref<1x128xi32, #tpu.memory_space<vmem>>
        %dma_start3A_72 = tpu.memref_squeeze %dma_start3A_71 : memref<1x128xi32, #tpu.memory_space<vmem>> -> memref<128xi32, #tpu.memory_space<vmem>>
        %dma_start3A_73 = arith.constant 0 : i32
        %dma_start3A_74 = arith.constant 0 : i32
        %dma_start3A_75 = tpu.memref_slice %arg11[%dma_start3A_73, %dma_start3A_74] : memref<10240x16xf32, #tpu.memory_space<vmem_shared>> -> memref<10240x16xf32, #tpu.memory_space<vmem_shared>>
        tpu.enqueue_indirect_dma source(%dma_start3A_75 : memref<10240x16xf32, #tpu.memory_space<vmem_shared>>) target(%arg7 : memref<128x16xf32, #tpu.memory_space<vmem>>) offsets(%dma_start3A_72 : memref<128xi32, #tpu.memory_space<vmem>>) semaphore(%arg12 : memref<!tpu.dma_semaphore, #tpu.memory_space<semaphore_mem>>)
        %add3A_76 = arith.constant 1 : i32
        %add3A_77 = arith.addi %mul3A_53, %add3A_76 : i32
        %dma_wait3A_78 = arith.constant 0 : i32
        %dma_wait3A_79 = tpu.memref_slice %arg5[%add3A_77, %dma_wait3A_78] : memref<88x128xi32, #tpu.memory_space<vmem>> -> memref<1x128xi32, #tpu.memory_space<vmem>>
        %dma_wait3A_80 = tpu.memref_squeeze %dma_wait3A_79 : memref<1x128xi32, #tpu.memory_space<vmem>> -> memref<128xi32, #tpu.memory_space<vmem>>
        %dma_wait3A_81 = arith.constant 0 : i32
        %dma_wait3A_82 = arith.constant 0 : i32
        %dma_wait3A_83 = tpu.memref_slice %arg11[%dma_wait3A_81, %dma_wait3A_82] : memref<10240x16xf32, #tpu.memory_space<vmem_shared>> -> memref<10240x16xf32, #tpu.memory_space<vmem_shared>>
        tpu.wait_indirect_dma semaphore(%arg13 : memref<!tpu.dma_semaphore, #tpu.memory_space<semaphore_mem>>) src(%dma_wait3A_83 : memref<10240x16xf32, #tpu.memory_space<vmem_shared>>) dst(%arg8 : memref<128x16xf32, #tpu.memory_space<vmem>>)
        %add3A_84 = arith.constant 1 : i32
        %add3A_85 = arith.addi %mul3A_53, %add3A_84 : i32
        "tpu.region"() ({
          %run_scoped3A = tpu.sem_alloc : memref<!tpu.dma_semaphore, #tpu.memory_space<semaphore_mem>>
          %dma_start3A_86 = arith.constant 0 : i32
          %dma_start3A_87 = tpu.memref_slice %arg6[%add3A_85, %dma_start3A_86] : memref<88x128xi32, #tpu.memory_space<vmem>> -> memref<1x128xi32, #tpu.memory_space<vmem>>
          %dma_start3A_88 = tpu.memref_squeeze %dma_start3A_87 : memref<1x128xi32, #tpu.memory_space<vmem>> -> memref<128xi32, #tpu.memory_space<vmem>>
          %dma_start3A_89 = arith.constant 0 : i32
          %dma_start3A_90 = arith.constant 0 : i32
          %dma_start3A_91 = tpu.memref_slice %arg10[%dma_start3A_89, %dma_start3A_90] : memref<10240x16xf32, #tpu.memory_space<vmem_shared>> -> memref<10240x16xf32, #tpu.memory_space<vmem_shared>>
          tpu.enqueue_indirect_dma source(%arg8 : memref<128x16xf32, #tpu.memory_space<vmem>>) target(%dma_start3A_91 : memref<10240x16xf32, #tpu.memory_space<vmem_shared>>) offsets(%dma_start3A_88 : memref<128xi32, #tpu.memory_space<vmem>>) semaphore(%run_scoped3A : memref<!tpu.dma_semaphore, #tpu.memory_space<semaphore_mem>>) {add = true}
          %dma_wait3A_92 = arith.constant 0 : i32
          %dma_wait3A_93 = tpu.memref_slice %arg6[%add3A_85, %dma_wait3A_92] : memref<88x128xi32, #tpu.memory_space<vmem>> -> memref<1x128xi32, #tpu.memory_space<vmem>>
          %dma_wait3A_94 = tpu.memref_squeeze %dma_wait3A_93 : memref<1x128xi32, #tpu.memory_space<vmem>> -> memref<128xi32, #tpu.memory_space<vmem>>
          %dma_wait3A_95 = arith.constant 0 : i32
          %dma_wait3A_96 = arith.constant 0 : i32
          %dma_wait3A_97 = tpu.memref_slice %arg10[%dma_wait3A_95, %dma_wait3A_96] : memref<10240x16xf32, #tpu.memory_space<vmem_shared>> -> memref<10240x16xf32, #tpu.memory_space<vmem_shared>>
          tpu.wait_indirect_dma semaphore(%run_scoped3A : memref<!tpu.dma_semaphore, #tpu.memory_space<semaphore_mem>>) src(%arg8 : memref<128x16xf32, #tpu.memory_space<vmem>>) dst(%dma_wait3A_97 : memref<10240x16xf32, #tpu.memory_space<vmem_shared>>)
          tpu.yield
        }) : () -> ()
      }
      %scan3A_44 = arith.constant 44 : i32
      %dma_wait3A = arith.constant 0 : i32
      %dma_wait3A_45 = arith.constant 0 : i32
      %dma_wait3A_46 = tpu.memref_slice %arg5[%dma_wait3A, %dma_wait3A_45] : memref<88x128xi32, #tpu.memory_space<vmem>> -> memref<1x128xi32, #tpu.memory_space<vmem>>
      %dma_wait3A_47 = tpu.memref_squeeze %dma_wait3A_46 : memref<1x128xi32, #tpu.memory_space<vmem>> -> memref<128xi32, #tpu.memory_space<vmem>>
      %dma_wait3A_48 = arith.constant 0 : i32
      %dma_wait3A_49 = arith.constant 0 : i32
      %dma_wait3A_50 = tpu.memref_slice %arg11[%dma_wait3A_48, %dma_wait3A_49] : memref<10240x16xf32, #tpu.memory_space<vmem_shared>> -> memref<10240x16xf32, #tpu.memory_space<vmem_shared>>
      tpu.wait_indirect_dma semaphore(%arg12 : memref<!tpu.dma_semaphore, #tpu.memory_space<semaphore_mem>>) src(%dma_wait3A_50 : memref<10240x16xf32, #tpu.memory_space<vmem_shared>>) dst(%arg7 : memref<128x16xf32, #tpu.memory_space<vmem>>)
    } else {
    }
    %eq3A_24 = arith.constant 1 : i32
    %eq3A_25 = arith.cmpi eq, %arg0, %eq3A_24 : i32
    %convert_element_type3A_26 = arith.extui %eq3A_25 : i1 to i32
    %cond3A_27 = arith.constant 0 : i32
    %cond3A_28 = arith.cmpi ne, %convert_element_type3A_26, %cond3A_27 : i32
    scf.if %cond3A_28 {
      %dma_start3A = arith.constant 0 : i32
      %dma_start3A_34 = arith.constant 0 : i32
      %dma_start3A_35 = tpu.memref_slice %arg5[%dma_start3A, %dma_start3A_34] : memref<88x128xi32, #tpu.memory_space<vmem>> -> memref<1x128xi32, #tpu.memory_space<vmem>>
      %dma_start3A_36 = tpu.memref_squeeze %dma_start3A_35 : memref<1x128xi32, #tpu.memory_space<vmem>> -> memref<128xi32, #tpu.memory_space<vmem>>
      %dma_start3A_37 = arith.constant 0 : i32
      %dma_start3A_38 = arith.constant 0 : i32
      %dma_start3A_39 = tpu.memref_slice %arg11[%dma_start3A_37, %dma_start3A_38] : memref<10240x16xf32, #tpu.memory_space<vmem_shared>> -> memref<10240x16xf32, #tpu.memory_space<vmem_shared>>
      tpu.enqueue_indirect_dma source(%dma_start3A_39 : memref<10240x16xf32, #tpu.memory_space<vmem_shared>>) target(%arg7 : memref<128x16xf32, #tpu.memory_space<vmem>>) offsets(%dma_start3A_36 : memref<128xi32, #tpu.memory_space<vmem>>) semaphore(%arg12 : memref<!tpu.dma_semaphore, #tpu.memory_space<semaphore_mem>>)
      %scan3A_40 = arith.constant 0 : i32
      %scan3A_41 = arith.constant 36 : i32
      %scan3A_42 = arith.addi %scan3A_40, %scan3A_41 : i32
      %scan3A_43 = arith.constant 1 : i32
      scf.for %scan3A_51 = %scan3A_40 to %scan3A_42 step %scan3A_43  : i32 {
        %mul3A_52 = arith.constant 2 : i32
        %mul3A_53 = arith.muli %scan3A_51, %mul3A_52 : i32
        %add3A = arith.constant 1 : i32
        %add3A_54 = arith.addi %mul3A_53, %add3A : i32
        %dma_start3A_55 = arith.constant 0 : i32
        %dma_start3A_56 = tpu.memref_slice %arg5[%add3A_54, %dma_start3A_55] : memref<88x128xi32, #tpu.memory_space<vmem>> -> memref<1x128xi32, #tpu.memory_space<vmem>>
        %dma_start3A_57 = tpu.memref_squeeze %dma_start3A_56 : memref<1x128xi32, #tpu.memory_space<vmem>> -> memref<128xi32, #tpu.memory_space<vmem>>
        %dma_start3A_58 = arith.constant 0 : i32
        %dma_start3A_59 = arith.constant 0 : i32
        %dma_start3A_60 = tpu.memref_slice %arg11[%dma_start3A_58, %dma_start3A_59] : memref<10240x16xf32, #tpu.memory_space<vmem_shared>> -> memref<10240x16xf32, #tpu.memory_space<vmem_shared>>
        tpu.enqueue_indirect_dma source(%dma_start3A_60 : memref<10240x16xf32, #tpu.memory_space<vmem_shared>>) target(%arg8 : memref<128x16xf32, #tpu.memory_space<vmem>>) offsets(%dma_start3A_57 : memref<128xi32, #tpu.memory_space<vmem>>) semaphore(%arg13 : memref<!tpu.dma_semaphore, #tpu.memory_space<semaphore_mem>>)
        %dma_wait3A_61 = arith.constant 0 : i32
        %dma_wait3A_62 = tpu.memref_slice %arg5[%mul3A_53, %dma_wait3A_61] : memref<88x128xi32, #tpu.memory_space<vmem>> -> memref<1x128xi32, #tpu.memory_space<vmem>>
        %dma_wait3A_63 = tpu.memref_squeeze %dma_wait3A_62 : memref<1x128xi32, #tpu.memory_space<vmem>> -> memref<128xi32, #tpu.memory_space<vmem>>
        %dma_wait3A_64 = arith.constant 0 : i32
        %dma_wait3A_65 = arith.constant 0 : i32
        %dma_wait3A_66 = tpu.memref_slice %arg11[%dma_wait3A_64, %dma_wait3A_65] : memref<10240x16xf32, #tpu.memory_space<vmem_shared>> -> memref<10240x16xf32, #tpu.memory_space<vmem_shared>>
        tpu.wait_indirect_dma semaphore(%arg12 : memref<!tpu.dma_semaphore, #tpu.memory_space<semaphore_mem>>) src(%dma_wait3A_66 : memref<10240x16xf32, #tpu.memory_space<vmem_shared>>) dst(%arg7 : memref<128x16xf32, #tpu.memory_space<vmem>>)
        "tpu.region"() ({
          %run_scoped3A = tpu.sem_alloc : memref<!tpu.dma_semaphore, #tpu.memory_space<semaphore_mem>>
          %dma_start3A_86 = arith.constant 0 : i32
          %dma_start3A_87 = tpu.memref_slice %arg6[%mul3A_53, %dma_start3A_86] : memref<88x128xi32, #tpu.memory_space<vmem>> -> memref<1x128xi32, #tpu.memory_space<vmem>>
          %dma_start3A_88 = tpu.memref_squeeze %dma_start3A_87 : memref<1x128xi32, #tpu.memory_space<vmem>> -> memref<128xi32, #tpu.memory_space<vmem>>
          %dma_start3A_89 = arith.constant 0 : i32
          %dma_start3A_90 = arith.constant 0 : i32
          %dma_start3A_91 = tpu.memref_slice %arg10[%dma_start3A_89, %dma_start3A_90] : memref<10240x16xf32, #tpu.memory_space<vmem_shared>> -> memref<10240x16xf32, #tpu.memory_space<vmem_shared>>
          tpu.enqueue_indirect_dma source(%arg7 : memref<128x16xf32, #tpu.memory_space<vmem>>) target(%dma_start3A_91 : memref<10240x16xf32, #tpu.memory_space<vmem_shared>>) offsets(%dma_start3A_88 : memref<128xi32, #tpu.memory_space<vmem>>) semaphore(%run_scoped3A : memref<!tpu.dma_semaphore, #tpu.memory_space<semaphore_mem>>) {add = true}
          %dma_wait3A_92 = arith.constant 0 : i32
          %dma_wait3A_93 = tpu.memref_slice %arg6[%mul3A_53, %dma_wait3A_92] : memref<88x128xi32, #tpu.memory_space<vmem>> -> memref<1x128xi32, #tpu.memory_space<vmem>>
          %dma_wait3A_94 = tpu.memref_squeeze %dma_wait3A_93 : memref<1x128xi32, #tpu.memory_space<vmem>> -> memref<128xi32, #tpu.memory_space<vmem>>
          %dma_wait3A_95 = arith.constant 0 : i32
          %dma_wait3A_96 = arith.constant 0 : i32
          %dma_wait3A_97 = tpu.memref_slice %arg10[%dma_wait3A_95, %dma_wait3A_96] : memref<10240x16xf32, #tpu.memory_space<vmem_shared>> -> memref<10240x16xf32, #tpu.memory_space<vmem_shared>>
          tpu.wait_indirect_dma semaphore(%run_scoped3A : memref<!tpu.dma_semaphore, #tpu.memory_space<semaphore_mem>>) src(%arg7 : memref<128x16xf32, #tpu.memory_space<vmem>>) dst(%dma_wait3A_97 : memref<10240x16xf32, #tpu.memory_space<vmem_shared>>)
          tpu.yield
        }) : () -> ()
        %add3A_67 = arith.constant 2 : i32
        %add3A_68 = arith.addi %mul3A_53, %add3A_67 : i32
        %min3A = arith.constant 71 : i32
        %min3A_69 = arith.minsi %add3A_68, %min3A : i32
        %dma_start3A_70 = arith.constant 0 : i32
        %dma_start3A_71 = tpu.memref_slice %arg5[%min3A_69, %dma_start3A_70] : memref<88x128xi32, #tpu.memory_space<vmem>> -> memref<1x128xi32, #tpu.memory_space<vmem>>
        %dma_start3A_72 = tpu.memref_squeeze %dma_start3A_71 : memref<1x128xi32, #tpu.memory_space<vmem>> -> memref<128xi32, #tpu.memory_space<vmem>>
        %dma_start3A_73 = arith.constant 0 : i32
        %dma_start3A_74 = arith.constant 0 : i32
        %dma_start3A_75 = tpu.memref_slice %arg11[%dma_start3A_73, %dma_start3A_74] : memref<10240x16xf32, #tpu.memory_space<vmem_shared>> -> memref<10240x16xf32, #tpu.memory_space<vmem_shared>>
        tpu.enqueue_indirect_dma source(%dma_start3A_75 : memref<10240x16xf32, #tpu.memory_space<vmem_shared>>) target(%arg7 : memref<128x16xf32, #tpu.memory_space<vmem>>) offsets(%dma_start3A_72 : memref<128xi32, #tpu.memory_space<vmem>>) semaphore(%arg12 : memref<!tpu.dma_semaphore, #tpu.memory_space<semaphore_mem>>)
        %add3A_76 = arith.constant 1 : i32
        %add3A_77 = arith.addi %mul3A_53, %add3A_76 : i32
        %dma_wait3A_78 = arith.constant 0 : i32
        %dma_wait3A_79 = tpu.memref_slice %arg5[%add3A_77, %dma_wait3A_78] : memref<88x128xi32, #tpu.memory_space<vmem>> -> memref<1x128xi32, #tpu.memory_space<vmem>>
        %dma_wait3A_80 = tpu.memref_squeeze %dma_wait3A_79 : memref<1x128xi32, #tpu.memory_space<vmem>> -> memref<128xi32, #tpu.memory_space<vmem>>
        %dma_wait3A_81 = arith.constant 0 : i32
        %dma_wait3A_82 = arith.constant 0 : i32
        %dma_wait3A_83 = tpu.memref_slice %arg11[%dma_wait3A_81, %dma_wait3A_82] : memref<10240x16xf32, #tpu.memory_space<vmem_shared>> -> memref<10240x16xf32, #tpu.memory_space<vmem_shared>>
        tpu.wait_indirect_dma semaphore(%arg13 : memref<!tpu.dma_semaphore, #tpu.memory_space<semaphore_mem>>) src(%dma_wait3A_83 : memref<10240x16xf32, #tpu.memory_space<vmem_shared>>) dst(%arg8 : memref<128x16xf32, #tpu.memory_space<vmem>>)
        %add3A_84 = arith.constant 1 : i32
        %add3A_85 = arith.addi %mul3A_53, %add3A_84 : i32
        "tpu.region"() ({
          %run_scoped3A = tpu.sem_alloc : memref<!tpu.dma_semaphore, #tpu.memory_space<semaphore_mem>>
          %dma_start3A_86 = arith.constant 0 : i32
          %dma_start3A_87 = tpu.memref_slice %arg6[%add3A_85, %dma_start3A_86] : memref<88x128xi32, #tpu.memory_space<vmem>> -> memref<1x128xi32, #tpu.memory_space<vmem>>
          %dma_start3A_88 = tpu.memref_squeeze %dma_start3A_87 : memref<1x128xi32, #tpu.memory_space<vmem>> -> memref<128xi32, #tpu.memory_space<vmem>>
          %dma_start3A_89 = arith.constant 0 : i32
          %dma_start3A_90 = arith.constant 0 : i32
          %dma_start3A_91 = tpu.memref_slice %arg10[%dma_start3A_89, %dma_start3A_90] : memref<10240x16xf32, #tpu.memory_space<vmem_shared>> -> memref<10240x16xf32, #tpu.memory_space<vmem_shared>>
          tpu.enqueue_indirect_dma source(%arg8 : memref<128x16xf32, #tpu.memory_space<vmem>>) target(%dma_start3A_91 : memref<10240x16xf32, #tpu.memory_space<vmem_shared>>) offsets(%dma_start3A_88 : memref<128xi32, #tpu.memory_space<vmem>>) semaphore(%run_scoped3A : memref<!tpu.dma_semaphore, #tpu.memory_space<semaphore_mem>>) {add = true}
          %dma_wait3A_92 = arith.constant 0 : i32
          %dma_wait3A_93 = tpu.memref_slice %arg6[%add3A_85, %dma_wait3A_92] : memref<88x128xi32, #tpu.memory_space<vmem>> -> memref<1x128xi32, #tpu.memory_space<vmem>>
          %dma_wait3A_94 = tpu.memref_squeeze %dma_wait3A_93 : memref<1x128xi32, #tpu.memory_space<vmem>> -> memref<128xi32, #tpu.memory_space<vmem>>
          %dma_wait3A_95 = arith.constant 0 : i32
          %dma_wait3A_96 = arith.constant 0 : i32
          %dma_wait3A_97 = tpu.memref_slice %arg10[%dma_wait3A_95, %dma_wait3A_96] : memref<10240x16xf32, #tpu.memory_space<vmem_shared>> -> memref<10240x16xf32, #tpu.memory_space<vmem_shared>>
          tpu.wait_indirect_dma semaphore(%run_scoped3A : memref<!tpu.dma_semaphore, #tpu.memory_space<semaphore_mem>>) src(%arg8 : memref<128x16xf32, #tpu.memory_space<vmem>>) dst(%dma_wait3A_97 : memref<10240x16xf32, #tpu.memory_space<vmem_shared>>)
          tpu.yield
        }) : () -> ()
      }
      %scan3A_44 = arith.constant 36 : i32
      %dma_wait3A = arith.constant 0 : i32
      %dma_wait3A_45 = arith.constant 0 : i32
      %dma_wait3A_46 = tpu.memref_slice %arg5[%dma_wait3A, %dma_wait3A_45] : memref<88x128xi32, #tpu.memory_space<vmem>> -> memref<1x128xi32, #tpu.memory_space<vmem>>
      %dma_wait3A_47 = tpu.memref_squeeze %dma_wait3A_46 : memref<1x128xi32, #tpu.memory_space<vmem>> -> memref<128xi32, #tpu.memory_space<vmem>>
      %dma_wait3A_48 = arith.constant 0 : i32
      %dma_wait3A_49 = arith.constant 0 : i32
      %dma_wait3A_50 = tpu.memref_slice %arg11[%dma_wait3A_48, %dma_wait3A_49] : memref<10240x16xf32, #tpu.memory_space<vmem_shared>> -> memref<10240x16xf32, #tpu.memory_space<vmem_shared>>
      tpu.wait_indirect_dma semaphore(%arg12 : memref<!tpu.dma_semaphore, #tpu.memory_space<semaphore_mem>>) src(%dma_wait3A_50 : memref<10240x16xf32, #tpu.memory_space<vmem_shared>>) dst(%arg7 : memref<128x16xf32, #tpu.memory_space<vmem>>)
    } else {
    }
    %barrier3A_29 = arith.constant 0 : index
    tpu.barrier barrier_id(%barrier3A_29)
    %mul3A_30 = arith.constant 640 : i32
    %mul3A_31 = arith.muli %arg1, %mul3A_30 : i32
    %mul3A_32 = arith.constant 640 : i32
    %mul3A_33 = arith.muli %arg1, %mul3A_32 : i32
    "tpu.region"() ({
      %run_scoped3A = tpu.sem_alloc : memref<!tpu.dma_semaphore, #tpu.memory_space<semaphore_mem>>
      %dma_start3A = arith.constant 0 : i32
      %dma_start3A_34 = tpu.memref_slice %arg4[%arg0, %mul3A_33, %dma_start3A] : memref<2x10240x16xf32, #tpu.memory_space<hbm>> -> memref<1x640x16xf32, #tpu.memory_space<hbm>>
      %dma_start3A_35 = tpu.memref_squeeze %dma_start3A_34 : memref<1x640x16xf32, #tpu.memory_space<hbm>> -> memref<640x16xf32, #tpu.memory_space<hbm>>
      %dma_start3A_36 = arith.constant 0 : i32
      %dma_start3A_37 = tpu.memref_slice %arg10[%mul3A_31, %dma_start3A_36] : memref<10240x16xf32, #tpu.memory_space<vmem_shared>> -> memref<640x16xf32, #tpu.memory_space<vmem_shared>>
      tpu.enqueue_dma source(%dma_start3A_37 : memref<640x16xf32, #tpu.memory_space<vmem_shared>>) target(%dma_start3A_35 : memref<640x16xf32, #tpu.memory_space<hbm>>) target_semaphore(%run_scoped3A : memref<!tpu.dma_semaphore, #tpu.memory_space<semaphore_mem>>)
      %dma_wait3A = arith.constant 0 : i32
      %dma_wait3A_38 = tpu.memref_slice %arg4[%arg0, %mul3A_33, %dma_wait3A] : memref<2x10240x16xf32, #tpu.memory_space<hbm>> -> memref<1x640x16xf32, #tpu.memory_space<hbm>>
      %dma_wait3A_39 = tpu.memref_squeeze %dma_wait3A_38 : memref<1x640x16xf32, #tpu.memory_space<hbm>> -> memref<640x16xf32, #tpu.memory_space<hbm>>
      %dma_wait3A_40 = arith.constant 0 : i32
      %dma_wait3A_41 = tpu.memref_slice %arg10[%mul3A_31, %dma_wait3A_40] : memref<10240x16xf32, #tpu.memory_space<vmem_shared>> -> memref<640x16xf32, #tpu.memory_space<vmem_shared>>
      tpu.wait_dma2 semaphore(%run_scoped3A : memref<!tpu.dma_semaphore, #tpu.memory_space<semaphore_mem>>) src(%dma_wait3A_41 : memref<640x16xf32, #tpu.memory_space<vmem_shared>>) dst(%dma_wait3A_39 : memref<640x16xf32, #tpu.memory_space<hbm>>)
      tpu.yield
    }) : () -> ()
    return
  }
}

#map = affine_map<(d0, d1) -> (0, 0, 0)>
#map1 = affine_map<(d0, d1) -> (0, 0)>
module attributes {stable_mosaic.version = 14 : i64} {
  func.func @body(%arg0: i32, %arg1: i32, %arg2: memref<2x2560x128xi32, #tpu.memory_space<hbm>>, %arg3: memref<2x10240xf32, #tpu.memory_space<hbm>>, %arg4: memref<88x128xi32, #tpu.memory_space<vmem>>, %arg5: memref<640xf32, #tpu.memory_space<vmem>>, %arg6: memref<128xf32, #tpu.memory_space<vmem>>, %arg7: memref<10240xf32, #tpu.memory_space<vmem_shared>>) attributes {dimension_semantics = [#tpu.dimension_semantics<core_parallel>, #tpu.dimension_semantics<subcore_parallel>], iteration_bounds = array<i64: 2, 16>, scalar_prefetch = 0 : i64, scratch_operands = 4 : i64, tpu.core_type = #tpu.core_type<sc_vector_subcore>, window_params = [{transform_indices = #map}, {transform_indices = #map1}]} {
    %scan3A = arith.constant 0 : i32
    %scan3A_0 = arith.constant 40 : i32
    %scan3A_1 = arith.addi %scan3A, %scan3A_0 : i32
    %scan3A_2 = arith.constant 1 : i32
    scf.for %scan3A_32 = %scan3A to %scan3A_1 step %scan3A_2  : i32 {
      %broadcast_in_dim3A = arith.constant 0.000000e+00 : f32
      %broadcast_in_dim3A_33 = vector.broadcast %broadcast_in_dim3A : f32 to vector<16xf32>
      %mul3A_34 = arith.constant 16 : i32
      %mul3A_35 = arith.muli %scan3A_32, %mul3A_34 : i32
      %swap3A = arith.index_cast %mul3A_35 : i32 to index
      %swap3A_36 = tpu.vector_load %arg5[%swap3A] {strides = array<i32>} : memref<640xf32, #tpu.memory_space<vmem>>, vector<16xf32>,
      %swap3A_37 = vector.shape_cast %swap3A_36 : vector<16xf32> to vector<16xf32>
      %swap3A_38 = vector.shape_cast %broadcast_in_dim3A_33 : vector<16xf32> to vector<16xf32>
      tpu.vector_store %arg5[%swap3A], %swap3A_38 {strides = array<i32>} : memref<640xf32, #tpu.memory_space<vmem>>, vector<16xf32>,
    }
    %scan3A_3 = arith.constant 40 : i32
    %scan3A_4 = arith.constant 0 : i32
    %scan3A_5 = arith.constant 8 : i32
    %scan3A_6 = arith.addi %scan3A_4, %scan3A_5 : i32
    %scan3A_7 = arith.constant 1 : i32
    scf.for %scan3A_32 = %scan3A_4 to %scan3A_6 step %scan3A_7  : i32 {
      %broadcast_in_dim3A = arith.constant 1.000000e+00 : f32
      %broadcast_in_dim3A_33 = vector.broadcast %broadcast_in_dim3A : f32 to vector<16xf32>
      %mul3A_34 = arith.constant 16 : i32
      %mul3A_35 = arith.muli %scan3A_32, %mul3A_34 : i32
      %swap3A = arith.index_cast %mul3A_35 : i32 to index
      %swap3A_36 = tpu.vector_load %arg6[%swap3A] {strides = array<i32>} : memref<128xf32, #tpu.memory_space<vmem>>, vector<16xf32>,
      %swap3A_37 = vector.shape_cast %swap3A_36 : vector<16xf32> to vector<16xf32>
      %swap3A_38 = vector.shape_cast %broadcast_in_dim3A_33 : vector<16xf32> to vector<16xf32>
      tpu.vector_store %arg6[%swap3A], %swap3A_38 {strides = array<i32>} : memref<128xf32, #tpu.memory_space<vmem>>, vector<16xf32>,
    }
    %scan3A_8 = arith.constant 8 : i32
    %mul3A = arith.constant 640 : i32
    %mul3A_9 = arith.muli %arg1, %mul3A : i32
    "tpu.region"() ({
      %run_scoped3A = tpu.sem_alloc : memref<!tpu.dma_semaphore, #tpu.memory_space<semaphore_mem>>
      %dma_start3A = tpu.memref_slice %arg7[%mul3A_9] : memref<10240xf32, #tpu.memory_space<vmem_shared>> -> memref<640xf32, #tpu.memory_space<vmem_shared>>
      %dma_start3A_32 = tpu.memref_slice %arg7[%mul3A_9] : memref<10240xf32, #tpu.memory_space<vmem_shared>> -> memref<640xf32, #tpu.memory_space<vmem_shared>>
      tpu.enqueue_dma source(%arg5 : memref<640xf32, #tpu.memory_space<vmem>>) target(%dma_start3A_32 : memref<640xf32, #tpu.memory_space<vmem_shared>>) target_semaphore(%run_scoped3A : memref<!tpu.dma_semaphore, #tpu.memory_space<semaphore_mem>>)
      %dma_wait3A = tpu.memref_slice %arg7[%mul3A_9] : memref<10240xf32, #tpu.memory_space<vmem_shared>> -> memref<640xf32, #tpu.memory_space<vmem_shared>>
      %dma_wait3A_33 = tpu.memref_slice %arg7[%mul3A_9] : memref<10240xf32, #tpu.memory_space<vmem_shared>> -> memref<640xf32, #tpu.memory_space<vmem_shared>>
      tpu.wait_dma2 semaphore(%run_scoped3A : memref<!tpu.dma_semaphore, #tpu.memory_space<semaphore_mem>>) src(%arg5 : memref<640xf32, #tpu.memory_space<vmem>>) dst(%dma_wait3A_33 : memref<640xf32, #tpu.memory_space<vmem_shared>>)
      tpu.yield
    }) : () -> ()
    %eq3A = arith.constant 0 : i32
    %eq3A_10 = arith.cmpi eq, %arg0, %eq3A : i32
    %convert_element_type3A = arith.extui %eq3A_10 : i1 to i32
    %cond3A = arith.constant 0 : i32
    %cond3A_11 = arith.cmpi ne, %convert_element_type3A, %cond3A : i32
    scf.if %cond3A_11 {
      %mul3A_32 = arith.constant 88 : i32
      %mul3A_33 = arith.muli %arg1, %mul3A_32 : i32
      %run_scoped3A = arith.constant 1 : i32
      "tpu.region"() ({
        %run_scoped3A_34 = tpu.sem_alloc : memref<!tpu.dma_semaphore, #tpu.memory_space<semaphore_mem>>
        %dma_start3A = arith.constant 0 : i32
        %dma_start3A_35 = arith.constant 0 : i32
        %dma_start3A_36 = tpu.memref_slice %arg4[%dma_start3A, %dma_start3A_35] : memref<88x128xi32, #tpu.memory_space<vmem>> -> memref<88x128xi32, #tpu.memory_space<vmem>>
        %dma_start3A_37 = arith.constant 0 : i32
        %dma_start3A_38 = tpu.memref_slice %arg2[%run_scoped3A, %mul3A_33, %dma_start3A_37] : memref<2x2560x128xi32, #tpu.memory_space<hbm>> -> memref<1x88x128xi32, #tpu.memory_space<hbm>>
        %dma_start3A_39 = tpu.memref_squeeze %dma_start3A_38 : memref<1x88x128xi32, #tpu.memory_space<hbm>> -> memref<88x128xi32, #tpu.memory_space<hbm>>
        %dma_start3A_40 = arith.constant 0 : i32
        %dma_start3A_41 = arith.constant 0 : i32
        %dma_start3A_42 = tpu.memref_slice %arg4[%dma_start3A_40, %dma_start3A_41] : memref<88x128xi32, #tpu.memory_space<vmem>> -> memref<88x128xi32, #tpu.memory_space<vmem>>
        %dma_start3A_43 = arith.constant 0 : i32
        %dma_start3A_44 = tpu.memref_slice %arg2[%run_scoped3A, %mul3A_33, %dma_start3A_43] : memref<2x2560x128xi32, #tpu.memory_space<hbm>> -> memref<1x88x128xi32, #tpu.memory_space<hbm>>
        %dma_start3A_45 = tpu.memref_squeeze %dma_start3A_44 : memref<1x88x128xi32, #tpu.memory_space<hbm>> -> memref<88x128xi32, #tpu.memory_space<hbm>>
        tpu.enqueue_dma source(%dma_start3A_45 : memref<88x128xi32, #tpu.memory_space<hbm>>) target(%dma_start3A_42 : memref<88x128xi32, #tpu.memory_space<vmem>>) target_semaphore(%run_scoped3A_34 : memref<!tpu.dma_semaphore, #tpu.memory_space<semaphore_mem>>)
        %dma_wait3A = arith.constant 0 : i32
        %dma_wait3A_46 = arith.constant 0 : i32
        %dma_wait3A_47 = tpu.memref_slice %arg4[%dma_wait3A, %dma_wait3A_46] : memref<88x128xi32, #tpu.memory_space<vmem>> -> memref<88x128xi32, #tpu.memory_space<vmem>>
        %dma_wait3A_48 = arith.constant 0 : i32
        %dma_wait3A_49 = tpu.memref_slice %arg2[%run_scoped3A, %mul3A_33, %dma_wait3A_48] : memref<2x2560x128xi32, #tpu.memory_space<hbm>> -> memref<1x88x128xi32, #tpu.memory_space<hbm>>
        %dma_wait3A_50 = tpu.memref_squeeze %dma_wait3A_49 : memref<1x88x128xi32, #tpu.memory_space<hbm>> -> memref<88x128xi32, #tpu.memory_space<hbm>>
        %dma_wait3A_51 = arith.constant 0 : i32
        %dma_wait3A_52 = arith.constant 0 : i32
        %dma_wait3A_53 = tpu.memref_slice %arg4[%dma_wait3A_51, %dma_wait3A_52] : memref<88x128xi32, #tpu.memory_space<vmem>> -> memref<88x128xi32, #tpu.memory_space<vmem>>
        %dma_wait3A_54 = arith.constant 0 : i32
        %dma_wait3A_55 = tpu.memref_slice %arg2[%run_scoped3A, %mul3A_33, %dma_wait3A_54] : memref<2x2560x128xi32, #tpu.memory_space<hbm>> -> memref<1x88x128xi32, #tpu.memory_space<hbm>>
        %dma_wait3A_56 = tpu.memref_squeeze %dma_wait3A_55 : memref<1x88x128xi32, #tpu.memory_space<hbm>> -> memref<88x128xi32, #tpu.memory_space<hbm>>
        tpu.wait_dma2 semaphore(%run_scoped3A_34 : memref<!tpu.dma_semaphore, #tpu.memory_space<semaphore_mem>>) src(%dma_wait3A_56 : memref<88x128xi32, #tpu.memory_space<hbm>>) dst(%dma_wait3A_53 : memref<88x128xi32, #tpu.memory_space<vmem>>)
        tpu.yield
      }) : () -> ()
    } else {
    }
    %eq3A_12 = arith.constant 1 : i32
    %eq3A_13 = arith.cmpi eq, %arg0, %eq3A_12 : i32
    %convert_element_type3A_14 = arith.extui %eq3A_13 : i1 to i32
    %cond3A_15 = arith.constant 0 : i32
    %cond3A_16 = arith.cmpi ne, %convert_element_type3A_14, %cond3A_15 : i32
    scf.if %cond3A_16 {
      %mul3A_32 = arith.constant 72 : i32
      %mul3A_33 = arith.muli %arg1, %mul3A_32 : i32
      %add3A = arith.constant 1408 : i32
      %add3A_34 = arith.addi %add3A, %mul3A_33 : i32
      %run_scoped3A = arith.constant 1 : i32
      "tpu.region"() ({
        %run_scoped3A_35 = tpu.sem_alloc : memref<!tpu.dma_semaphore, #tpu.memory_space<semaphore_mem>>
        %dma_start3A = arith.constant 0 : i32
        %dma_start3A_36 = arith.constant 0 : i32
        %dma_start3A_37 = tpu.memref_slice %arg4[%dma_start3A, %dma_start3A_36] : memref<88x128xi32, #tpu.memory_space<vmem>> -> memref<72x128xi32, #tpu.memory_space<vmem>>
        %dma_start3A_38 = arith.constant 0 : i32
        %dma_start3A_39 = tpu.memref_slice %arg2[%run_scoped3A, %add3A_34, %dma_start3A_38] : memref<2x2560x128xi32, #tpu.memory_space<hbm>> -> memref<1x72x128xi32, #tpu.memory_space<hbm>>
        %dma_start3A_40 = tpu.memref_squeeze %dma_start3A_39 : memref<1x72x128xi32, #tpu.memory_space<hbm>> -> memref<72x128xi32, #tpu.memory_space<hbm>>
        %dma_start3A_41 = arith.constant 0 : i32
        %dma_start3A_42 = arith.constant 0 : i32
        %dma_start3A_43 = tpu.memref_slice %arg4[%dma_start3A_41, %dma_start3A_42] : memref<88x128xi32, #tpu.memory_space<vmem>> -> memref<72x128xi32, #tpu.memory_space<vmem>>
        %dma_start3A_44 = arith.constant 0 : i32
        %dma_start3A_45 = tpu.memref_slice %arg2[%run_scoped3A, %add3A_34, %dma_start3A_44] : memref<2x2560x128xi32, #tpu.memory_space<hbm>> -> memref<1x72x128xi32, #tpu.memory_space<hbm>>
        %dma_start3A_46 = tpu.memref_squeeze %dma_start3A_45 : memref<1x72x128xi32, #tpu.memory_space<hbm>> -> memref<72x128xi32, #tpu.memory_space<hbm>>
        tpu.enqueue_dma source(%dma_start3A_46 : memref<72x128xi32, #tpu.memory_space<hbm>>) target(%dma_start3A_43 : memref<72x128xi32, #tpu.memory_space<vmem>>) target_semaphore(%run_scoped3A_35 : memref<!tpu.dma_semaphore, #tpu.memory_space<semaphore_mem>>)
        %dma_wait3A = arith.constant 0 : i32
        %dma_wait3A_47 = arith.constant 0 : i32
        %dma_wait3A_48 = tpu.memref_slice %arg4[%dma_wait3A, %dma_wait3A_47] : memref<88x128xi32, #tpu.memory_space<vmem>> -> memref<72x128xi32, #tpu.memory_space<vmem>>
        %dma_wait3A_49 = arith.constant 0 : i32
        %dma_wait3A_50 = tpu.memref_slice %arg2[%run_scoped3A, %add3A_34, %dma_wait3A_49] : memref<2x2560x128xi32, #tpu.memory_space<hbm>> -> memref<1x72x128xi32, #tpu.memory_space<hbm>>
        %dma_wait3A_51 = tpu.memref_squeeze %dma_wait3A_50 : memref<1x72x128xi32, #tpu.memory_space<hbm>> -> memref<72x128xi32, #tpu.memory_space<hbm>>
        %dma_wait3A_52 = arith.constant 0 : i32
        %dma_wait3A_53 = arith.constant 0 : i32
        %dma_wait3A_54 = tpu.memref_slice %arg4[%dma_wait3A_52, %dma_wait3A_53] : memref<88x128xi32, #tpu.memory_space<vmem>> -> memref<72x128xi32, #tpu.memory_space<vmem>>
        %dma_wait3A_55 = arith.constant 0 : i32
        %dma_wait3A_56 = tpu.memref_slice %arg2[%run_scoped3A, %add3A_34, %dma_wait3A_55] : memref<2x2560x128xi32, #tpu.memory_space<hbm>> -> memref<1x72x128xi32, #tpu.memory_space<hbm>>
        %dma_wait3A_57 = tpu.memref_squeeze %dma_wait3A_56 : memref<1x72x128xi32, #tpu.memory_space<hbm>> -> memref<72x128xi32, #tpu.memory_space<hbm>>
        tpu.wait_dma2 semaphore(%run_scoped3A_35 : memref<!tpu.dma_semaphore, #tpu.memory_space<semaphore_mem>>) src(%dma_wait3A_57 : memref<72x128xi32, #tpu.memory_space<hbm>>) dst(%dma_wait3A_54 : memref<72x128xi32, #tpu.memory_space<vmem>>)
        tpu.yield
      }) : () -> ()
    } else {
    }
    %barrier3A = arith.constant 0 : index
    tpu.barrier barrier_id(%barrier3A)
    %eq3A_17 = arith.constant 0 : i32
    %eq3A_18 = arith.cmpi eq, %arg0, %eq3A_17 : i32
    %convert_element_type3A_19 = arith.extui %eq3A_18 : i1 to i32
    %cond3A_20 = arith.constant 0 : i32
    %cond3A_21 = arith.cmpi ne, %convert_element_type3A_19, %cond3A_20 : i32
    scf.if %cond3A_21 {
      %scan3A_32 = arith.constant 0 : i32
      %scan3A_33 = arith.constant 88 : i32
      %scan3A_34 = arith.addi %scan3A_32, %scan3A_33 : i32
      %scan3A_35 = arith.constant 1 : i32
      scf.for %scan3A_37 = %scan3A_32 to %scan3A_34 step %scan3A_35  : i32 {
        "tpu.region"() ({
          %run_scoped3A = tpu.sem_alloc : memref<!tpu.dma_semaphore, #tpu.memory_space<semaphore_mem>>
          %dma_start3A = arith.constant 0 : i32
          %dma_start3A_38 = tpu.memref_slice %arg4[%scan3A_37, %dma_start3A] : memref<88x128xi32, #tpu.memory_space<vmem>> -> memref<1x128xi32, #tpu.memory_space<vmem>>
          %dma_start3A_39 = tpu.memref_squeeze %dma_start3A_38 : memref<1x128xi32, #tpu.memory_space<vmem>> -> memref<128xi32, #tpu.memory_space<vmem>>
          %dma_start3A_40 = arith.constant 0 : i32
          %dma_start3A_41 = tpu.memref_slice %arg7[%dma_start3A_40] : memref<10240xf32, #tpu.memory_space<vmem_shared>> -> memref<10240xf32, #tpu.memory_space<vmem_shared>>
          tpu.enqueue_indirect_dma source(%arg6 : memref<128xf32, #tpu.memory_space<vmem>>) target(%dma_start3A_41 : memref<10240xf32, #tpu.memory_space<vmem_shared>>) offsets(%dma_start3A_39 : memref<128xi32, #tpu.memory_space<vmem>>) semaphore(%run_scoped3A : memref<!tpu.dma_semaphore, #tpu.memory_space<semaphore_mem>>) {add = true}
          %dma_wait3A = arith.constant 0 : i32
          %dma_wait3A_42 = tpu.memref_slice %arg4[%scan3A_37, %dma_wait3A] : memref<88x128xi32, #tpu.memory_space<vmem>> -> memref<1x128xi32, #tpu.memory_space<vmem>>
          %dma_wait3A_43 = tpu.memref_squeeze %dma_wait3A_42 : memref<1x128xi32, #tpu.memory_space<vmem>> -> memref<128xi32, #tpu.memory_space<vmem>>
          %dma_wait3A_44 = arith.constant 0 : i32
          %dma_wait3A_45 = tpu.memref_slice %arg7[%dma_wait3A_44] : memref<10240xf32, #tpu.memory_space<vmem_shared>> -> memref<10240xf32, #tpu.memory_space<vmem_shared>>
          tpu.wait_indirect_dma semaphore(%run_scoped3A : memref<!tpu.dma_semaphore, #tpu.memory_space<semaphore_mem>>) src(%arg6 : memref<128xf32, #tpu.memory_space<vmem>>) dst(%dma_wait3A_45 : memref<10240xf32, #tpu.memory_space<vmem_shared>>)
          tpu.yield
        }) : () -> ()
      }
      %scan3A_36 = arith.constant 88 : i32
    } else {
    }
    %eq3A_22 = arith.constant 1 : i32
    %eq3A_23 = arith.cmpi eq, %arg0, %eq3A_22 : i32
    %convert_element_type3A_24 = arith.extui %eq3A_23 : i1 to i32
    %cond3A_25 = arith.constant 0 : i32
    %cond3A_26 = arith.cmpi ne, %convert_element_type3A_24, %cond3A_25 : i32
    scf.if %cond3A_26 {
      %scan3A_32 = arith.constant 0 : i32
      %scan3A_33 = arith.constant 72 : i32
      %scan3A_34 = arith.addi %scan3A_32, %scan3A_33 : i32
      %scan3A_35 = arith.constant 1 : i32
      scf.for %scan3A_37 = %scan3A_32 to %scan3A_34 step %scan3A_35  : i32 {
        "tpu.region"() ({
          %run_scoped3A = tpu.sem_alloc : memref<!tpu.dma_semaphore, #tpu.memory_space<semaphore_mem>>
          %dma_start3A = arith.constant 0 : i32
          %dma_start3A_38 = tpu.memref_slice %arg4[%scan3A_37, %dma_start3A] : memref<88x128xi32, #tpu.memory_space<vmem>> -> memref<1x128xi32, #tpu.memory_space<vmem>>
          %dma_start3A_39 = tpu.memref_squeeze %dma_start3A_38 : memref<1x128xi32, #tpu.memory_space<vmem>> -> memref<128xi32, #tpu.memory_space<vmem>>
          %dma_start3A_40 = arith.constant 0 : i32
          %dma_start3A_41 = tpu.memref_slice %arg7[%dma_start3A_40] : memref<10240xf32, #tpu.memory_space<vmem_shared>> -> memref<10240xf32, #tpu.memory_space<vmem_shared>>
          tpu.enqueue_indirect_dma source(%arg6 : memref<128xf32, #tpu.memory_space<vmem>>) target(%dma_start3A_41 : memref<10240xf32, #tpu.memory_space<vmem_shared>>) offsets(%dma_start3A_39 : memref<128xi32, #tpu.memory_space<vmem>>) semaphore(%run_scoped3A : memref<!tpu.dma_semaphore, #tpu.memory_space<semaphore_mem>>) {add = true}
          %dma_wait3A = arith.constant 0 : i32
          %dma_wait3A_42 = tpu.memref_slice %arg4[%scan3A_37, %dma_wait3A] : memref<88x128xi32, #tpu.memory_space<vmem>> -> memref<1x128xi32, #tpu.memory_space<vmem>>
          %dma_wait3A_43 = tpu.memref_squeeze %dma_wait3A_42 : memref<1x128xi32, #tpu.memory_space<vmem>> -> memref<128xi32, #tpu.memory_space<vmem>>
          %dma_wait3A_44 = arith.constant 0 : i32
          %dma_wait3A_45 = tpu.memref_slice %arg7[%dma_wait3A_44] : memref<10240xf32, #tpu.memory_space<vmem_shared>> -> memref<10240xf32, #tpu.memory_space<vmem_shared>>
          tpu.wait_indirect_dma semaphore(%run_scoped3A : memref<!tpu.dma_semaphore, #tpu.memory_space<semaphore_mem>>) src(%arg6 : memref<128xf32, #tpu.memory_space<vmem>>) dst(%dma_wait3A_45 : memref<10240xf32, #tpu.memory_space<vmem_shared>>)
          tpu.yield
        }) : () -> ()
      }
      %scan3A_36 = arith.constant 72 : i32
    } else {
    }
    %barrier3A_27 = arith.constant 0 : index
    tpu.barrier barrier_id(%barrier3A_27)
    %mul3A_28 = arith.constant 640 : i32
    %mul3A_29 = arith.muli %arg1, %mul3A_28 : i32
    %mul3A_30 = arith.constant 640 : i32
    %mul3A_31 = arith.muli %arg1, %mul3A_30 : i32
    "tpu.region"() ({
      %run_scoped3A = tpu.sem_alloc : memref<!tpu.dma_semaphore, #tpu.memory_space<semaphore_mem>>
      %dma_start3A = tpu.memref_slice %arg3[%arg0, %mul3A_31] : memref<2x10240xf32, #tpu.memory_space<hbm>> -> memref<1x640xf32, #tpu.memory_space<hbm>>
      %dma_start3A_32 = tpu.memref_squeeze %dma_start3A : memref<1x640xf32, #tpu.memory_space<hbm>> -> memref<640xf32, #tpu.memory_space<hbm>>
      %dma_start3A_33 = tpu.memref_slice %arg7[%mul3A_29] : memref<10240xf32, #tpu.memory_space<vmem_shared>> -> memref<640xf32, #tpu.memory_space<vmem_shared>>
      tpu.enqueue_dma source(%dma_start3A_33 : memref<640xf32, #tpu.memory_space<vmem_shared>>) target(%dma_start3A_32 : memref<640xf32, #tpu.memory_space<hbm>>) target_semaphore(%run_scoped3A : memref<!tpu.dma_semaphore, #tpu.memory_space<semaphore_mem>>)
      %dma_wait3A = tpu.memref_slice %arg3[%arg0, %mul3A_31] : memref<2x10240xf32, #tpu.memory_space<hbm>> -> memref<1x640xf32, #tpu.memory_space<hbm>>
      %dma_wait3A_34 = tpu.memref_squeeze %dma_wait3A : memref<1x640xf32, #tpu.memory_space<hbm>> -> memref<640xf32, #tpu.memory_space<hbm>>
      %dma_wait3A_35 = tpu.memref_slice %arg7[%mul3A_29] : memref<10240xf32, #tpu.memory_space<vmem_shared>> -> memref<640xf32, #tpu.memory_space<vmem_shared>>
      tpu.wait_dma2 semaphore(%run_scoped3A : memref<!tpu.dma_semaphore, #tpu.memory_space<semaphore_mem>>) src(%dma_wait3A_35 : memref<640xf32, #tpu.memory_space<vmem_shared>>) dst(%dma_wait3A_34 : memref<640xf32, #tpu.memory_space<hbm>>)
      tpu.yield
    }) : () -> ()
    return
  }
}

module attributes {stable_mosaic.version = 14 : i64} {
  func.func @body(%arg0: i32, %arg1: memref<10240x128xf32, #tpu.memory_space<vmem>>, %arg2: memref<128x64xf32, #tpu.memory_space<vmem>>, %arg3: memref<1x64xf32, #tpu.memory_space<vmem>>, %arg4: memref<10240x64xf32, #tpu.memory_space<vmem>>) attributes {dimension_semantics = [#tpu.dimension_semantics<arbitrary>], iteration_bounds = array<i64: 1>, scalar_prefetch = 0 : i64, scratch_operands = 0 : i64, tpu.core_type = #tpu.core_type<tc>, window_params = [{transform_indices = @transform_0, window_bounds = array<i64: 10240, 128>}, {pipeline_mode = #tpu.pipeline_mode<synchronous>, transform_indices = @transform_1, window_bounds = array<i64: 128, 64>}, {pipeline_mode = #tpu.pipeline_mode<synchronous>, transform_indices = @transform_2, window_bounds = array<i64: 1, 64>}, {transform_indices = @transform_3, window_bounds = array<i64: 10240, 64>}]} {
    %get3A = arith.constant 0 : index
    %get3A_0 = arith.constant 0 : index
    %get3A_1 = vector.load %arg1[%get3A, %get3A_0] : memref<10240x128xf32, #tpu.memory_space<vmem>>, vector<10240x128xf32>
    %get3A_2 = arith.constant 0 : index
    %get3A_3 = arith.constant 0 : index
    %get3A_4 = vector.load %arg2[%get3A_2, %get3A_3] : memref<128x64xf32, #tpu.memory_space<vmem>>, vector<128x64xf32>
    %dot_general3A = arith.constant dense<0.000000e+00> : vector<10240x64xf32>
    %dot_general3A_5 = tpu.matmul %get3A_1, %get3A_4, %dot_general3A {dimension_numbers = #tpu.dot_dimension_numbers<[1], [0], [0], [1], [0, 0, 1, 1], [], []>, transpose_lhs_hint = false} : vector<10240x128xf32>, vector<128x64xf32>, vector<10240x64xf32> -> vector<10240x64xf32>
    %get3A_6 = arith.constant 0 : index
    %get3A_7 = arith.constant 0 : index
    %get3A_8 = vector.load %arg3[%get3A_6, %get3A_7] : memref<1x64xf32, #tpu.memory_space<vmem>>, vector<1x64xf32>
    %add3A = vector.broadcast %get3A_8 : vector<1x64xf32> to vector<10240x64xf32>
    %add3A_9 = arith.addf %dot_general3A_5, %add3A : vector<10240x64xf32>
    %swap3A = arith.constant 0 : index
    %swap3A_10 = arith.constant 0 : index
    %swap3A_11 = vector.load %arg4[%swap3A, %swap3A_10] : memref<10240x64xf32, #tpu.memory_space<vmem>>, vector<10240x64xf32>
    tpu.vector_store %arg4[%swap3A, %swap3A_10], %add3A_9 {strides = array<i32>} : memref<10240x64xf32, #tpu.memory_space<vmem>>, vector<10240x64xf32>,
    return
  }
  func.func @transform_0(%arg0: i32) -> (i32, i32) {
    %c0_i32 = arith.constant 0 : i32
    %c0_i32_0 = arith.constant 0 : i32
    return %arg0, %c0_i32 : i32, i32
  }
  func.func @transform_1(%arg0: i32) -> (i32, i32) {
    %c0_i32 = arith.constant 0 : i32
    %c0_i32_0 = arith.constant 0 : i32
    %c0_i32_1 = arith.constant 0 : i32
    return %c0_i32, %c0_i32_0 : i32, i32
  }
  func.func @transform_2(%arg0: i32) -> (i32, i32) {
    %c0_i32 = arith.constant 0 : i32
    %c0_i32_0 = arith.constant 0 : i32
    %c0_i32_1 = arith.constant 0 : i32
    return %c0_i32, %c0_i32_0 : i32, i32
  }
  func.func @transform_3(%arg0: i32) -> (i32, i32) {
    %c0_i32 = arith.constant 0 : i32
    %c0_i32_0 = arith.constant 0 : i32
    return %arg0, %c0_i32 : i32, i32
  }
}

module attributes {stable_mosaic.version = 14 : i64} {
  func.func @body(%arg0: i32, %arg1: memref<10240x2xf32, #tpu.memory_space<vmem>>, %arg2: memref<10240x64xf32, #tpu.memory_space<vmem>>, %arg3: memref<10240x64xf32, #tpu.memory_space<vmem>>, %arg4: memref<10240x1xf32, #tpu.memory_space<vmem>>) attributes {dimension_semantics = [#tpu.dimension_semantics<arbitrary>], iteration_bounds = array<i64: 1>, scalar_prefetch = 0 : i64, scratch_operands = 0 : i64, tpu.core_type = #tpu.core_type<tc>, window_params = [{transform_indices = @transform_0, window_bounds = array<i64: 10240, 2>}, {transform_indices = @transform_1, window_bounds = array<i64: 10240, 64>}, {transform_indices = @transform_2, window_bounds = array<i64: 10240, 64>}, {transform_indices = @transform_3, window_bounds = array<i64: 10240, 1>}]} {
    %get3A = arith.constant 0 : index
    %get3A_0 = arith.constant 0 : index
    %get3A_1 = vector.load %arg1[%get3A, %get3A_0] : memref<10240x2xf32, #tpu.memory_space<vmem>>, vector<10240x1xf32>
    %get3A_2 = arith.constant 0 : index
    %get3A_3 = arith.constant 1 : index
    %get3A_4 = vector.load %arg1[%get3A_2, %get3A_3] : memref<10240x2xf32, #tpu.memory_space<vmem>>, vector<10240x1xf32>
    %add3A = arith.addf %get3A_1, %get3A_4 : vector<10240x1xf32>
    %add3A_5 = arith.constant 1.000000e+00 : f32
    %add3A_6 = vector.broadcast %add3A_5 : f32 to vector<10240x1xf32>
    %add3A_7 = arith.addf %add3A, %add3A_6 : vector<10240x1xf32>
    %rsqrt3A = math.rsqrt %add3A_7 : vector<10240x1xf32>
    %mul3A = arith.constant 10240 : i32
    %mul3A_8 = arith.muli %arg0, %mul3A : i32
    %iota3A = tpu.iota {dimensions = array<i32: 0>} : vector<10240x1xi32>
    %add3A_9 = vector.broadcast %mul3A_8 : i32 to vector<10240x1xi32>
    %add3A_10 = arith.addi %add3A_9, %iota3A : vector<10240x1xi32>
    %lt3A = arith.constant 10000 : i32
    %lt3A_11 = vector.broadcast %lt3A : i32 to vector<10240x1xi32>
    %lt3A_12 = arith.cmpi slt, %add3A_10, %lt3A_11 : vector<10240x1xi32>
    %jit3A = arith.constant 0.000000e+00 : f32
    %broadcast_in_dim3A = vector.broadcast %jit3A : f32 to vector<10240x1xf32>
    %select_n3A = arith.select %lt3A_12, %rsqrt3A, %broadcast_in_dim3A : vector<10240x1xi1>, vector<10240x1xf32>
    %get3A_13 = arith.constant 0 : index
    %get3A_14 = arith.constant 0 : index
    %get3A_15 = vector.load %arg2[%get3A_13, %get3A_14] : memref<10240x64xf32, #tpu.memory_space<vmem>>, vector<10240x64xf32>
    %mul3A_16 = vector.broadcast %select_n3A : vector<10240x1xf32> to vector<10240x64xf32>
    %mul3A_17 = arith.mulf %get3A_15, %mul3A_16 : vector<10240x64xf32>
    %swap3A = arith.constant 0 : index
    %swap3A_18 = arith.constant 0 : index
    %swap3A_19 = vector.load %arg3[%swap3A, %swap3A_18] : memref<10240x64xf32, #tpu.memory_space<vmem>>, vector<10240x64xf32>
    tpu.vector_store %arg3[%swap3A, %swap3A_18], %mul3A_17 {strides = array<i32>} : memref<10240x64xf32, #tpu.memory_space<vmem>>, vector<10240x64xf32>,
    %swap3A_20 = arith.constant 0 : index
    %swap3A_21 = arith.constant 0 : index
    %swap3A_22 = vector.load %arg4[%swap3A_20, %swap3A_21] : memref<10240x1xf32, #tpu.memory_space<vmem>>, vector<10240x1xf32>
    tpu.vector_store %arg4[%swap3A_20, %swap3A_21], %select_n3A {strides = array<i32>} : memref<10240x1xf32, #tpu.memory_space<vmem>>, vector<10240x1xf32>,
    return
  }
  func.func @transform_0(%arg0: i32) -> (i32, i32) {
    %c0_i32 = arith.constant 0 : i32
    %c0_i32_0 = arith.constant 0 : i32
    return %arg0, %c0_i32 : i32, i32
  }
  func.func @transform_1(%arg0: i32) -> (i32, i32) {
    %c0_i32 = arith.constant 0 : i32
    %c0_i32_0 = arith.constant 0 : i32
    return %arg0, %c0_i32 : i32, i32
  }
  func.func @transform_2(%arg0: i32) -> (i32, i32) {
    %c0_i32 = arith.constant 0 : i32
    %c0_i32_0 = arith.constant 0 : i32
    return %arg0, %c0_i32 : i32, i32
  }
  func.func @transform_3(%arg0: i32) -> (i32, i32) {
    %c0_i32 = arith.constant 0 : i32
    %c0_i32_0 = arith.constant 0 : i32
    return %arg0, %c0_i32 : i32, i32
  }
}

module attributes {stable_mosaic.version = 14 : i64} {
  func.func @body(%arg0: i32, %arg1: memref<2x10240x64xf32, #tpu.memory_space<vmem>>, %arg2: memref<10240x64xf32, #tpu.memory_space<vmem>>, %arg3: memref<10240x1xf32, #tpu.memory_space<vmem>>, %arg4: memref<64x10xf32, #tpu.memory_space<vmem>>, %arg5: memref<1x10xf32, #tpu.memory_space<vmem>>, %arg6: memref<10240x16xf32, #tpu.memory_space<vmem>>) attributes {dimension_semantics = [#tpu.dimension_semantics<arbitrary>], iteration_bounds = array<i64: 1>, scalar_prefetch = 0 : i64, scratch_operands = 0 : i64, tpu.core_type = #tpu.core_type<tc>, window_params = [{transform_indices = @transform_0, window_bounds = array<i64: 2, 10240, 64>}, {transform_indices = @transform_1, window_bounds = array<i64: 10240, 64>}, {transform_indices = @transform_2, window_bounds = array<i64: 10240, 1>}, {pipeline_mode = #tpu.pipeline_mode<synchronous>, transform_indices = @transform_3, window_bounds = array<i64: 64, 10>}, {pipeline_mode = #tpu.pipeline_mode<synchronous>, transform_indices = @transform_4, window_bounds = array<i64: 1, 10>}, {transform_indices = @transform_5, window_bounds = array<i64: 10240, 16>}]} {
    %get3A = arith.constant 0 : index
    %get3A_0 = arith.constant 0 : index
    %get3A_1 = vector.load %arg3[%get3A, %get3A_0] : memref<10240x1xf32, #tpu.memory_space<vmem>>, vector<10240x1xf32>
    %get3A_2 = arith.constant 0 : index
    %get3A_3 = arith.constant 0 : index
    %get3A_4 = arith.constant 0 : index
    %get3A_5 = vector.load %arg1[%get3A_2, %get3A_3, %get3A_4] : memref<2x10240x64xf32, #tpu.memory_space<vmem>>, vector<1x10240x64xf32>
    %get3A_6 = vector.shape_cast %get3A_5 : vector<1x10240x64xf32> to vector<10240x64xf32>
    %get3A_7 = arith.constant 1 : index
    %get3A_8 = arith.constant 0 : index
    %get3A_9 = arith.constant 0 : index
    %get3A_10 = vector.load %arg1[%get3A_7, %get3A_8, %get3A_9] : memref<2x10240x64xf32, #tpu.memory_space<vmem>>, vector<1x10240x64xf32>
    %get3A_11 = vector.shape_cast %get3A_10 : vector<1x10240x64xf32> to vector<10240x64xf32>
    %add3A = arith.addf %get3A_6, %get3A_11 : vector<10240x64xf32>
    %get3A_12 = arith.constant 0 : index
    %get3A_13 = arith.constant 0 : index
    %get3A_14 = vector.load %arg2[%get3A_12, %get3A_13] : memref<10240x64xf32, #tpu.memory_space<vmem>>, vector<10240x64xf32>
    %add3A_15 = arith.addf %add3A, %get3A_14 : vector<10240x64xf32>
    %mul3A = vector.broadcast %get3A_1 : vector<10240x1xf32> to vector<10240x64xf32>
    %mul3A_16 = arith.mulf %mul3A, %add3A_15 : vector<10240x64xf32>
    %max3A = arith.constant 0.000000e+00 : f32
    %max3A_17 = vector.broadcast %max3A : f32 to vector<10240x64xf32>
    %max3A_18 = arith.maximumf %mul3A_16, %max3A_17 : vector<10240x64xf32>
    %get3A_19 = arith.constant 0 : index
    %get3A_20 = arith.constant 0 : index
    %get3A_21 = vector.load %arg4[%get3A_19, %get3A_20] : memref<64x10xf32, #tpu.memory_space<vmem>>, vector<64x10xf32>
    %dot_general3A = arith.constant dense<0.000000e+00> : vector<10240x10xf32>
    %dot_general3A_22 = tpu.matmul %max3A_18, %get3A_21, %dot_general3A {dimension_numbers = #tpu.dot_dimension_numbers<[1], [0], [0], [1], [0, 0, 1, 1], [], []>, transpose_lhs_hint = false} : vector<10240x64xf32>, vector<64x10xf32>, vector<10240x10xf32> -> vector<10240x10xf32>
    %get3A_23 = arith.constant 0 : index
    %get3A_24 = arith.constant 0 : index
    %get3A_25 = vector.load %arg5[%get3A_23, %get3A_24] : memref<1x10xf32, #tpu.memory_space<vmem>>, vector<1x10xf32>
    %add3A_26 = vector.broadcast %get3A_25 : vector<1x10xf32> to vector<10240x10xf32>
    %add3A_27 = arith.addf %dot_general3A_22, %add3A_26 : vector<10240x10xf32>
    %broadcast_in_dim3A = arith.constant 0.000000e+00 : f32
    %broadcast_in_dim3A_28 = vector.broadcast %broadcast_in_dim3A : f32 to vector<10240x6xf32>
    %swap3A = arith.constant 0 : index
    %swap3A_29 = arith.constant 10 : index
    %swap3A_30 = vector.load %arg6[%swap3A, %swap3A_29] : memref<10240x16xf32, #tpu.memory_space<vmem>>, vector<10240x6xf32>
    tpu.vector_store %arg6[%swap3A, %swap3A_29], %broadcast_in_dim3A_28 {strides = array<i32>} : memref<10240x16xf32, #tpu.memory_space<vmem>>, vector<10240x6xf32>,
    %mul3A_31 = vector.broadcast %get3A_1 : vector<10240x1xf32> to vector<10240x10xf32>
    %mul3A_32 = arith.mulf %add3A_27, %mul3A_31 : vector<10240x10xf32>
    %swap3A_33 = arith.constant 0 : index
    %swap3A_34 = arith.constant 0 : index
    %swap3A_35 = vector.load %arg6[%swap3A_33, %swap3A_34] : memref<10240x16xf32, #tpu.memory_space<vmem>>, vector<10240x10xf32>
    tpu.vector_store %arg6[%swap3A_33, %swap3A_34], %mul3A_32 {strides = array<i32>} : memref<10240x16xf32, #tpu.memory_space<vmem>>, vector<10240x10xf32>,
    return
  }
  func.func @transform_0(%arg0: i32) -> (i32, i32, i32) {
    %c0_i32 = arith.constant 0 : i32
    %c0_i32_0 = arith.constant 0 : i32
    %c0_i32_1 = arith.constant 0 : i32
    return %c0_i32, %arg0, %c0_i32_0 : i32, i32, i32
  }
  func.func @transform_1(%arg0: i32) -> (i32, i32) {
    %c0_i32 = arith.constant 0 : i32
    %c0_i32_0 = arith.constant 0 : i32
    return %arg0, %c0_i32 : i32, i32
  }
  func.func @transform_2(%arg0: i32) -> (i32, i32) {
    %c0_i32 = arith.constant 0 : i32
    %c0_i32_0 = arith.constant 0 : i32
    return %arg0, %c0_i32 : i32, i32
  }
  func.func @transform_3(%arg0: i32) -> (i32, i32) {
    %c0_i32 = arith.constant 0 : i32
    %c0_i32_0 = arith.constant 0 : i32
    %c0_i32_1 = arith.constant 0 : i32
    return %c0_i32, %c0_i32_0 : i32, i32
  }
  func.func @transform_4(%arg0: i32) -> (i32, i32) {
    %c0_i32 = arith.constant 0 : i32
    %c0_i32_0 = arith.constant 0 : i32
    %c0_i32_1 = arith.constant 0 : i32
    return %c0_i32, %c0_i32_0 : i32, i32
  }
  func.func @transform_5(%arg0: i32) -> (i32, i32) {
    %c0_i32 = arith.constant 0 : i32
    %c0_i32_0 = arith.constant 0 : i32
    return %arg0, %c0_i32 : i32, i32
  }
}

module attributes {stable_mosaic.version = 14 : i64} {
  func.func @body(%arg0: i32, %arg1: memref<2x10240x16xf32, #tpu.memory_space<vmem>>, %arg2: memref<10240x16xf32, #tpu.memory_space<vmem>>, %arg3: memref<10240x1xf32, #tpu.memory_space<vmem>>, %arg4: memref<10240x10xf32, #tpu.memory_space<vmem>>) attributes {dimension_semantics = [#tpu.dimension_semantics<arbitrary>], iteration_bounds = array<i64: 1>, scalar_prefetch = 0 : i64, scratch_operands = 0 : i64, tpu.core_type = #tpu.core_type<tc>, window_params = [{transform_indices = @transform_0, window_bounds = array<i64: 2, 10240, 16>}, {transform_indices = @transform_1, window_bounds = array<i64: 10240, 16>}, {transform_indices = @transform_2, window_bounds = array<i64: 10240, 1>}, {transform_indices = @transform_3, window_bounds = array<i64: 10240, 10>}]} {
    %get3A = arith.constant 0 : index
    %get3A_0 = arith.constant 0 : index
    %get3A_1 = vector.load %arg3[%get3A, %get3A_0] : memref<10240x1xf32, #tpu.memory_space<vmem>>, vector<10240x1xf32>
    %get3A_2 = arith.constant 0 : index
    %get3A_3 = arith.constant 0 : index
    %get3A_4 = arith.constant 0 : index
    %get3A_5 = vector.load %arg1[%get3A_2, %get3A_3, %get3A_4] : memref<2x10240x16xf32, #tpu.memory_space<vmem>>, vector<1x10240x16xf32>
    %get3A_6 = vector.shape_cast %get3A_5 : vector<1x10240x16xf32> to vector<10240x16xf32>
    %get3A_7 = arith.constant 1 : index
    %get3A_8 = arith.constant 0 : index
    %get3A_9 = arith.constant 0 : index
    %get3A_10 = vector.load %arg1[%get3A_7, %get3A_8, %get3A_9] : memref<2x10240x16xf32, #tpu.memory_space<vmem>>, vector<1x10240x16xf32>
    %get3A_11 = vector.shape_cast %get3A_10 : vector<1x10240x16xf32> to vector<10240x16xf32>
    %add3A = arith.addf %get3A_6, %get3A_11 : vector<10240x16xf32>
    %get3A_12 = arith.constant 0 : index
    %get3A_13 = arith.constant 0 : index
    %get3A_14 = vector.load %arg2[%get3A_12, %get3A_13] : memref<10240x16xf32, #tpu.memory_space<vmem>>, vector<10240x16xf32>
    %add3A_15 = arith.addf %add3A, %get3A_14 : vector<10240x16xf32>
    %mul3A = vector.broadcast %get3A_1 : vector<10240x1xf32> to vector<10240x16xf32>
    %mul3A_16 = arith.mulf %mul3A, %add3A_15 : vector<10240x16xf32>
    %slice3A = vector.extract_strided_slice %mul3A_16 {offsets = [0, 0], sizes = [10240, 10], strides = [1, 1]} : vector<10240x16xf32> to vector<10240x10xf32>
    %swap3A = arith.constant 0 : index
    %swap3A_17 = arith.constant 0 : index
    %swap3A_18 = vector.load %arg4[%swap3A, %swap3A_17] : memref<10240x10xf32, #tpu.memory_space<vmem>>, vector<10240x10xf32>
    tpu.vector_store %arg4[%swap3A, %swap3A_17], %slice3A {strides = array<i32>} : memref<10240x10xf32, #tpu.memory_space<vmem>>, vector<10240x10xf32>,
    return
  }
  func.func @transform_0(%arg0: i32) -> (i32, i32, i32) {
    %c0_i32 = arith.constant 0 : i32
    %c0_i32_0 = arith.constant 0 : i32
    %c0_i32_1 = arith.constant 0 : i32
    return %c0_i32, %arg0, %c0_i32_0 : i32, i32, i32
  }
  func.func @transform_1(%arg0: i32) -> (i32, i32) {
    %c0_i32 = arith.constant 0 : i32
    %c0_i32_0 = arith.constant 0 : i32
    return %arg0, %c0_i32 : i32, i32
  }
  func.func @transform_2(%arg0: i32) -> (i32, i32) {
    %c0_i32 = arith.constant 0 : i32
    %c0_i32_0 = arith.constant 0 : i32
    return %arg0, %c0_i32 : i32, i32
  }
  func.func @transform_3(%arg0: i32) -> (i32, i32) {
    %c0_i32 = arith.constant 0 : i32
    %c0_i32_0 = arith.constant 0 : i32
    return %arg0, %c0_i32 : i32, i32
  }
}

</mosaic_0001>

<sc_bundles>
// kernel: kernel.12.cloned.1.call-start
scs
__scs_entry_jumppad:
0x0: {  	(pc) =	sbr.rel $0x88, $3  }
0x1: {  	(tag) =	ssettag $0x0;
	lr =	simm.s32 $0x1  }
0x2: {  	[smem:$0x3F9B] =	sst lr;
	_ =	strace $0xD0000000  }
0x3: {  	_ = 	snop  }
0x4: {  	_ = 	snop  }
0x5: {  	_ = 	snop  }
0x6: {  	_ = 	snop  }
0x7: {  	_ = 	snop  }
__scs_overlays_trampoline_lowered:
0x8: {  	[smem:$0x3FAA] =	sst s0  }
0x9: {  	[smem:$0x3FAB] =	sst s1  }
0xa: {  	[smem:$0x3FAC] =	sst s2  }
0xb: {  	[smem:$0x3FAD] =	sst s3  }
0xc: {  	[smem:$0x3FAE] =	sst s4  }
0xd: {  	[smem:$0x3FAF] =	sst s5  }
0xe: {  	[smem:$0x3FB0] =	sst s6  }
0xf: {  	[smem:$0x3FB1] =	sst s7  }
0x10: {  	[smem:$0x3FB2] =	sst s8  }
0x11: {  	[smem:$0x3FB3] =	sst s9;
	s0 =	simm.s32 @!p0 $0x0  }
0x12: {  	s1 =	sld [smem:$0x3F99];
	s0 =	simm.s32 @p0 $0x1  }
0x13: {  	[smem:$0x3FB4] =	sst s0;
	s0 =	simm.s32 @!p1 $0x0  }
0x14: {  	s2 =	sld [smem:$0x3F98];
	s0 =	simm.s32 @p1 $0x1  }
0x15: {  	[smem:$0x3FB5] =	sst s0;
	s0 =	simm.s32 @!p2 $0x0  }
0x16: {  	s3 =	sld [smem:$0x3FDB];
	s0 =	simm.s32 @p2 $0x1  }
0x17: {  	s4 =	simm.s32 $0x1BF5;
	[smem:$0x3FB7] =	sst s0  }
0x18: {  	s0 =	sld [smem:$0x3F9A];
	_ =	swait.ge [sflag:s4], $0x0  }
0x19: {  	s7 =	sld [smem:$0x3F9B]  }
0x1a: {  	s8 =	sadd.s32 $0xFFFFE003, lr  }
0x1b: {  	s9 =	sadd.s32 $0xFFFFFEF7, lr;
	s5 =	simm.s32 $0xFFFFFFFF;
	p2 =	slt.u32 s8, $0xFFFFF086  }
0x1c: {  	p1 =	slt.u32 s9, $0xF7A;
	s5 =	simm.s32 @!p2 $0x0  }
0x1d: {  	s5 =	simm.s32 @p1 $0x1;
	p0 =	seq.s32 s7, s2  }
0x1e: {  	s7 =	smul.u32 @!p0 $0xF7A, s2;
	p2 =	seq.s32 @!p0 s5, $0x0  }
0x1f: {  	s9 =	smul.u32 $0xF7A, s1;
	s8 =	simm.s32 @!p0 $0x1BF5;
	p2 =	por !p2, p0  }
0x20: {  	[sflag:s8] =	ssyncset.s32 @!p0 $0xFFFFF086;
	s6 =	sadd.s32 @!p0 s3, s7;
	s7 =	simm.s32 @!p0 $0x108  }
0x21: {  	s3 =	sadd.s32 s3, s9;
	s6 =	sadd.s32 @!p0 $0x88, s6;
	s7 =	simm.s32 @p2 $0x1082  }
0x22: {  	[simem:s7], [sflag:s8] =	dma.local @!p0 [hbm:s6], $0xF7A  }
0x23: {  	s9 =	sor.u32 $0xD0000000, s2;
	s6 =	simm.s32 $0x108;
	_ =	swait.ge @!p0 [sflag:s8], $0x0  }
0x24: {  	s3 =	sadd.s32 $0x88, s3;
	s6 =	simm.s32 @!p1 $0x1082;
	[sflag:s4] =	ssyncset.s32 $0xFFFFF086  }
0x25: {  	[simem:s6], [sflag:s4] =	dma.local [hbm:s3], $0xF7A  }
0x26: {  	[smem:$0x3F9B] =	sst s1;
	(tag) =	ssettag s2;
	_ =	strace s9  }
0x27: {  	s1 =	sld [smem:$0x3FAB]  }
0x28: {  	s2 =	sld [smem:$0x3FAC]  }
0x29: {  	s4 =	sld [smem:$0x3FAE]  }
0x2a: {  	p0 =	seq.s32 s5, $0x0;
	s5 =	sld [smem:$0x3FAF]  }
0x2b: {  	s6 =	sld [smem:$0x3FB0]  }
0x2c: {  	s7 =	sld [smem:$0x3FB1]  }
0x2d: {  	s3 =	simm.s32 $0x108;
	s8 =	sld [smem:$0x3FB2]  }
0x2e: {  	s3 =	simm.s32 @!p0 $0x1082;
	s9 =	sld [smem:$0x3FB3]  }
0x2f: {  	lr =	sadd.s32 s0, s3;
	s0 =	sld [smem:$0x3FAA]  }
0x30: {  	s3 =	sld [smem:$0x3FAD]  }
0x31: {  	[smem:$0x3FB6] =	sst s10  }
0x32: {  	s10 =	sld [smem:$0x3FB4];
	_ =	sdelay $0x3  }
0x33: {  	p0 =	seq.s32 s10, $0x1;
	s10 =	sld [smem:$0x3FB6];
	_ =	sdelay $0x3  }
0x34: {  	[smem:$0x3FB6] =	sst s10  }
0x35: {  	s10 =	sld [smem:$0x3FB5];
	_ =	sdelay $0x3  }
0x36: {  	p1 =	seq.s32 s10, $0x1;
	s10 =	sld [smem:$0x3FB6];
	_ =	sdelay $0x3  }
0x37: {  	[smem:$0x3FB6] =	sst s10  }
0x38: {  	s10 =	sld [smem:$0x3FB7]  }
0x39: {  	_ = 	snop;
	(pc) =	sbr.ind lr, $3  }
0x3a: {  	_ = 	snop  }
0x3b: {  	_ = 	snop  }
0x3c: {  	p2 =	seq.s32 s10, $0x1;
	s10 =	sld [smem:$0x3FB6]  }
0x3d: {  	_ =	shalt  }
0x3e: {  	_ =	shalt  }
0x3f: {  	_ =	shalt  }
0x40: {  	_ =	shalt  }
0x41: {  	_ =	shalt  }
0x42: {  	_ =	shalt  }
0x43: {  	_ =	shalt  }
0x44: {  	_ =	shalt  }
0x45: {  	_ =	shalt  }
0x46: {  	_ =	shalt  }
0x47: {  	_ =	shalt  }
0x48: {  	_ =	shalt  }
0x49: {  	_ =	shalt  }
0x4a: {  	_ =	shalt  }
0x4b: {  	_ =	shalt  }
0x4c: {  	_ =	shalt  }
0x4d: {  	_ =	shalt  }
0x4e: {  	_ =	shalt  }
0x4f: {  	_ =	shalt  }
0x50: {  	_ =	shalt  }
0x51: {  	_ =	shalt  }
0x52: {  	_ =	shalt  }
0x53: {  	_ =	shalt  }
0x54: {  	_ =	shalt  }
0x55: {  	_ =	shalt  }
0x56: {  	_ =	shalt  }
0x57: {  	_ =	shalt  }
0x58: {  	_ =	shalt  }
0x59: {  	_ =	shalt  }
0x5a: {  	_ =	shalt  }
0x5b: {  	_ =	shalt  }
0x5c: {  	_ =	shalt  }
0x5d: {  	_ =	shalt  }
0x5e: {  	_ =	shalt  }
0x5f: {  	_ =	shalt  }
0x60: {  	_ =	shalt  }
0x61: {  	_ =	shalt  }
0x62: {  	_ =	shalt  }
0x63: {  	_ =	shalt  }
0x64: {  	_ =	shalt  }
0x65: {  	_ =	shalt  }
0x66: {  	_ =	shalt  }
0x67: {  	_ =	shalt  }
0x68: {  	_ =	shalt  }
0x69: {  	_ =	shalt  }
0x6a: {  	_ =	shalt  }
0x6b: {  	_ =	shalt  }
0x6c: {  	_ =	shalt  }
0x6d: {  	_ =	shalt  }
0x6e: {  	_ =	shalt  }
0x6f: {  	_ =	shalt  }
0x70: {  	_ =	shalt  }
0x71: {  	_ =	shalt  }
0x72: {  	_ =	shalt  }
0x73: {  	_ =	shalt  }
0x74: {  	_ =	shalt  }
0x75: {  	_ =	shalt  }
0x76: {  	_ =	shalt  }
0x77: {  	_ =	shalt  }
0x78: {  	_ =	shalt  }
0x79: {  	_ =	shalt  }
0x7a: {  	_ =	shalt  }
0x7b: {  	_ =	shalt  }
0x7c: {  	_ =	shalt  }
0x7d: {  	_ =	shalt  }
0x7e: {  	_ =	shalt  }
0x7f: {  	_ =	shalt  }
0x80: {  	_ =	shalt  }
0x81: {  	_ =	shalt  }
0x82: {  	_ =	shalt  }
0x83: {  	_ =	shalt  }
0x84: {  	_ =	shalt  }
0x85: {  	_ =	shalt  }
0x86: {  	_ =	shalt  }
0x87: {  	_ =	shalt  }
.Lfunc_end0:
.L_simem_size_0:
called_computation.1_lowered:
.L_overlay_start_0:
0x88: {  	s2 =	sld [smem:$0x3FD9]  }
0x89: {  	s3 =	sld [smem:$0x3FFE];
	_ =	sdelay $0x1  }
0x8a: {  	s1 =	srdreg.scid  }
0x8b: {  	s0 =	sand.u32 $0x1, s1  }
0x8c: {  	s16 =	sshll.u32 s0, $0xA;
	s2 =	sadd.s32 s3, s2  }
0x8d: {  	s2 =	sadd.s32 s2, s16  }
0x8e: {  	[smem:$0x3FC2] =	sst s2  }
0x8f: {  	_ = 	snop  }
0x90: {  	(tm) =	ssettm $0x1  }
0x91: {  	s17 =	sld [smem:$0x3FFB];
	_ =	sdelay $0x3  }
0x92: {  	_ =	strace s17  }
0x93: {  	s2 =	sld [smem:$0x3FFC];
	_ =	sdelay $0x3  }
0x94: {  	_ =	strace s2  }
0x95: {  	s2 =	sld [smem:$0x3FFD];
	_ =	sdelay $0x3  }
0x96: {  	_ =	strace s2  }
0x97: {  	_ =	strace $0x8FFFFFFF  }
0x98: {  	s18 =	sld [smem:$0x3FDB];
	_ =	sdelay $0x1  }
0x99: {  	s19 =	simm.s32 $_scs_section_size  }
0x9a: {  	s4 =	simm.s32 $_size__tile_overlayer_lowered;
	s5 =	simm.s32 $_tile_overlayer_lowered  }
0x9b: {  	s22 =	simm.s32 $0x1BFF;
	s21 =	sshll.u32 s5, $0x1;
	s2 =	sadd.s32 s19, s18  }
0x9c: {  	s6 =	simm.s32 $0x0;
	s20 =	sshll.u32 s4, $0x1;
	s4 =	sadd.s32 s21, s2  }
0x9d: {  	[timem:s6], [sflag:s22] =	dma.local [hbm:s4], s20  }
0x9e: {  	_ =	swait.ge [sflag:s22], s20  }
0x9f: {  	s3 =	ssub.s32 $0x0, s20;
	[sflag:s22] =	ssyncset.done $0x0  }
0xa0: {  	[sflag:s22] =	ssyncadd.s32 s3;
	_ =	sdelay $0x1  }
0xa1: {  	s23 =	simm.s32 $0x1B8B  }
0xa2: {  	_ =	swait.ge [sflag:s23], $0x1  }
0xa3: {  	[sflag:s23] =	ssyncset.done $0x0  }
0xa4: {  	s25 =	simm.s32 $0x1B8E;
	s24 =	sld [smem:$0x3FFE];
	[sflag:s23] =	ssyncadd.s32 $0xFFFFFFFF  }
0xa5: {  	s26 =	simm.s32 $execute0_lowered;
	[smem:$0x3FD2] =	sst s25  }
0xa6: {  	s4 =	sshll.u32 s26, $0x1;
	_ =	strace $0x80000049;
	[dreg:$0x1] =	wrdreg $0xFFFFFFFF  }
0xa7: {  	s28 =	simm.s32 $_size_execute0_lowered;
	s2 =	sadd.s32 s2, s4;
	[dreg:$0x0] =	wrdreg $0x0  }
0xa8: {  	s4 =	sshll.u32 s28, $0x1;
	[dreg:$0x2] =	wrdreg s2  }
0xa9: {  	[dreg:$0x3] =	wrdreg s4  }
0xaa: {  	[dreg:$0x4] =	wrdreg $0xC0  }
0xab: {  	_ =	task [dreg:s6], $0x5FFFF  }
0xac: {  	[dreg:$0x1] =	wrdreg $0xFFFFFFFF  }
0xad: {  	[dreg:$0x0] =	wrdreg $0x60  }
0xae: {  	[dreg:$0x2] =	wrdreg s24  }
0xaf: {  	[dreg:$0x3] =	wrdreg $0x140000  }
0xb0: {  	[dreg:$0x4] =	wrdreg $0xA0000  }
0xb1: {  	[dreg:$0x5] =	wrdreg $0x9  }
0xb2: {  	_ =	task.clear_ibuf [dreg:s6], $0x6FFFF;
	_ =	strace $0x90000049  }
0xb3: {  	s29 =	simm.s32 $0x9;
	_ =	strace $0x8000004B  }
0xb4: {  	_ =	swait.ge [sflag:s29], $0x1  }
0xb5: {  	[sflag:s29] =	ssyncadd.s32 $0xFFFFFFFF  }
0xb6: {  	_ =	strace $0x9000004B  }
0xb7: {  	_ =	sfence  }
0xb8: {  	s30 =	sld [smem:$0x0];
	_ =	sdelay $0x2  }
0xb9: {  	s31 =	sshll.u32 s1, $0xD;
	s1 =	sshrl.u32 s1, $0x2  }
0xba: {  	s3 =	sand.u32 $0x4000, s31;
	s1 =	sadd.s32 s1, s30  }
0xbb: {  	s0 =	sor.u32 s3, s0;
	s1 =	sshll.u32 s1, $0x11  }
0xbc: {  	s0 =	sor.u32 s1, s0  }
0xbd: {  	s0 =	sadd.s32 $0x8F2B, s0  }
0xbe: {  	[sflag:s0] =	ssyncadd.remote.s32 $0x1  }
0xbf: {  	_ =	sfence.sel $0xFFFF  }
0xc0: {  	[dreg:$0x0] =	wrdreg $0xFFFFFFFF;
	(pc) =	sbr.abs _section_cstart, $3  }
0xc1: {  	[dreg:$0x1] =	wrdreg $0xFFFFFFFF  }
0xc2: {  	_ =	task.clear_ibuf [dreg:s6], $0x2FFFF;
	_ =	strace $0x9FFFFFFF  }
0xc3: {  	(tm) =	ssettm $0x7FFFFFFF  }
tec
execute0_lowered:
.L_overlay_start_1:
0x0: {  	(tag) =	ssettag $0x1  }
0x1: {  	s0 =	rddreg [dreg:$0x0]  }
0x2: {  	s2 =	rddreg [dreg:$0x1]  }
0x3: {  	s3 =	rddreg [dreg:$0x2]  }
0x4: {  	s4 =	stileid.u32;
	s5 =	srdreg.scid;
	s7 =	simm.s32 $0x0  }
0x5: {  	s29 =	simm.s32 $0x80;
	s30 =	simm.s32 $0x5000;
	s1 =	smul.u32 $0xA000, s4  }
0x6: {  	s31 =	simm.s32 $0x7000;
	s6 =	smul.u32 $0x2800, s4;
	s8 =	sand.u32 $0x1, s5  }
0x7: {  	[smem:$0x7FF] =	sst s7;
	s11 =	smul.u32 $0x28000, s4;
	s20 =	sshll.u32 s4, $0x6  }
0x8: {  	s17 =	smul.u32 $0xA0000, s8;
	_ =	strace $0x8000004A;
	s19 =	ssub.s32 $0x2, s8  }
0x9: {  	p0 =	seq.s32 s8, $0x0;
	s8 =	simm.s32 $0x2780;
	s16 =	sshrl.u32 s1, $0x3  }
0xa: {  	s6 =	sshrl.u32 s6, $0x3;
	s10 =	sshrl.u32 s19, $0x1;
	s23 =	sadd.s32 s1, s2  }
0xb: {  	s21 =	sshrl.u32 s11, $0x2;
	s28 =	sadd.s32 s1, s3;
	s11 =	simm.s32 $0x0  }
0xc: {  	s5 =	sadd.s32 s16, s0;
	s9 =	sadd.s32 s6, s0;
	s18 =	sadd.s32 s1, s17  }
0xd: {  	s10 =	ssub.s32 s19, s10;
	s7 =	sadd.s32 s21, s3;
	s23 =	sshrl.u32 s23, $0x3  }
0xe: {  	s1 =	simm.s32 $0x2;
	s6 =	sshrl.u32 s18, $0x3;
	s5 =	sadd.s32 $0x15E00, s5  }
0xf: {  	s22 =	sadd.s32 $0x6E00, s9;
	s24 =	sadd.s32 $0x10E00, s9;
	s25 =	sadd.s32 $0x1E00, s9  }
0x10: {  	s26 =	sadd.s32 $0xBE00, s9;
	s13 =	smax.u32 s10, $0x1;
	s14 =	sadd.s32 $0x1000, s7  }
0x11: {  	s15 =	sadd.s32 $0x2000, s7;
	s16 =	sadd.s32 $0x3000, s7;
	[dreg:$0x4] =	wrdreg s5  }
0x12: {  	s17 =	sadd.s32 $0x4000, s7;
	s18 =	sadd.s32 $0x5000, s7;
	[dreg:$0x5] =	wrdreg s22  }
.Ltmp0:
0x13: {  	s19 =	sadd.s32 $0x6000, s7;
	[dreg:$0x6] =	wrdreg s24;
	(pc) =	sbr.rel .LBB2_1-.Ltmp0, $4  }
0x14: {  	s21 =	sadd.s32 $0x8000, s7;
	s0 =	sadd.s32 s6, s0;
	[dreg:$0x7] =	wrdreg s25  }
0x15: {  	s6 =	sor.u32 $0x1C03, s20;
	[dreg:$0x8] =	wrdreg s26;
	s20 =	sadd.s32 $0x7000, s7  }
0x16: {  	s22 =	sadd.s32 $0x9000, s7;
	s24 =	simm.s32 $0x3;
	s25 =	sshrl.u32 s28, $0x3  }
0x17: {  	v0 =	vimm.f32 $0.0e+00;
	s26 =	simm.s32 $0x9000;
	s12 =	sadd.s32 $0x29E00, s0;
	s0 =	simm.s32 $0x1  }
.LBB2_6:
0x18: {  	s4 =	sadd.s32 $0x80, s28;
	[sflag:s24] =	ssyncadd.s32 $0xFFFFE000  }
0x19: {  	[tilespmem:s31], [sflag:$0x2] =	stream.indirect.gather [spmem:s2], $0x40, s4, s29, $0xb8;
	[tilespmem:$0x1E000] =	vst v63  }
0x1a: {  	_ =	swait.ge [sflag:s0], $0x2000  }
0x1b: {  	[sflag:s0] =	ssyncset.done $0x0  }
0x1c: {  	s9 =	sadd.s32 $0x2800, s28;
	[sflag:s0] =	ssyncadd.s32 $0xFFFFE000  }
0x1d: {  	[spmem:s3] =	stream.indirect.scatter.add.f32 [tilespmem:s30], [sflag:$0x3], $0x40, s9, s29, $0xb8;
	[tilespmem:$0x1E000] =	vst v63  }
0x1e: {  	_ =	swait.ge [sflag:s24], $0x2000  }
0x1f: {  	[sflag:s24] =	ssyncset.done $0x0  }
0x20: {  	s10 =	sadd.s32 $0x100, s28;
	[sflag:s24] =	ssyncadd.s32 $0xFFFFE000  }
0x21: {  	[tilespmem:s30], [sflag:$0x1] =	stream.indirect.gather [spmem:s2], $0x40, s10, s29, $0xb8;
	[tilespmem:$0x1E000] =	vst v63  }
0x22: {  	_ =	swait.ge [sflag:s1], $0x2000  }
0x23: {  	[sflag:s1] =	ssyncset.done $0x0  }
0x24: {  	s28 =	sadd.s32 $0x2880, s28;
	[sflag:s1] =	ssyncadd.s32 $0xFFFFE000  }
0x25: {  	[spmem:s3] =	stream.indirect.scatter.add.f32 [tilespmem:s31], [sflag:$0x3], $0x40, s28, s29, $0xb8;
	[tilespmem:$0x1E000] =	vst v63  }
0x26: {  	_ =	swait.ge [sflag:s24], $0x2000  }
0x27: {  	[sflag:s24] =	ssyncset.done $0x0  }
0x28: {  	[sflag:s24] =	ssyncadd.s32 $0xFFFFE000  }
.LBB2_10:
0x29: {  	[tilespmem:s31], [sflag:$0x2] =	stream.indirect.gather [spmem:s2], $0x40, s8, s29, $0xb8;
	[tilespmem:$0x1E000] =	vst v63  }
0x2a: {  	_ =	swait.ge [sflag:s0], $0x2000  }
0x2b: {  	[sflag:s0] =	ssyncset.done $0x0  }
0x2c: {  	s4 =	simm.s32 $0x4F00;
	[sflag:s0] =	ssyncadd.s32 $0xFFFFE000  }
0x2d: {  	[spmem:s3] =	stream.indirect.scatter.add.f32 [tilespmem:s30], [sflag:$0x3], $0x40, s4, s29, $0xb8;
	[tilespmem:$0x1E000] =	vst v63  }
0x2e: {  	_ =	swait.ge [sflag:s24], $0x2000  }
0x2f: {  	[sflag:s24] =	ssyncset.done $0x0  }
0x30: {  	[sflag:s24] =	ssyncadd.s32 $0xFFFFE000  }
0x31: {  	[tilespmem:s30], [sflag:$0x1] =	stream.indirect.gather [spmem:s2], $0x40, s8, s29, $0xb8;
	[tilespmem:$0x1E000] =	vst v63  }
0x32: {  	_ =	swait.ge [sflag:s1], $0x2000  }
0x33: {  	[sflag:s1] =	ssyncset.done $0x0  }
0x34: {  	s28 =	simm.s32 $0x4F80;
	[sflag:s1] =	ssyncadd.s32 $0xFFFFE000  }
0x35: {  	[spmem:s3] =	stream.indirect.scatter.add.f32 [tilespmem:s31], [sflag:$0x3], $0x40, s28, s29, $0xb8;
	[tilespmem:$0x1E000] =	vst v63  }
0x36: {  	_ =	swait.ge [sflag:s24], $0x2000  }
0x37: {  	[sflag:s24] =	ssyncset.done $0x0  }
0x38: {  	[sflag:s24] =	ssyncadd.s32 $0xFFFFE000  }
0x39: {  	_ =	swait.ge [sflag:s0], $0x2000  }
0x3a: {  	s11 =	sadd.s32 $0x1, s11;
	[sflag:s0] =	ssyncset.done $0x0  }
0x3b: {  	p1 =	sne.s32 s11, s13;
	[sflag:s0] =	ssyncadd.s32 $0xFFFFE000  }
.Ltmp1:
0x3c: {  	[bflag:$0x0] =	sbarrier.arrive $0xFFFF;
	(pc) =	sbr.rel @!p1 .LBB2_11-.Ltmp1, $4  }
0x3d: {  	[hbm:s12], [sflag:s6] =	dma.local [spmem:s25], $0x1400  }
0x3e: {  	_ =	swait.ge [sflag:s24], $0x1400  }
0x3f: {  	[sflag:s24] =	ssyncset.done $0x0  }
0x40: {  	[sflag:s24] =	ssyncadd.s32 $0xFFFFEC00  }
.LBB2_1:
0x41: {  	s4 =	rddreg [dreg:$0x4];
	s10 =	simm.s32 $0x0  }
0x42: {  	[spmem:s23], [sflag:s6] =	dma.local [hbm:s4], $0x1400  }
0x43: {  	s28 =	simm.s32 $0x40;
	s9 =	sand.u32 $0x3F00, s10;
	_ =	swait.ge [sflag:s24], $0x1400  }
0x44: {  	s10 =	sand.u32 $0x30, s10;
	s9 =	sshrl.u32 s9, $0x2;
	[sflag:s24] =	ssyncset.done $0x0  }
0x45: {  	s10 =	sor.u32 s10, s9;
	s9 =	simm.s32 $0x0;
	[sflag:s24] =	ssyncadd.s32 $0xFFFFEC00  }
.LBB2_2:
0x46: {  	p1 =	sne.s32 s28, $0x3FC0  }
0x47: {  	[tilespmem:s10+$0x9000] =	vst v0;
	s9 =	sadd.s32 $0x10, s9;
	s10 =	smov.u32 s28;
	s28 =	sadd.s32 $0x40, s28  }
.Ltmp2:
0x48: {  	(pc) =	sbr.rel @p1 .LBB2_2-.Ltmp2, $4  }
0x49: {  	_ = 	snop  }
0x4a: {  	s10 =	sand.u32 $0x3F00, s10  }
0x4b: {  	s4 =	sand.u32 $0x30, s9;
	s10 =	sshrl.u32 s10, $0x2  }
0x4c: {  	s10 =	sor.u32 s4, s10  }
0x4d: {  	[tilespmem:s10+$0x9000] =	vst v0  }
0x4e: {  	[spmem:s7] =	stream.linear.scatter [tilespmem:s26], [sflag:$0x3], $0x1000, $0x38;
	[tilespmem:$0x1E000] =	vst v63  }
0x4f: {  	_ =	swait.ge [sflag:s24], $0x1000  }
0x50: {  	[sflag:s24] =	ssyncset.done $0x0  }
0x51: {  	[sflag:s24] =	ssyncadd.s32 $0xFFFFF000  }
0x52: {  	[spmem:s14] =	stream.linear.scatter [tilespmem:s26], [sflag:$0x3], $0x1000, $0x38;
	[tilespmem:$0x1E000] =	vst v63  }
0x53: {  	_ =	swait.ge [sflag:s24], $0x1000  }
0x54: {  	[sflag:s24] =	ssyncset.done $0x0  }
0x55: {  	[sflag:s24] =	ssyncadd.s32 $0xFFFFF000  }
0x56: {  	[spmem:s15] =	stream.linear.scatter [tilespmem:s26], [sflag:$0x3], $0x1000, $0x38;
	[tilespmem:$0x1E000] =	vst v63  }
0x57: {  	_ =	swait.ge [sflag:s24], $0x1000  }
0x58: {  	[sflag:s24] =	ssyncset.done $0x0  }
0x59: {  	[sflag:s24] =	ssyncadd.s32 $0xFFFFF000  }
0x5a: {  	[spmem:s16] =	stream.linear.scatter [tilespmem:s26], [sflag:$0x3], $0x1000, $0x38;
	[tilespmem:$0x1E000] =	vst v63  }
0x5b: {  	_ =	swait.ge [sflag:s24], $0x1000  }
0x5c: {  	[sflag:s24] =	ssyncset.done $0x0  }
0x5d: {  	[sflag:s24] =	ssyncadd.s32 $0xFFFFF000  }
0x5e: {  	[spmem:s17] =	stream.linear.scatter [tilespmem:s26], [sflag:$0x3], $0x1000, $0x38;
	[tilespmem:$0x1E000] =	vst v63  }
0x5f: {  	_ =	swait.ge [sflag:s24], $0x1000  }
0x60: {  	[sflag:s24] =	ssyncset.done $0x0  }
0x61: {  	[sflag:s24] =	ssyncadd.s32 $0xFFFFF000  }
0x62: {  	[spmem:s18] =	stream.linear.scatter [tilespmem:s26], [sflag:$0x3], $0x1000, $0x38;
	[tilespmem:$0x1E000] =	vst v63  }
0x63: {  	_ =	swait.ge [sflag:s24], $0x1000  }
0x64: {  	[sflag:s24] =	ssyncset.done $0x0  }
0x65: {  	[sflag:s24] =	ssyncadd.s32 $0xFFFFF000  }
0x66: {  	[spmem:s19] =	stream.linear.scatter [tilespmem:s26], [sflag:$0x3], $0x1000, $0x38;
	[tilespmem:$0x1E000] =	vst v63  }
0x67: {  	_ =	swait.ge [sflag:s24], $0x1000  }
0x68: {  	[sflag:s24] =	ssyncset.done $0x0  }
0x69: {  	[sflag:s24] =	ssyncadd.s32 $0xFFFFF000  }
0x6a: {  	[spmem:s20] =	stream.linear.scatter [tilespmem:s26], [sflag:$0x3], $0x1000, $0x38;
	[tilespmem:$0x1E000] =	vst v63  }
0x6b: {  	_ =	swait.ge [sflag:s24], $0x1000  }
0x6c: {  	[sflag:s24] =	ssyncset.done $0x0  }
0x6d: {  	[sflag:s24] =	ssyncadd.s32 $0xFFFFF000  }
0x6e: {  	[spmem:s21] =	stream.linear.scatter [tilespmem:s26], [sflag:$0x3], $0x1000, $0x38;
	[tilespmem:$0x1E000] =	vst v63  }
0x6f: {  	_ =	swait.ge [sflag:s24], $0x1000  }
0x70: {  	[sflag:s24] =	ssyncset.done $0x0  }
.Ltmp3:
0x71: {  	[sflag:s24] =	ssyncadd.s32 $0xFFFFF000;
	(pc) =	sbr.rel @!p0 .LBB2_4-.Ltmp3, $4  }
0x72: {  	[spmem:s22] =	stream.linear.scatter [tilespmem:s26], [sflag:$0x3], $0x1000, $0x38;
	[tilespmem:$0x1E000] =	vst v63  }
0x73: {  	_ =	swait.ge [sflag:s24], $0x1000  }
0x74: {  	[sflag:s24] =	ssyncset.done $0x0  }
0x75: {  	s4 =	simm.s32 $0x0;
	[sflag:s24] =	ssyncadd.s32 $0xFFFFF000  }
0x76: {  	s5 =	rddreg [dreg:$0x7]  }
0x77: {  	[tilespmem:s4], [sflag:$0x3] =	stream.linear.gather [hbm4b:s5+s4], $0x2800, $0x38;
	[tilespmem:$0x1E000] =	vst v63  }
0x78: {  	_ =	swait.ge [sflag:s24], $0x2800  }
0x79: {  	[sflag:s24] =	ssyncset.done $0x0  }
0x7a: {  	s9 =	simm.s32 $0x2800;
	s10 =	rddreg [dreg:$0x8];
	[sflag:s24] =	ssyncadd.s32 $0xFFFFD800  }
0x7b: {  	[tilespmem:s9], [sflag:$0x3] =	stream.linear.gather [hbm4b:s10+s4], $0x2800, $0x38;
	[tilespmem:$0x1E000] =	vst v63  }
0x7c: {  	_ =	swait.ge [sflag:s24], $0x2800  }
0x7d: {  	[sflag:s24] =	ssyncset.done $0x0  }
0x7e: {  	[sflag:s24] =	ssyncadd.s32 $0xFFFFD800  }
0x7f: {  	[bflag:$0x0] =	sbarrier.arrive $0xFFFF  }
0x80: {  	[tilespmem:s30], [sflag:$0x1] =	stream.indirect.gather [spmem:s2], $0x40, s4, s29, $0xb8;
	[tilespmem:$0x1E000] =	vst v63  }
0x81: {  	s10 =	simm.s32 $0x80  }
0x82: {  	[tilespmem:s31], [sflag:$0x2] =	stream.indirect.gather [spmem:s2], $0x40, s10, s29, $0xb8;
	[tilespmem:$0x1E000] =	vst v63  }
0x83: {  	_ =	swait.ge [sflag:s0], $0x2000  }
0x84: {  	[sflag:s0] =	ssyncset.done $0x0  }
0x85: {  	s5 =	simm.s32 $0x2800;
	[sflag:s0] =	ssyncadd.s32 $0xFFFFE000  }
0x86: {  	[spmem:s3] =	stream.indirect.scatter.add.f32 [tilespmem:s30], [sflag:$0x3], $0x40, s5, s29, $0xb8;
	[tilespmem:$0x1E000] =	vst v63  }
0x87: {  	_ =	swait.ge [sflag:s24], $0x2000  }
0x88: {  	[sflag:s24] =	ssyncset.done $0x0  }
0x89: {  	s9 =	simm.s32 $0x100;
	[sflag:s24] =	ssyncadd.s32 $0xFFFFE000  }
0x8a: {  	[tilespmem:s30], [sflag:$0x1] =	stream.indirect.gather [spmem:s2], $0x40, s9, s29, $0xb8;
	[tilespmem:$0x1E000] =	vst v63  }
0x8b: {  	_ =	swait.ge [sflag:s1], $0x2000  }
0x8c: {  	[sflag:s1] =	ssyncset.done $0x0  }
0x8d: {  	s10 =	simm.s32 $0x2880;
	[sflag:s1] =	ssyncadd.s32 $0xFFFFE000  }
0x8e: {  	[spmem:s3] =	stream.indirect.scatter.add.f32 [tilespmem:s31], [sflag:$0x3], $0x40, s10, s29, $0xb8;
	[tilespmem:$0x1E000] =	vst v63  }
0x8f: {  	_ =	swait.ge [sflag:s24], $0x2000  }
0x90: {  	s28 =	simm.s32 $0x100;
	s9 =	simm.s32 $0x800;
	[sflag:s24] =	ssyncset.done $0x0  }
.LBB2_8:
0x91: {  	s4 =	sadd.s32 $0x80, s28  }
0x92: {  	[sflag:s24] =	ssyncadd.s32 $0xFFFFE000;
	s10 =	smov.u32 s9;
	s5 =	sadd.s32 $0x400, s9  }
0x93: {  	[tilespmem:s31], [sflag:$0x2] =	stream.indirect.gather [spmem:s2], $0x40, s4, s29, $0xb8;
	[tilespmem:$0x1E000] =	vst v63  }
0x94: {  	p1 =	seq.s32 s9, $0x9800;
	_ =	swait.ge [sflag:s0], $0x2000  }
0x95: {  	[sflag:s0] =	ssyncset.done $0x0  }
0x96: {  	s4 =	sadd.s32 $0x2800, s28;
	[sflag:s0] =	ssyncadd.s32 $0xFFFFE000  }
0x97: {  	[spmem:s3] =	stream.indirect.scatter.add.f32 [tilespmem:s30], [sflag:$0x3], $0x40, s4, s29, $0xb8;
	[tilespmem:$0x1E000] =	vst v63  }
0x98: {  	_ =	swait.ge [sflag:s24], $0x2000  }
0x99: {  	[sflag:s24] =	ssyncset.done $0x0  }
0x9a: {  	s4 =	sadd.s32 $0x100, s28;
	[sflag:s24] =	ssyncadd.s32 $0xFFFFE000  }
0x9b: {  	[tilespmem:s30], [sflag:$0x1] =	stream.indirect.gather [spmem:s2], $0x40, s4, s29, $0xb8;
	[tilespmem:$0x1E000] =	vst v63  }
0x9c: {  	_ =	swait.ge [sflag:s1], $0x2000  }
.Ltmp4:
0x9d: {  	[sflag:s1] =	ssyncset.done $0x0;
	(pc) =	sbr.rel @!p1 .LBB2_8-.Ltmp4, $4  }
0x9e: {  	s4 =	sadd.s32 $0x2880, s28;
	[sflag:s1] =	ssyncadd.s32 $0xFFFFE000  }
0x9f: {  	[spmem:s3] =	stream.indirect.scatter.add.f32 [tilespmem:s31], [sflag:$0x3], $0x40, s4, s29, $0xb8;
	[tilespmem:$0x1E000] =	vst v63  }
0xa0: {  	_ =	swait.ge [sflag:s24], $0x2000  }
0xa1: {  	s9 =	smov.u32 s5;
	s28 =	sshra.s32 s10, $0x2;
	[sflag:s24] =	ssyncset.done $0x0  }
0xa2: {  	s4 =	sadd.s32 $0x80, s28;
	[sflag:s24] =	ssyncadd.s32 $0xFFFFE000  }
0xa3: {  	[tilespmem:s31], [sflag:$0x2] =	stream.indirect.gather [spmem:s2], $0x40, s4, s29, $0xb8;
	[tilespmem:$0x1E000] =	vst v63  }
0xa4: {  	_ =	swait.ge [sflag:s0], $0x2000  }
0xa5: {  	[sflag:s0] =	ssyncset.done $0x0  }
0xa6: {  	s9 =	sadd.s32 $0x2800, s28;
	[sflag:s0] =	ssyncadd.s32 $0xFFFFE000  }
0xa7: {  	[spmem:s3] =	stream.indirect.scatter.add.f32 [tilespmem:s30], [sflag:$0x3], $0x40, s9, s29, $0xb8;
	[tilespmem:$0x1E000] =	vst v63  }
0xa8: {  	_ =	swait.ge [sflag:s24], $0x2000  }
0xa9: {  	[sflag:s24] =	ssyncset.done $0x0  }
0xaa: {  	s10 =	sadd.s32 $0x100, s28;
	[sflag:s24] =	ssyncadd.s32 $0xFFFFE000  }
0xab: {  	[tilespmem:s30], [sflag:$0x1] =	stream.indirect.gather [spmem:s2], $0x40, s10, s29, $0xb8;
	[tilespmem:$0x1E000] =	vst v63  }
0xac: {  	_ =	swait.ge [sflag:s1], $0x2000  }
0xad: {  	[sflag:s1] =	ssyncset.done $0x0  }
.Ltmp5:
0xae: {  	s28 =	sadd.s32 $0x2880, s28;
	[sflag:s1] =	ssyncadd.s32 $0xFFFFE000;
	(pc) =	sbr.rel .LBB2_10-.Ltmp5, $4  }
0xaf: {  	[spmem:s3] =	stream.indirect.scatter.add.f32 [tilespmem:s31], [sflag:$0x3], $0x40, s28, s29, $0xb8;
	[tilespmem:$0x1E000] =	vst v63  }
0xb0: {  	_ =	swait.ge [sflag:s24], $0x2000  }
0xb1: {  	[sflag:s24] =	ssyncset.done $0x0  }
0xb2: {  	[sflag:s24] =	ssyncadd.s32 $0xFFFFE000  }
.LBB2_4:
0xb3: {  	s5 =	rddreg [dreg:$0x5]  }
0xb4: {  	[tilespmem:s4], [sflag:$0x3] =	stream.linear.gather [hbm4b:s5+s4], $0x2800, $0x38;
	[tilespmem:$0x1E000] =	vst v63  }
0xb5: {  	_ =	swait.ge [sflag:s24], $0x2800  }
0xb6: {  	[sflag:s24] =	ssyncset.done $0x0  }
0xb7: {  	s9 =	simm.s32 $0x2800;
	s10 =	rddreg [dreg:$0x6];
	[sflag:s24] =	ssyncadd.s32 $0xFFFFD800  }
0xb8: {  	[tilespmem:s9], [sflag:$0x3] =	stream.linear.gather [hbm4b:s10+s4], $0x2800, $0x38;
	[tilespmem:$0x1E000] =	vst v63  }
0xb9: {  	_ =	swait.ge [sflag:s24], $0x2800  }
0xba: {  	[sflag:s24] =	ssyncset.done $0x0  }
0xbb: {  	[sflag:s24] =	ssyncadd.s32 $0xFFFFD800  }
0xbc: {  	[bflag:$0x0] =	sbarrier.arrive $0xFFFF  }
0xbd: {  	[tilespmem:s30], [sflag:$0x1] =	stream.indirect.gather [spmem:s2], $0x40, s4, s29, $0xb8;
	[tilespmem:$0x1E000] =	vst v63  }
0xbe: {  	s10 =	simm.s32 $0x80  }
0xbf: {  	[tilespmem:s31], [sflag:$0x2] =	stream.indirect.gather [spmem:s2], $0x40, s10, s29, $0xb8;
	[tilespmem:$0x1E000] =	vst v63  }
0xc0: {  	_ =	swait.ge [sflag:s0], $0x2000  }
0xc1: {  	[sflag:s0] =	ssyncset.done $0x0  }
0xc2: {  	s5 =	simm.s32 $0x2800;
	[sflag:s0] =	ssyncadd.s32 $0xFFFFE000  }
0xc3: {  	[spmem:s3] =	stream.indirect.scatter.add.f32 [tilespmem:s30], [sflag:$0x3], $0x40, s5, s29, $0xb8;
	[tilespmem:$0x1E000] =	vst v63  }
0xc4: {  	_ =	swait.ge [sflag:s24], $0x2000  }
0xc5: {  	[sflag:s24] =	ssyncset.done $0x0  }
0xc6: {  	s9 =	simm.s32 $0x100;
	[sflag:s24] =	ssyncadd.s32 $0xFFFFE000  }
0xc7: {  	[tilespmem:s30], [sflag:$0x1] =	stream.indirect.gather [spmem:s2], $0x40, s9, s29, $0xb8;
	[tilespmem:$0x1E000] =	vst v63  }
0xc8: {  	_ =	swait.ge [sflag:s1], $0x2000  }
0xc9: {  	[sflag:s1] =	ssyncset.done $0x0  }
0xca: {  	s10 =	simm.s32 $0x2880;
	[sflag:s1] =	ssyncadd.s32 $0xFFFFE000  }
0xcb: {  	[spmem:s3] =	stream.indirect.scatter.add.f32 [tilespmem:s31], [sflag:$0x3], $0x40, s10, s29, $0xb8;
	[tilespmem:$0x1E000] =	vst v63  }
0xcc: {  	_ =	swait.ge [sflag:s24], $0x2000  }
0xcd: {  	s28 =	simm.s32 $0x100;
	s9 =	simm.s32 $0x800;
	[sflag:s24] =	ssyncset.done $0x0  }
.LBB2_5:
0xce: {  	s4 =	sadd.s32 $0x80, s28  }
0xcf: {  	[sflag:s24] =	ssyncadd.s32 $0xFFFFE000;
	s5 =	smov.u32 s9;
	s10 =	sadd.s32 $0x400, s9  }
0xd0: {  	[tilespmem:s31], [sflag:$0x2] =	stream.indirect.gather [spmem:s2], $0x40, s4, s29, $0xb8;
	[tilespmem:$0x1E000] =	vst v63  }
0xd1: {  	p1 =	sne.s32 s9, $0x9800;
	_ =	swait.ge [sflag:s0], $0x2000  }
0xd2: {  	[sflag:s0] =	ssyncset.done $0x0  }
0xd3: {  	s4 =	sadd.s32 $0x2800, s28;
	[sflag:s0] =	ssyncadd.s32 $0xFFFFE000  }
0xd4: {  	[spmem:s3] =	stream.indirect.scatter.add.f32 [tilespmem:s30], [sflag:$0x3], $0x40, s4, s29, $0xb8;
	[tilespmem:$0x1E000] =	vst v63  }
0xd5: {  	_ =	swait.ge [sflag:s24], $0x2000  }
0xd6: {  	[sflag:s24] =	ssyncset.done $0x0  }
0xd7: {  	s4 =	sadd.s32 $0x100, s28;
	[sflag:s24] =	ssyncadd.s32 $0xFFFFE000  }
0xd8: {  	[tilespmem:s30], [sflag:$0x1] =	stream.indirect.gather [spmem:s2], $0x40, s4, s29, $0xb8;
	[tilespmem:$0x1E000] =	vst v63  }
0xd9: {  	_ =	swait.ge [sflag:s1], $0x2000  }
.Ltmp6:
0xda: {  	[sflag:s1] =	ssyncset.done $0x0;
	(pc) =	sbr.rel @p1 .LBB2_5-.Ltmp6, $4  }
0xdb: {  	s4 =	sadd.s32 $0x2880, s28;
	[sflag:s1] =	ssyncadd.s32 $0xFFFFE000  }
0xdc: {  	[spmem:s3] =	stream.indirect.scatter.add.f32 [tilespmem:s31], [sflag:$0x3], $0x40, s4, s29, $0xb8;
	[tilespmem:$0x1E000] =	vst v63  }
0xdd: {  	_ =	swait.ge [sflag:s24], $0x2000  }
0xde: {  	s9 =	smov.u32 s10;
	s28 =	sshra.s32 s5, $0x2;
	[sflag:s24] =	ssyncset.done $0x0  }
.Ltmp7:
0xdf: {  	_ = 	snop;
	(pc) =	sbr.rel .LBB2_6-.Ltmp7, $1  }
0xe0: {  	_ =	sdelay $0x3  }
.LBB2_11:
0xe1: {  	_ =	sfence.sel $0x180000  }
0xe2: {  	[bflag:$0x0] =	sbarrier.arrive $0xFFFF  }
0xe3: {  	_ =	strace $0x9000004A  }
0xe4: {  	s0 =	stileid.u32;
	[bflag:$0x2] =	sbarrier.arrive $0xFFFF  }
0xe5: {  	p0 =	sne.s32 s0, $0x0;
	s0 =	rddreg [dreg:$0x3]  }
0xe6: {  	s0 =	sadd.s32 @!p0 $0x100000, s0  }
0xe7: {  	[sflag:s0] =	ssyncadd.tile.s32 @!p0 $0x1;
	_ =	shalt  }
.Lfunc_end2:
_tile_overlayer_lowered:
.L_overlay_start_2:
0xe8: {  	(tag) =	ssettag $0x2  }
0xe9: {  	s0 =	rddreg [dreg:$0x0];
	s2 =	stileid.u32  }
0xea: {  	s1 =	rddreg [dreg:$0x1];
	p0 =	sne.s32 s2, $0x0  }
0xeb: {  	s3 =	rddreg [dreg:$0x2];
	[bflag:$0x3] =	sbarrier.arrive $0xFFFF;
	s2 =	simm.s32 @!p0 $0x1C03  }
0xec: {  	[timem:s3], [sflag:s2] =	dma.local @!p0 [hbm:s0], s1  }
0xed: {  	s0 =	simm.s32 @!p0 $0x3  }
0xee: {  	_ =	swait.ge @!p0 [sflag:s0], s1  }
0xef: {  	s1 =	ssub.s32 @!p0 $0x0, s1;
	[sflag:s0] =	ssyncset.done @!p0 $0x0  }
0xf0: {  	[sflag:s0] =	ssyncadd.s32 @!p0 s1  }
0xf1: {  	[bflag:$0x3] =	sbarrier.arrive $0xFFFF  }
0xf2: {  	_ =	shalt  }

// kernel: kernel.15.cloned.1.call-start
scs
__scs_entry_jumppad:
0x0: {  	(pc) =	sbr.rel $0x88, $3  }
0x1: {  	(tag) =	ssettag $0x0;
	lr =	simm.s32 $0x1  }
0x2: {  	[smem:$0x3F9B] =	sst lr;
	_ =	strace $0xD0000000  }
0x3: {  	_ = 	snop  }
0x4: {  	_ = 	snop  }
0x5: {  	_ = 	snop  }
0x6: {  	_ = 	snop  }
0x7: {  	_ = 	snop  }
__scs_overlays_trampoline_lowered:
0x8: {  	[smem:$0x3FAA] =	sst s0  }
0x9: {  	[smem:$0x3FAB] =	sst s1  }
0xa: {  	[smem:$0x3FAC] =	sst s2  }
0xb: {  	[smem:$0x3FAD] =	sst s3  }
0xc: {  	[smem:$0x3FAE] =	sst s4  }
0xd: {  	[smem:$0x3FAF] =	sst s5  }
0xe: {  	[smem:$0x3FB0] =	sst s6  }
0xf: {  	[smem:$0x3FB1] =	sst s7  }
0x10: {  	[smem:$0x3FB2] =	sst s8  }
0x11: {  	[smem:$0x3FB3] =	sst s9;
	s0 =	simm.s32 @!p0 $0x0  }
0x12: {  	s1 =	sld [smem:$0x3F99];
	s0 =	simm.s32 @p0 $0x1  }
0x13: {  	[smem:$0x3FB4] =	sst s0;
	s0 =	simm.s32 @!p1 $0x0  }
0x14: {  	s2 =	sld [smem:$0x3F98];
	s0 =	simm.s32 @p1 $0x1  }
0x15: {  	[smem:$0x3FB5] =	sst s0;
	s0 =	simm.s32 @!p2 $0x0  }
0x16: {  	s3 =	sld [smem:$0x3FDB];
	s0 =	simm.s32 @p2 $0x1  }
0x17: {  	s4 =	simm.s32 $0x1BF5;
	[smem:$0x3FB7] =	sst s0  }
0x18: {  	s0 =	sld [smem:$0x3F9A];
	_ =	swait.ge [sflag:s4], $0x0  }
0x19: {  	s7 =	sld [smem:$0x3F9B]  }
0x1a: {  	s8 =	sadd.s32 $0xFFFFE003, lr  }
0x1b: {  	s9 =	sadd.s32 $0xFFFFFEF7, lr;
	s5 =	simm.s32 $0xFFFFFFFF;
	p2 =	slt.u32 s8, $0xFFFFF086  }
0x1c: {  	p1 =	slt.u32 s9, $0xF7A;
	s5 =	simm.s32 @!p2 $0x0  }
0x1d: {  	s5 =	simm.s32 @p1 $0x1;
	p0 =	seq.s32 s7, s2  }
0x1e: {  	s7 =	smul.u32 @!p0 $0xF7A, s2;
	p2 =	seq.s32 @!p0 s5, $0x0  }
0x1f: {  	s9 =	smul.u32 $0xF7A, s1;
	s8 =	simm.s32 @!p0 $0x1BF5;
	p2 =	por !p2, p0  }
0x20: {  	[sflag:s8] =	ssyncset.s32 @!p0 $0xFFFFF086;
	s6 =	sadd.s32 @!p0 s3, s7;
	s7 =	simm.s32 @!p0 $0x108  }
0x21: {  	s3 =	sadd.s32 s3, s9;
	s6 =	sadd.s32 @!p0 $0x88, s6;
	s7 =	simm.s32 @p2 $0x1082  }
0x22: {  	[simem:s7], [sflag:s8] =	dma.local @!p0 [hbm:s6], $0xF7A  }
0x23: {  	s9 =	sor.u32 $0xD0000000, s2;
	s6 =	simm.s32 $0x108;
	_ =	swait.ge @!p0 [sflag:s8], $0x0  }
0x24: {  	s3 =	sadd.s32 $0x88, s3;
	s6 =	simm.s32 @!p1 $0x1082;
	[sflag:s4] =	ssyncset.s32 $0xFFFFF086  }
0x25: {  	[simem:s6], [sflag:s4] =	dma.local [hbm:s3], $0xF7A  }
0x26: {  	[smem:$0x3F9B] =	sst s1;
	(tag) =	ssettag s2;
	_ =	strace s9  }
0x27: {  	s1 =	sld [smem:$0x3FAB]  }
0x28: {  	s2 =	sld [smem:$0x3FAC]  }
0x29: {  	s4 =	sld [smem:$0x3FAE]  }
0x2a: {  	p0 =	seq.s32 s5, $0x0;
	s5 =	sld [smem:$0x3FAF]  }
0x2b: {  	s6 =	sld [smem:$0x3FB0]  }
0x2c: {  	s7 =	sld [smem:$0x3FB1]  }
0x2d: {  	s3 =	simm.s32 $0x108;
	s8 =	sld [smem:$0x3FB2]  }
0x2e: {  	s3 =	simm.s32 @!p0 $0x1082;
	s9 =	sld [smem:$0x3FB3]  }
0x2f: {  	lr =	sadd.s32 s0, s3;
	s0 =	sld [smem:$0x3FAA]  }
0x30: {  	s3 =	sld [smem:$0x3FAD]  }
0x31: {  	[smem:$0x3FB6] =	sst s10  }
0x32: {  	s10 =	sld [smem:$0x3FB4];
	_ =	sdelay $0x3  }
0x33: {  	p0 =	seq.s32 s10, $0x1;
	s10 =	sld [smem:$0x3FB6];
	_ =	sdelay $0x3  }
0x34: {  	[smem:$0x3FB6] =	sst s10  }
0x35: {  	s10 =	sld [smem:$0x3FB5];
	_ =	sdelay $0x3  }
0x36: {  	p1 =	seq.s32 s10, $0x1;
	s10 =	sld [smem:$0x3FB6];
	_ =	sdelay $0x3  }
0x37: {  	[smem:$0x3FB6] =	sst s10  }
0x38: {  	s10 =	sld [smem:$0x3FB7]  }
0x39: {  	_ = 	snop;
	(pc) =	sbr.ind lr, $3  }
0x3a: {  	_ = 	snop  }
0x3b: {  	_ = 	snop  }
0x3c: {  	p2 =	seq.s32 s10, $0x1;
	s10 =	sld [smem:$0x3FB6]  }
0x3d: {  	_ =	shalt  }
0x3e: {  	_ =	shalt  }
0x3f: {  	_ =	shalt  }
0x40: {  	_ =	shalt  }
0x41: {  	_ =	shalt  }
0x42: {  	_ =	shalt  }
0x43: {  	_ =	shalt  }
0x44: {  	_ =	shalt  }
0x45: {  	_ =	shalt  }
0x46: {  	_ =	shalt  }
0x47: {  	_ =	shalt  }
0x48: {  	_ =	shalt  }
0x49: {  	_ =	shalt  }
0x4a: {  	_ =	shalt  }
0x4b: {  	_ =	shalt  }
0x4c: {  	_ =	shalt  }
0x4d: {  	_ =	shalt  }
0x4e: {  	_ =	shalt  }
0x4f: {  	_ =	shalt  }
0x50: {  	_ =	shalt  }
0x51: {  	_ =	shalt  }
0x52: {  	_ =	shalt  }
0x53: {  	_ =	shalt  }
0x54: {  	_ =	shalt  }
0x55: {  	_ =	shalt  }
0x56: {  	_ =	shalt  }
0x57: {  	_ =	shalt  }
0x58: {  	_ =	shalt  }
0x59: {  	_ =	shalt  }
0x5a: {  	_ =	shalt  }
0x5b: {  	_ =	shalt  }
0x5c: {  	_ =	shalt  }
0x5d: {  	_ =	shalt  }
0x5e: {  	_ =	shalt  }
0x5f: {  	_ =	shalt  }
0x60: {  	_ =	shalt  }
0x61: {  	_ =	shalt  }
0x62: {  	_ =	shalt  }
0x63: {  	_ =	shalt  }
0x64: {  	_ =	shalt  }
0x65: {  	_ =	shalt  }
0x66: {  	_ =	shalt  }
0x67: {  	_ =	shalt  }
0x68: {  	_ =	shalt  }
0x69: {  	_ =	shalt  }
0x6a: {  	_ =	shalt  }
0x6b: {  	_ =	shalt  }
0x6c: {  	_ =	shalt  }
0x6d: {  	_ =	shalt  }
0x6e: {  	_ =	shalt  }
0x6f: {  	_ =	shalt  }
0x70: {  	_ =	shalt  }
0x71: {  	_ =	shalt  }
0x72: {  	_ =	shalt  }
0x73: {  	_ =	shalt  }
0x74: {  	_ =	shalt  }
0x75: {  	_ =	shalt  }
0x76: {  	_ =	shalt  }
0x77: {  	_ =	shalt  }
0x78: {  	_ =	shalt  }
0x79: {  	_ =	shalt  }
0x7a: {  	_ =	shalt  }
0x7b: {  	_ =	shalt  }
0x7c: {  	_ =	shalt  }
0x7d: {  	_ =	shalt  }
0x7e: {  	_ =	shalt  }
0x7f: {  	_ =	shalt  }
0x80: {  	_ =	shalt  }
0x81: {  	_ =	shalt  }
0x82: {  	_ =	shalt  }
0x83: {  	_ =	shalt  }
0x84: {  	_ =	shalt  }
0x85: {  	_ =	shalt  }
0x86: {  	_ =	shalt  }
0x87: {  	_ =	shalt  }
.Lfunc_end0:
.L_simem_size_0:
called_computation.2_lowered:
.L_overlay_start_0:
0x88: {  	s2 =	sld [smem:$0x3FD9]  }
0x89: {  	s3 =	sld [smem:$0x3FFE];
	_ =	sdelay $0x1  }
0x8a: {  	s1 =	srdreg.scid  }
0x8b: {  	s0 =	sand.u32 $0x1, s1  }
0x8c: {  	s16 =	sshll.u32 s0, $0xA;
	s2 =	sadd.s32 s3, s2  }
0x8d: {  	s2 =	sadd.s32 s2, s16  }
0x8e: {  	[smem:$0x3FC2] =	sst s2  }
0x8f: {  	_ = 	snop  }
0x90: {  	(tm) =	ssettm $0x1  }
0x91: {  	s17 =	sld [smem:$0x3FFB];
	_ =	sdelay $0x3  }
0x92: {  	_ =	strace s17  }
0x93: {  	s2 =	sld [smem:$0x3FFC];
	_ =	sdelay $0x3  }
0x94: {  	_ =	strace s2  }
0x95: {  	s2 =	sld [smem:$0x3FFD];
	_ =	sdelay $0x3  }
0x96: {  	_ =	strace s2  }
0x97: {  	_ =	strace $0x8FFFFFFF  }
0x98: {  	s18 =	sld [smem:$0x3FDB];
	_ =	sdelay $0x1  }
0x99: {  	s19 =	simm.s32 $_scs_section_size  }
0x9a: {  	s4 =	simm.s32 $_size__tile_overlayer_lowered;
	s5 =	simm.s32 $_tile_overlayer_lowered  }
0x9b: {  	s22 =	simm.s32 $0x1BFF;
	s21 =	sshll.u32 s5, $0x1;
	s2 =	sadd.s32 s19, s18  }
0x9c: {  	s6 =	simm.s32 $0x0;
	s20 =	sshll.u32 s4, $0x1;
	s4 =	sadd.s32 s21, s2  }
0x9d: {  	[timem:s6], [sflag:s22] =	dma.local [hbm:s4], s20  }
0x9e: {  	_ =	swait.ge [sflag:s22], s20  }
0x9f: {  	s3 =	ssub.s32 $0x0, s20;
	[sflag:s22] =	ssyncset.done $0x0  }
0xa0: {  	[sflag:s22] =	ssyncadd.s32 s3;
	_ =	sdelay $0x1  }
0xa1: {  	s23 =	simm.s32 $0x1B8B  }
0xa2: {  	_ =	swait.ge [sflag:s23], $0x1  }
0xa3: {  	[sflag:s23] =	ssyncset.done $0x0  }
0xa4: {  	s25 =	simm.s32 $0x1B8E;
	s24 =	sld [smem:$0x3FFE];
	[sflag:s23] =	ssyncadd.s32 $0xFFFFFFFF  }
0xa5: {  	s26 =	simm.s32 $execute0_lowered;
	[smem:$0x3FD2] =	sst s25  }
0xa6: {  	s4 =	sshll.u32 s26, $0x1;
	_ =	strace $0x8000004C;
	[dreg:$0x1] =	wrdreg $0xFFFFFFFF  }
0xa7: {  	s28 =	simm.s32 $_size_execute0_lowered;
	s2 =	sadd.s32 s2, s4;
	[dreg:$0x0] =	wrdreg $0x0  }
0xa8: {  	s4 =	sshll.u32 s28, $0x1;
	[dreg:$0x2] =	wrdreg s2  }
0xa9: {  	[dreg:$0x3] =	wrdreg s4  }
0xaa: {  	[dreg:$0x4] =	wrdreg $0xC0  }
0xab: {  	_ =	task [dreg:s6], $0x5FFFF  }
0xac: {  	[dreg:$0x1] =	wrdreg $0xFFFFFFFF  }
0xad: {  	[dreg:$0x0] =	wrdreg $0x60  }
0xae: {  	[dreg:$0x2] =	wrdreg s24  }
0xaf: {  	[dreg:$0x3] =	wrdreg $0x94000  }
0xb0: {  	[dreg:$0x4] =	wrdreg $0x6C000  }
0xb1: {  	[dreg:$0x5] =	wrdreg $0x9  }
0xb2: {  	_ =	task.clear_ibuf [dreg:s6], $0x6FFFF;
	_ =	strace $0x9000004C  }
0xb3: {  	s29 =	simm.s32 $0x9;
	_ =	strace $0x8000004E  }
0xb4: {  	_ =	swait.ge [sflag:s29], $0x1  }
0xb5: {  	[sflag:s29] =	ssyncadd.s32 $0xFFFFFFFF  }
0xb6: {  	_ =	strace $0x9000004E  }
0xb7: {  	_ =	sfence  }
0xb8: {  	s30 =	sld [smem:$0x0];
	_ =	sdelay $0x2  }
0xb9: {  	s31 =	sshll.u32 s1, $0xD;
	s1 =	sshrl.u32 s1, $0x2  }
0xba: {  	s3 =	sand.u32 $0x4000, s31;
	s1 =	sadd.s32 s1, s30  }
0xbb: {  	s0 =	sor.u32 s3, s0;
	s1 =	sshll.u32 s1, $0x11  }
0xbc: {  	s0 =	sor.u32 s1, s0  }
0xbd: {  	s0 =	sadd.s32 $0x8F2B, s0  }
0xbe: {  	[sflag:s0] =	ssyncadd.remote.s32 $0x1  }
0xbf: {  	_ =	sfence.sel $0xFFFF  }
0xc0: {  	[dreg:$0x0] =	wrdreg $0xFFFFFFFF;
	(pc) =	sbr.abs _section_cstart, $3  }
0xc1: {  	[dreg:$0x1] =	wrdreg $0xFFFFFFFF  }
0xc2: {  	_ =	task.clear_ibuf [dreg:s6], $0x2FFFF;
	_ =	strace $0x9FFFFFFF  }
0xc3: {  	(tm) =	ssettm $0x7FFFFFFF  }
tec
execute0_lowered:
.L_overlay_start_1:
0x0: {  	(tag) =	ssettag $0x1  }
0x1: {  	s0 =	rddreg [dreg:$0x0]  }
0x2: {  	s2 =	rddreg [dreg:$0x1]  }
0x3: {  	s12 =	stileid.u32;
	s1 =	srdreg.scid  }
0x4: {  	s3 =	rddreg [dreg:$0x2];
	s8 =	smul.u32 $0x2800, s12  }
0x5: {  	s4 =	simm.s32 $0x0;
	s29 =	simm.s32 $0x80;
	s10 =	smul.u32 $0xA000, s12  }
0x6: {  	s30 =	simm.s32 $0x5800;
	s31 =	simm.s32 $0x6000;
	s24 =	smul.u32 $0x2400, s12  }
0x7: {  	s1 =	sand.u32 $0x1, s1;
	s25 =	sshll.u32 s12, $0x6;
	s12 =	smul.u32 $0x2C00, s12  }
0x8: {  	[smem:$0x7FF] =	sst s4;
	s9 =	sadd.s32 $0x1E00, s0;
	s5 =	smul.u32 $0x28000, s1  }
0x9: {  	_ =	strace $0x8000004D;
	s7 =	ssub.s32 $0x2, s1;
	p0 =	seq.s32 s1, $0x0  }
0xa: {  	s1 =	simm.s32 $0x1;
	s6 =	sshrl.u32 s8, $0x3;
	s23 =	sshrl.u32 s7, $0x1  }
0xb: {  	s10 =	sshrl.u32 s10, $0x2;
	s13 =	sshrl.u32 s24, $0x3;
	s12 =	sshrl.u32 s12, $0x3  }
0xc: {  	s28 =	sadd.s32 s8, s3;
	s24 =	simm.s32 $0x3;
	s6 =	sadd.s32 s6, s0  }
0xd: {  	s5 =	sadd.s32 s8, s5;
	s11 =	ssub.s32 s7, s23;
	s23 =	sadd.s32 s8, s2  }
0xe: {  	s7 =	sadd.s32 s10, s3;
	s26 =	sadd.s32 s9, s13;
	s9 =	sadd.s32 s9, s12  }
0xf: {  	s5 =	sshrl.u32 s5, $0x3;
	s13 =	sadd.s32 $0x5800, s26;
	s10 =	sadd.s32 $0xF800, s26  }
0x10: {  	[dreg:$0x6] =	wrdreg s9;
	s9 =	sadd.s32 $0xA000, s9;
	s14 =	sadd.s32 $0x400, s7  }
0x11: {  	s15 =	sadd.s32 $0x800, s7;
	s16 =	sadd.s32 $0xC00, s7;
	s17 =	sadd.s32 $0x1000, s7  }
0x12: {  	s18 =	sadd.s32 $0x1400, s7;
	s19 =	sadd.s32 $0x1800, s7;
	s20 =	sadd.s32 $0x1C00, s7  }
.Ltmp0:
0x13: {  	s21 =	sadd.s32 $0x2000, s7;
	s22 =	sadd.s32 $0x2400, s7;
	(pc) =	sbr.rel .LBB2_1-.Ltmp0, $4  }
0x14: {  	s23 =	sshrl.u32 s23, $0x3;
	s26 =	simm.s32 $0x6800;
	[dreg:$0x4] =	wrdreg s13  }
0x15: {  	s0 =	sadd.s32 s5, s0;
	s5 =	sadd.s32 $0x15E00, s6;
	[dreg:$0x5] =	wrdreg s10  }
0x16: {  	s6 =	sor.u32 $0x1C03, s25;
	[dreg:$0x7] =	wrdreg s9;
	s13 =	smax.u32 s11, $0x1  }
0x17: {  	v0 =	vimm.f32 $0.0e+00;
	s25 =	sshrl.u32 s28, $0x3;
	s12 =	sadd.s32 $0x1AE00, s0;
	s0 =	simm.s32 $0x2  }
.LBB2_10:
0x18: {  	s9 =	sadd.s32 $0x80, s8;
	[sflag:s24] =	ssyncadd.s32 @p1 $0xFFFFF800  }
0x19: {  	[tilespmem:s31], [sflag:$0x2] =	stream.indirect.gather [spmem:s2], $0x10, s9, s29, $0xb8;
	[tilespmem:$0xBC00] =	vst v63  }
0x1a: {  	_ =	swait.ge [sflag:s1], $0x800  }
0x1b: {  	[sflag:s1] =	ssyncset.done $0x0  }
0x1c: {  	s10 =	sadd.s32 $0x2C00, s8;
	[sflag:s1] =	ssyncadd.s32 $0xFFFFF800  }
0x1d: {  	[spmem:s3] =	stream.indirect.scatter.add.f32 [tilespmem:s30], [sflag:$0x3], $0x10, s10, s29, $0xb8;
	[tilespmem:$0xBC00] =	vst v63  }
0x1e: {  	_ =	swait.ge [sflag:s24], $0x800  }
0x1f: {  	[sflag:s24] =	ssyncset.done $0x0  }
0x20: {  	s11 =	sadd.s32 $0x100, s8;
	[sflag:s24] =	ssyncadd.s32 $0xFFFFF800  }
0x21: {  	[tilespmem:s30], [sflag:$0x1] =	stream.indirect.gather [spmem:s2], $0x10, s11, s29, $0xb8;
	[tilespmem:$0xBC00] =	vst v63  }
0x22: {  	_ =	swait.ge [sflag:s0], $0x800  }
0x23: {  	[sflag:s0] =	ssyncset.done $0x0  }
0x24: {  	s28 =	sadd.s32 $0x2C80, s8;
	[sflag:s0] =	ssyncadd.s32 $0xFFFFF800  }
0x25: {  	[spmem:s3] =	stream.indirect.scatter.add.f32 [tilespmem:s31], [sflag:$0x3], $0x10, s28, s29, $0xb8;
	[tilespmem:$0xBC00] =	vst v63  }
0x26: {  	_ =	swait.ge [sflag:s24], $0x800  }
0x27: {  	s8 =	simm.s32 $0x5780;
	[sflag:s24] =	ssyncset.done $0x0  }
0x28: {  	s9 =	simm.s32 $0x2B80;
	s11 =	simm.s32 $0x5700;
	[sflag:s24] =	ssyncadd.s32 $0xFFFFF800  }
.LBB2_11:
0x29: {  	[tilespmem:s31], [sflag:$0x2] =	stream.indirect.gather [spmem:s2], $0x10, s9, s29, $0xb8;
	[tilespmem:$0xBC00] =	vst v63  }
0x2a: {  	_ =	swait.ge [sflag:s1], $0x800  }
0x2b: {  	[sflag:s1] =	ssyncset.done $0x0  }
0x2c: {  	[sflag:s1] =	ssyncadd.s32 $0xFFFFF800  }
0x2d: {  	[spmem:s3] =	stream.indirect.scatter.add.f32 [tilespmem:s30], [sflag:$0x3], $0x10, s11, s29, $0xb8;
	[tilespmem:$0xBC00] =	vst v63  }
0x2e: {  	_ =	swait.ge [sflag:s24], $0x800  }
0x2f: {  	[sflag:s24] =	ssyncset.done $0x0  }
0x30: {  	[sflag:s24] =	ssyncadd.s32 $0xFFFFF800  }
0x31: {  	[tilespmem:s30], [sflag:$0x1] =	stream.indirect.gather [spmem:s2], $0x10, s9, s29, $0xb8;
	[tilespmem:$0xBC00] =	vst v63  }
0x32: {  	_ =	swait.ge [sflag:s0], $0x800  }
0x33: {  	[sflag:s0] =	ssyncset.done $0x0  }
0x34: {  	[sflag:s0] =	ssyncadd.s32 $0xFFFFF800  }
0x35: {  	[spmem:s3] =	stream.indirect.scatter.add.f32 [tilespmem:s31], [sflag:$0x3], $0x10, s8, s29, $0xb8;
	[tilespmem:$0xBC00] =	vst v63  }
0x36: {  	_ =	swait.ge [sflag:s24], $0x800  }
0x37: {  	[sflag:s24] =	ssyncset.done $0x0  }
0x38: {  	[sflag:s24] =	ssyncadd.s32 $0xFFFFF800  }
0x39: {  	_ =	swait.ge [sflag:s1], $0x800  }
0x3a: {  	s4 =	sadd.s32 $0x1, s4;
	[sflag:s1] =	ssyncset.done $0x0  }
0x3b: {  	p1 =	sne.s32 s4, s13;
	[sflag:s1] =	ssyncadd.s32 $0xFFFFF800  }
.Ltmp1:
0x3c: {  	[bflag:$0x0] =	sbarrier.arrive $0xFFFF;
	(pc) =	sbr.rel @!p1 .LBB2_12-.Ltmp1, $4  }
0x3d: {  	[hbm:s12], [sflag:s6] =	dma.local [spmem:s25], $0x500  }
0x3e: {  	_ =	swait.ge [sflag:s24], $0x500  }
0x3f: {  	[sflag:s24] =	ssyncset.done $0x0  }
0x40: {  	[sflag:s24] =	ssyncadd.s32 $0xFFFFFB00  }
.LBB2_1:
0x41: {  	[spmem:s23], [sflag:s6] =	dma.local [hbm:s5], $0x500  }
0x42: {  	_ =	swait.ge [sflag:s24], $0x500  }
0x43: {  	[sflag:s24] =	ssyncset.done $0x0  }
0x44: {  	s8 =	simm.s32 $0x40;
	s9 =	simm.s32 $0x0;
	[sflag:s24] =	ssyncadd.s32 $0xFFFFFB00  }
.LBB2_2:
0x45: {  	p1 =	sne.s32 s8, $0xFC0;
	[tilespmem:s9+$0x6800] =	vst v0;
	s9 =	smov.u32 s8;
	s8 =	sadd.s32 $0x40, s8  }
.Ltmp2:
0x46: {  	(pc) =	sbr.rel @p1 .LBB2_2-.Ltmp2, $2  }
0x47: {  	_ =	sdelay $0x2  }
0x48: {  	s9 =	sshra.s32 s9, $0x2  }
0x49: {  	[tilespmem:s9+$0x6800] =	vst v0  }
0x4a: {  	[spmem:s7] =	stream.linear.scatter [tilespmem:s26], [sflag:$0x3], $0x400, $0x38;
	[tilespmem:$0xBC00] =	vst v63  }
0x4b: {  	_ =	swait.ge [sflag:s24], $0x400  }
0x4c: {  	[sflag:s24] =	ssyncset.done $0x0  }
0x4d: {  	[sflag:s24] =	ssyncadd.s32 $0xFFFFFC00  }
0x4e: {  	[spmem:s14] =	stream.linear.scatter [tilespmem:s26], [sflag:$0x3], $0x400, $0x38;
	[tilespmem:$0xBC00] =	vst v63  }
0x4f: {  	_ =	swait.ge [sflag:s24], $0x400  }
0x50: {  	[sflag:s24] =	ssyncset.done $0x0  }
0x51: {  	[sflag:s24] =	ssyncadd.s32 $0xFFFFFC00  }
0x52: {  	[spmem:s15] =	stream.linear.scatter [tilespmem:s26], [sflag:$0x3], $0x400, $0x38;
	[tilespmem:$0xBC00] =	vst v63  }
0x53: {  	_ =	swait.ge [sflag:s24], $0x400  }
0x54: {  	[sflag:s24] =	ssyncset.done $0x0  }
0x55: {  	[sflag:s24] =	ssyncadd.s32 $0xFFFFFC00  }
0x56: {  	[spmem:s16] =	stream.linear.scatter [tilespmem:s26], [sflag:$0x3], $0x400, $0x38;
	[tilespmem:$0xBC00] =	vst v63  }
0x57: {  	_ =	swait.ge [sflag:s24], $0x400  }
0x58: {  	[sflag:s24] =	ssyncset.done $0x0  }
0x59: {  	[sflag:s24] =	ssyncadd.s32 $0xFFFFFC00  }
0x5a: {  	[spmem:s17] =	stream.linear.scatter [tilespmem:s26], [sflag:$0x3], $0x400, $0x38;
	[tilespmem:$0xBC00] =	vst v63  }
0x5b: {  	_ =	swait.ge [sflag:s24], $0x400  }
0x5c: {  	[sflag:s24] =	ssyncset.done $0x0  }
0x5d: {  	[sflag:s24] =	ssyncadd.s32 $0xFFFFFC00  }
0x5e: {  	[spmem:s18] =	stream.linear.scatter [tilespmem:s26], [sflag:$0x3], $0x400, $0x38;
	[tilespmem:$0xBC00] =	vst v63  }
0x5f: {  	_ =	swait.ge [sflag:s24], $0x400  }
0x60: {  	[sflag:s24] =	ssyncset.done $0x0  }
0x61: {  	[sflag:s24] =	ssyncadd.s32 $0xFFFFFC00  }
0x62: {  	[spmem:s19] =	stream.linear.scatter [tilespmem:s26], [sflag:$0x3], $0x400, $0x38;
	[tilespmem:$0xBC00] =	vst v63  }
0x63: {  	_ =	swait.ge [sflag:s24], $0x400  }
0x64: {  	[sflag:s24] =	ssyncset.done $0x0  }
0x65: {  	[sflag:s24] =	ssyncadd.s32 $0xFFFFFC00  }
0x66: {  	[spmem:s20] =	stream.linear.scatter [tilespmem:s26], [sflag:$0x3], $0x400, $0x38;
	[tilespmem:$0xBC00] =	vst v63  }
0x67: {  	_ =	swait.ge [sflag:s24], $0x400  }
0x68: {  	[sflag:s24] =	ssyncset.done $0x0  }
0x69: {  	[sflag:s24] =	ssyncadd.s32 $0xFFFFFC00  }
0x6a: {  	[spmem:s21] =	stream.linear.scatter [tilespmem:s26], [sflag:$0x3], $0x400, $0x38;
	[tilespmem:$0xBC00] =	vst v63  }
0x6b: {  	_ =	swait.ge [sflag:s24], $0x400  }
0x6c: {  	[sflag:s24] =	ssyncset.done $0x0  }
.Ltmp3:
0x6d: {  	[sflag:s24] =	ssyncadd.s32 $0xFFFFFC00;
	(pc) =	sbr.rel @!p0 .LBB2_4-.Ltmp3, $4  }
0x6e: {  	[spmem:s22] =	stream.linear.scatter [tilespmem:s26], [sflag:$0x3], $0x400, $0x38;
	[tilespmem:$0xBC00] =	vst v63  }
0x6f: {  	_ =	swait.ge [sflag:s24], $0x400  }
0x70: {  	[sflag:s24] =	ssyncset.done $0x0  }
0x71: {  	s8 =	simm.s32 $0x0;
	[sflag:s24] =	ssyncadd.s32 $0xFFFFFC00  }
0x72: {  	s9 =	rddreg [dreg:$0x6]  }
0x73: {  	[tilespmem:s8], [sflag:$0x3] =	stream.linear.gather [hbm4b:s9+s8], $0x2C00, $0x38;
	[tilespmem:$0xBC00] =	vst v63  }
0x74: {  	_ =	swait.ge [sflag:s24], $0x2C00  }
0x75: {  	[sflag:s24] =	ssyncset.done $0x0  }
0x76: {  	s10 =	simm.s32 $0x2C00;
	s28 =	rddreg [dreg:$0x7];
	[sflag:s24] =	ssyncadd.s32 $0xFFFFD400  }
0x77: {  	[tilespmem:s10], [sflag:$0x3] =	stream.linear.gather [hbm4b:s28+s8], $0x2C00, $0x38;
	[tilespmem:$0xBC00] =	vst v63  }
0x78: {  	p2 =	por $0x0, $0x0;
	_ =	swait.ge [sflag:s24], $0x2C00  }
.Ltmp4:
0x79: {  	[sflag:s24] =	ssyncset.done $0x0;
	(pc) =	sbr.rel @p2 .LBB2_10-.Ltmp4, $4  }
0x7a: {  	[sflag:s24] =	ssyncadd.s32 $0xFFFFD400  }
0x7b: {  	[bflag:$0x0] =	sbarrier.arrive $0xFFFF  }
0x7c: {  	[tilespmem:s30], [sflag:$0x1] =	stream.indirect.gather [spmem:s2], $0x10, s8, s29, $0xb8;
	[tilespmem:$0xBC00] =	vst v63  }
0x7d: {  	p1 =	por $0x0, $0x0;
	s8 =	simm.s32 $0x0  }
0x7e: {  	s8 =	simm.s32 $0x80  }
0x7f: {  	[tilespmem:s31], [sflag:$0x2] =	stream.indirect.gather [spmem:s2], $0x10, s8, s29, $0xb8;
	[tilespmem:$0xBC00] =	vst v63  }
0x80: {  	_ =	swait.ge [sflag:s1], $0x800  }
0x81: {  	[sflag:s1] =	ssyncset.done $0x0  }
0x82: {  	s10 =	simm.s32 $0x2C00;
	[sflag:s1] =	ssyncadd.s32 $0xFFFFF800  }
0x83: {  	[spmem:s3] =	stream.indirect.scatter.add.f32 [tilespmem:s30], [sflag:$0x3], $0x10, s10, s29, $0xb8;
	[tilespmem:$0xBC00] =	vst v63  }
0x84: {  	_ =	swait.ge [sflag:s24], $0x800  }
0x85: {  	[sflag:s24] =	ssyncset.done $0x0  }
0x86: {  	s11 =	simm.s32 $0x100;
	[sflag:s24] =	ssyncadd.s32 $0xFFFFF800  }
0x87: {  	[tilespmem:s30], [sflag:$0x1] =	stream.indirect.gather [spmem:s2], $0x10, s11, s29, $0xb8;
	[tilespmem:$0xBC00] =	vst v63  }
0x88: {  	p2 =	por $0x0, $0x0;
	_ =	swait.ge [sflag:s0], $0x800  }
.Ltmp5:
0x89: {  	[sflag:s0] =	ssyncset.done $0x0;
	(pc) =	sbr.rel @p2 .LBB2_10-.Ltmp5, $4  }
0x8a: {  	s28 =	simm.s32 $0x2C80;
	[sflag:s0] =	ssyncadd.s32 $0xFFFFF800  }
0x8b: {  	[spmem:s3] =	stream.indirect.scatter.add.f32 [tilespmem:s31], [sflag:$0x3], $0x10, s28, s29, $0xb8;
	[tilespmem:$0xBC00] =	vst v63  }
0x8c: {  	s9 =	simm.s32 $0x800;
	_ =	swait.ge [sflag:s24], $0x800  }
0x8d: {  	p1 =	por $0x1, $0x1;
	s8 =	simm.s32 $0x100;
	[sflag:s24] =	ssyncset.done $0x0  }
.LBB2_9:
0x8e: {  	s11 =	sadd.s32 $0x80, s8  }
0x8f: {  	[sflag:s24] =	ssyncadd.s32 $0xFFFFF800;
	s28 =	smov.u32 s9;
	s10 =	sadd.s32 $0x400, s9  }
0x90: {  	[tilespmem:s31], [sflag:$0x2] =	stream.indirect.gather [spmem:s2], $0x10, s11, s29, $0xb8;
	[tilespmem:$0xBC00] =	vst v63  }
0x91: {  	p2 =	seq.s32 s9, $0xA800;
	_ =	swait.ge [sflag:s1], $0x800  }
0x92: {  	[sflag:s1] =	ssyncset.done $0x0  }
0x93: {  	s9 =	sadd.s32 $0x2C00, s8;
	[sflag:s1] =	ssyncadd.s32 $0xFFFFF800  }
0x94: {  	[spmem:s3] =	stream.indirect.scatter.add.f32 [tilespmem:s30], [sflag:$0x3], $0x10, s9, s29, $0xb8;
	[tilespmem:$0xBC00] =	vst v63  }
0x95: {  	_ =	swait.ge [sflag:s24], $0x800  }
0x96: {  	[sflag:s24] =	ssyncset.done $0x0  }
0x97: {  	s9 =	sadd.s32 $0x100, s8;
	[sflag:s24] =	ssyncadd.s32 $0xFFFFF800  }
0x98: {  	[tilespmem:s30], [sflag:$0x1] =	stream.indirect.gather [spmem:s2], $0x10, s9, s29, $0xb8;
	[tilespmem:$0xBC00] =	vst v63  }
0x99: {  	_ =	swait.ge [sflag:s0], $0x800  }
.Ltmp6:
0x9a: {  	[sflag:s0] =	ssyncset.done $0x0;
	(pc) =	sbr.rel @!p2 .LBB2_9-.Ltmp6, $4  }
0x9b: {  	s8 =	sadd.s32 $0x2C80, s8;
	[sflag:s0] =	ssyncadd.s32 $0xFFFFF800  }
0x9c: {  	[spmem:s3] =	stream.indirect.scatter.add.f32 [tilespmem:s31], [sflag:$0x3], $0x10, s8, s29, $0xb8;
	[tilespmem:$0xBC00] =	vst v63  }
0x9d: {  	_ =	swait.ge [sflag:s24], $0x800  }
0x9e: {  	s9 =	smov.u32 s10;
	s8 =	sshra.s32 s28, $0x2;
	[sflag:s24] =	ssyncset.done $0x0  }
.Ltmp7:
0x9f: {  	_ = 	snop;
	(pc) =	sbr.rel .LBB2_10-.Ltmp7, $1  }
0xa0: {  	_ =	sdelay $0x3  }
.LBB2_4:
0xa1: {  	s9 =	rddreg [dreg:$0x4]  }
0xa2: {  	[tilespmem:s8], [sflag:$0x3] =	stream.linear.gather [hbm4b:s9+s8], $0x2400, $0x38;
	[tilespmem:$0xBC00] =	vst v63  }
0xa3: {  	_ =	swait.ge [sflag:s24], $0x2400  }
0xa4: {  	[sflag:s24] =	ssyncset.done $0x0  }
0xa5: {  	s10 =	simm.s32 $0x2C00;
	s28 =	rddreg [dreg:$0x5];
	[sflag:s24] =	ssyncadd.s32 $0xFFFFDC00  }
0xa6: {  	[tilespmem:s10], [sflag:$0x3] =	stream.linear.gather [hbm4b:s28+s8], $0x2400, $0x38;
	[tilespmem:$0xBC00] =	vst v63  }
0xa7: {  	_ =	swait.ge [sflag:s24], $0x2400  }
0xa8: {  	[sflag:s24] =	ssyncset.done $0x0  }
0xa9: {  	[sflag:s24] =	ssyncadd.s32 $0xFFFFDC00  }
0xaa: {  	[bflag:$0x0] =	sbarrier.arrive $0xFFFF  }
0xab: {  	[tilespmem:s30], [sflag:$0x1] =	stream.indirect.gather [spmem:s2], $0x10, s8, s29, $0xb8;
	[tilespmem:$0xBC00] =	vst v63  }
0xac: {  	s9 =	simm.s32 $0x80  }
0xad: {  	[tilespmem:s31], [sflag:$0x2] =	stream.indirect.gather [spmem:s2], $0x10, s9, s29, $0xb8;
	[tilespmem:$0xBC00] =	vst v63  }
0xae: {  	_ =	swait.ge [sflag:s1], $0x800  }
0xaf: {  	[sflag:s1] =	ssyncset.done $0x0  }
0xb0: {  	s10 =	simm.s32 $0x2C00;
	[sflag:s1] =	ssyncadd.s32 $0xFFFFF800  }
0xb1: {  	[spmem:s3] =	stream.indirect.scatter.add.f32 [tilespmem:s30], [sflag:$0x3], $0x10, s10, s29, $0xb8;
	[tilespmem:$0xBC00] =	vst v63  }
0xb2: {  	_ =	swait.ge [sflag:s24], $0x800  }
0xb3: {  	[sflag:s24] =	ssyncset.done $0x0  }
0xb4: {  	s11 =	simm.s32 $0x100;
	[sflag:s24] =	ssyncadd.s32 $0xFFFFF800  }
0xb5: {  	[tilespmem:s30], [sflag:$0x1] =	stream.indirect.gather [spmem:s2], $0x10, s11, s29, $0xb8;
	[tilespmem:$0xBC00] =	vst v63  }
0xb6: {  	_ =	swait.ge [sflag:s0], $0x800  }
0xb7: {  	[sflag:s0] =	ssyncset.done $0x0  }
0xb8: {  	s28 =	simm.s32 $0x2C80;
	[sflag:s0] =	ssyncadd.s32 $0xFFFFF800  }
0xb9: {  	[spmem:s3] =	stream.indirect.scatter.add.f32 [tilespmem:s31], [sflag:$0x3], $0x10, s28, s29, $0xb8;
	[tilespmem:$0xBC00] =	vst v63  }
0xba: {  	_ =	swait.ge [sflag:s24], $0x800  }
0xbb: {  	s8 =	simm.s32 $0x100;
	s9 =	simm.s32 $0x800;
	[sflag:s24] =	ssyncset.done $0x0  }
.LBB2_5:
0xbc: {  	s10 =	sadd.s32 $0x80, s8  }
0xbd: {  	[sflag:s24] =	ssyncadd.s32 $0xFFFFF800;
	s11 =	smov.u32 s9;
	s28 =	sadd.s32 $0x400, s9  }
0xbe: {  	[tilespmem:s31], [sflag:$0x2] =	stream.indirect.gather [spmem:s2], $0x10, s10, s29, $0xb8;
	[tilespmem:$0xBC00] =	vst v63  }
0xbf: {  	p1 =	sne.s32 s9, $0x8800;
	_ =	swait.ge [sflag:s1], $0x800  }
0xc0: {  	[sflag:s1] =	ssyncset.done $0x0  }
0xc1: {  	s9 =	sadd.s32 $0x2C00, s8;
	[sflag:s1] =	ssyncadd.s32 $0xFFFFF800  }
0xc2: {  	[spmem:s3] =	stream.indirect.scatter.add.f32 [tilespmem:s30], [sflag:$0x3], $0x10, s9, s29, $0xb8;
	[tilespmem:$0xBC00] =	vst v63  }
0xc3: {  	_ =	swait.ge [sflag:s24], $0x800  }
0xc4: {  	[sflag:s24] =	ssyncset.done $0x0  }
0xc5: {  	s9 =	sadd.s32 $0x100, s8;
	[sflag:s24] =	ssyncadd.s32 $0xFFFFF800  }
0xc6: {  	[tilespmem:s30], [sflag:$0x1] =	stream.indirect.gather [spmem:s2], $0x10, s9, s29, $0xb8;
	[tilespmem:$0xBC00] =	vst v63  }
0xc7: {  	_ =	swait.ge [sflag:s0], $0x800  }
.Ltmp8:
0xc8: {  	[sflag:s0] =	ssyncset.done $0x0;
	(pc) =	sbr.rel @p1 .LBB2_5-.Ltmp8, $4  }
0xc9: {  	s8 =	sadd.s32 $0x2C80, s8;
	[sflag:s0] =	ssyncadd.s32 $0xFFFFF800  }
0xca: {  	[spmem:s3] =	stream.indirect.scatter.add.f32 [tilespmem:s31], [sflag:$0x3], $0x10, s8, s29, $0xb8;
	[tilespmem:$0xBC00] =	vst v63  }
0xcb: {  	_ =	swait.ge [sflag:s24], $0x800  }
0xcc: {  	s9 =	smov.u32 s28;
	s8 =	sshra.s32 s11, $0x2;
	[sflag:s24] =	ssyncset.done $0x0  }
0xcd: {  	s9 =	sadd.s32 $0x80, s8;
	[sflag:s24] =	ssyncadd.s32 $0xFFFFF800  }
0xce: {  	[tilespmem:s31], [sflag:$0x2] =	stream.indirect.gather [spmem:s2], $0x10, s9, s29, $0xb8;
	[tilespmem:$0xBC00] =	vst v63  }
0xcf: {  	_ =	swait.ge [sflag:s1], $0x800  }
0xd0: {  	[sflag:s1] =	ssyncset.done $0x0  }
0xd1: {  	s10 =	sadd.s32 $0x2C00, s8;
	[sflag:s1] =	ssyncadd.s32 $0xFFFFF800  }
0xd2: {  	[spmem:s3] =	stream.indirect.scatter.add.f32 [tilespmem:s30], [sflag:$0x3], $0x10, s10, s29, $0xb8;
	[tilespmem:$0xBC00] =	vst v63  }
0xd3: {  	_ =	swait.ge [sflag:s24], $0x800  }
0xd4: {  	[sflag:s24] =	ssyncset.done $0x0  }
0xd5: {  	s11 =	sadd.s32 $0x100, s8;
	[sflag:s24] =	ssyncadd.s32 $0xFFFFF800  }
0xd6: {  	[tilespmem:s30], [sflag:$0x1] =	stream.indirect.gather [spmem:s2], $0x10, s11, s29, $0xb8;
	[tilespmem:$0xBC00] =	vst v63  }
0xd7: {  	_ =	swait.ge [sflag:s0], $0x800  }
0xd8: {  	[sflag:s0] =	ssyncset.done $0x0  }
.Ltmp9:
0xd9: {  	s28 =	sadd.s32 $0x2C80, s8;
	[sflag:s0] =	ssyncadd.s32 $0xFFFFF800;
	(pc) =	sbr.rel .LBB2_11-.Ltmp9, $4  }
0xda: {  	[spmem:s3] =	stream.indirect.scatter.add.f32 [tilespmem:s31], [sflag:$0x3], $0x10, s28, s29, $0xb8;
	[tilespmem:$0xBC00] =	vst v63  }
0xdb: {  	_ =	swait.ge [sflag:s24], $0x800  }
0xdc: {  	s8 =	simm.s32 $0x4F80;
	[sflag:s24] =	ssyncset.done $0x0  }
0xdd: {  	s9 =	simm.s32 $0x2380;
	s11 =	simm.s32 $0x4F00;
	[sflag:s24] =	ssyncadd.s32 $0xFFFFF800  }
.LBB2_12:
0xde: {  	_ =	sfence.sel $0x180000  }
0xdf: {  	[bflag:$0x0] =	sbarrier.arrive $0xFFFF  }
0xe0: {  	_ =	strace $0x9000004D  }
0xe1: {  	s0 =	stileid.u32;
	[bflag:$0x2] =	sbarrier.arrive $0xFFFF  }
0xe2: {  	p0 =	sne.s32 s0, $0x0;
	s0 =	rddreg [dreg:$0x3]  }
0xe3: {  	s0 =	sadd.s32 @!p0 $0x100000, s0  }
0xe4: {  	[sflag:s0] =	ssyncadd.tile.s32 @!p0 $0x1;
	_ =	shalt  }
.Lfunc_end2:
_tile_overlayer_lowered:
.L_overlay_start_2:
0xe5: {  	(tag) =	ssettag $0x2  }
0xe6: {  	s0 =	rddreg [dreg:$0x0];
	s2 =	stileid.u32  }
0xe7: {  	s1 =	rddreg [dreg:$0x1];
	p0 =	sne.s32 s2, $0x0  }
0xe8: {  	s3 =	rddreg [dreg:$0x2];
	[bflag:$0x3] =	sbarrier.arrive $0xFFFF;
	s2 =	simm.s32 @!p0 $0x1C03  }
0xe9: {  	[timem:s3], [sflag:s2] =	dma.local @!p0 [hbm:s0], s1  }
0xea: {  	s0 =	simm.s32 @!p0 $0x3  }
0xeb: {  	_ =	swait.ge @!p0 [sflag:s0], s1  }
0xec: {  	s1 =	ssub.s32 @!p0 $0x0, s1;
	[sflag:s0] =	ssyncset.done @!p0 $0x0  }
0xed: {  	[sflag:s0] =	ssyncadd.s32 @!p0 s1  }
0xee: {  	[bflag:$0x3] =	sbarrier.arrive $0xFFFF  }
0xef: {  	_ =	shalt  }

// kernel: kernel.9.cloned.1.call-start
scs
__scs_entry_jumppad:
0x0: {  	(pc) =	sbr.rel $0x88, $3  }
0x1: {  	(tag) =	ssettag $0x0;
	lr =	simm.s32 $0x1  }
0x2: {  	[smem:$0x3F9B] =	sst lr;
	_ =	strace $0xD0000000  }
0x3: {  	_ = 	snop  }
0x4: {  	_ = 	snop  }
0x5: {  	_ = 	snop  }
0x6: {  	_ = 	snop  }
0x7: {  	_ = 	snop  }
__scs_overlays_trampoline_lowered:
0x8: {  	[smem:$0x3FAA] =	sst s0  }
0x9: {  	[smem:$0x3FAB] =	sst s1  }
0xa: {  	[smem:$0x3FAC] =	sst s2  }
0xb: {  	[smem:$0x3FAD] =	sst s3  }
0xc: {  	[smem:$0x3FAE] =	sst s4  }
0xd: {  	[smem:$0x3FAF] =	sst s5  }
0xe: {  	[smem:$0x3FB0] =	sst s6  }
0xf: {  	[smem:$0x3FB1] =	sst s7  }
0x10: {  	[smem:$0x3FB2] =	sst s8  }
0x11: {  	[smem:$0x3FB3] =	sst s9;
	s0 =	simm.s32 @!p0 $0x0  }
0x12: {  	s1 =	sld [smem:$0x3F99];
	s0 =	simm.s32 @p0 $0x1  }
0x13: {  	[smem:$0x3FB4] =	sst s0;
	s0 =	simm.s32 @!p1 $0x0  }
0x14: {  	s2 =	sld [smem:$0x3F98];
	s0 =	simm.s32 @p1 $0x1  }
0x15: {  	[smem:$0x3FB5] =	sst s0;
	s0 =	simm.s32 @!p2 $0x0  }
0x16: {  	s3 =	sld [smem:$0x3FDB];
	s0 =	simm.s32 @p2 $0x1  }
0x17: {  	s4 =	simm.s32 $0x1BF5;
	[smem:$0x3FB7] =	sst s0  }
0x18: {  	s0 =	sld [smem:$0x3F9A];
	_ =	swait.ge [sflag:s4], $0x0  }
0x19: {  	s7 =	sld [smem:$0x3F9B]  }
0x1a: {  	s8 =	sadd.s32 $0xFFFFE003, lr  }
0x1b: {  	s9 =	sadd.s32 $0xFFFFFEF7, lr;
	s5 =	simm.s32 $0xFFFFFFFF;
	p2 =	slt.u32 s8, $0xFFFFF086  }
0x1c: {  	p1 =	slt.u32 s9, $0xF7A;
	s5 =	simm.s32 @!p2 $0x0  }
0x1d: {  	s5 =	simm.s32 @p1 $0x1;
	p0 =	seq.s32 s7, s2  }
0x1e: {  	s7 =	smul.u32 @!p0 $0xF7A, s2;
	p2 =	seq.s32 @!p0 s5, $0x0  }
0x1f: {  	s9 =	smul.u32 $0xF7A, s1;
	s8 =	simm.s32 @!p0 $0x1BF5;
	p2 =	por !p2, p0  }
0x20: {  	[sflag:s8] =	ssyncset.s32 @!p0 $0xFFFFF086;
	s6 =	sadd.s32 @!p0 s3, s7;
	s7 =	simm.s32 @!p0 $0x108  }
0x21: {  	s3 =	sadd.s32 s3, s9;
	s6 =	sadd.s32 @!p0 $0x88, s6;
	s7 =	simm.s32 @p2 $0x1082  }
0x22: {  	[simem:s7], [sflag:s8] =	dma.local @!p0 [hbm:s6], $0xF7A  }
0x23: {  	s9 =	sor.u32 $0xD0000000, s2;
	s6 =	simm.s32 $0x108;
	_ =	swait.ge @!p0 [sflag:s8], $0x0  }
0x24: {  	s3 =	sadd.s32 $0x88, s3;
	s6 =	simm.s32 @!p1 $0x1082;
	[sflag:s4] =	ssyncset.s32 $0xFFFFF086  }
0x25: {  	[simem:s6], [sflag:s4] =	dma.local [hbm:s3], $0xF7A  }
0x26: {  	[smem:$0x3F9B] =	sst s1;
	(tag) =	ssettag s2;
	_ =	strace s9  }
0x27: {  	s1 =	sld [smem:$0x3FAB]  }
0x28: {  	s2 =	sld [smem:$0x3FAC]  }
0x29: {  	s4 =	sld [smem:$0x3FAE]  }
0x2a: {  	p0 =	seq.s32 s5, $0x0;
	s5 =	sld [smem:$0x3FAF]  }
0x2b: {  	s6 =	sld [smem:$0x3FB0]  }
0x2c: {  	s7 =	sld [smem:$0x3FB1]  }
0x2d: {  	s3 =	simm.s32 $0x108;
	s8 =	sld [smem:$0x3FB2]  }
0x2e: {  	s3 =	simm.s32 @!p0 $0x1082;
	s9 =	sld [smem:$0x3FB3]  }
0x2f: {  	lr =	sadd.s32 s0, s3;
	s0 =	sld [smem:$0x3FAA]  }
0x30: {  	s3 =	sld [smem:$0x3FAD]  }
0x31: {  	[smem:$0x3FB6] =	sst s10  }
0x32: {  	s10 =	sld [smem:$0x3FB4];
	_ =	sdelay $0x3  }
0x33: {  	p0 =	seq.s32 s10, $0x1;
	s10 =	sld [smem:$0x3FB6];
	_ =	sdelay $0x3  }
0x34: {  	[smem:$0x3FB6] =	sst s10  }
0x35: {  	s10 =	sld [smem:$0x3FB5];
	_ =	sdelay $0x3  }
0x36: {  	p1 =	seq.s32 s10, $0x1;
	s10 =	sld [smem:$0x3FB6];
	_ =	sdelay $0x3  }
0x37: {  	[smem:$0x3FB6] =	sst s10  }
0x38: {  	s10 =	sld [smem:$0x3FB7]  }
0x39: {  	_ = 	snop;
	(pc) =	sbr.ind lr, $3  }
0x3a: {  	_ = 	snop  }
0x3b: {  	_ = 	snop  }
0x3c: {  	p2 =	seq.s32 s10, $0x1;
	s10 =	sld [smem:$0x3FB6]  }
0x3d: {  	_ =	shalt  }
0x3e: {  	_ =	shalt  }
0x3f: {  	_ =	shalt  }
0x40: {  	_ =	shalt  }
0x41: {  	_ =	shalt  }
0x42: {  	_ =	shalt  }
0x43: {  	_ =	shalt  }
0x44: {  	_ =	shalt  }
0x45: {  	_ =	shalt  }
0x46: {  	_ =	shalt  }
0x47: {  	_ =	shalt  }
0x48: {  	_ =	shalt  }
0x49: {  	_ =	shalt  }
0x4a: {  	_ =	shalt  }
0x4b: {  	_ =	shalt  }
0x4c: {  	_ =	shalt  }
0x4d: {  	_ =	shalt  }
0x4e: {  	_ =	shalt  }
0x4f: {  	_ =	shalt  }
0x50: {  	_ =	shalt  }
0x51: {  	_ =	shalt  }
0x52: {  	_ =	shalt  }
0x53: {  	_ =	shalt  }
0x54: {  	_ =	shalt  }
0x55: {  	_ =	shalt  }
0x56: {  	_ =	shalt  }
0x57: {  	_ =	shalt  }
0x58: {  	_ =	shalt  }
0x59: {  	_ =	shalt  }
0x5a: {  	_ =	shalt  }
0x5b: {  	_ =	shalt  }
0x5c: {  	_ =	shalt  }
0x5d: {  	_ =	shalt  }
0x5e: {  	_ =	shalt  }
0x5f: {  	_ =	shalt  }
0x60: {  	_ =	shalt  }
0x61: {  	_ =	shalt  }
0x62: {  	_ =	shalt  }
0x63: {  	_ =	shalt  }
0x64: {  	_ =	shalt  }
0x65: {  	_ =	shalt  }
0x66: {  	_ =	shalt  }
0x67: {  	_ =	shalt  }
0x68: {  	_ =	shalt  }
0x69: {  	_ =	shalt  }
0x6a: {  	_ =	shalt  }
0x6b: {  	_ =	shalt  }
0x6c: {  	_ =	shalt  }
0x6d: {  	_ =	shalt  }
0x6e: {  	_ =	shalt  }
0x6f: {  	_ =	shalt  }
0x70: {  	_ =	shalt  }
0x71: {  	_ =	shalt  }
0x72: {  	_ =	shalt  }
0x73: {  	_ =	shalt  }
0x74: {  	_ =	shalt  }
0x75: {  	_ =	shalt  }
0x76: {  	_ =	shalt  }
0x77: {  	_ =	shalt  }
0x78: {  	_ =	shalt  }
0x79: {  	_ =	shalt  }
0x7a: {  	_ =	shalt  }
0x7b: {  	_ =	shalt  }
0x7c: {  	_ =	shalt  }
0x7d: {  	_ =	shalt  }
0x7e: {  	_ =	shalt  }
0x7f: {  	_ =	shalt  }
0x80: {  	_ =	shalt  }
0x81: {  	_ =	shalt  }
0x82: {  	_ =	shalt  }
0x83: {  	_ =	shalt  }
0x84: {  	_ =	shalt  }
0x85: {  	_ =	shalt  }
0x86: {  	_ =	shalt  }
0x87: {  	_ =	shalt  }
.Lfunc_end0:
.L_simem_size_0:
called_computation_lowered:
.L_overlay_start_0:
0x88: {  	s2 =	sld [smem:$0x3FD9]  }
0x89: {  	s3 =	sld [smem:$0x3FFE];
	_ =	sdelay $0x1  }
0x8a: {  	s1 =	srdreg.scid  }
0x8b: {  	s0 =	sand.u32 $0x1, s1  }
0x8c: {  	s17 =	sshll.u32 s0, $0xA;
	s2 =	sadd.s32 s3, s2  }
0x8d: {  	s2 =	sadd.s32 s2, s17  }
0x8e: {  	[smem:$0x3FC2] =	sst s2  }
0x8f: {  	_ = 	snop  }
0x90: {  	s2 =	sld [smem:$0x3FD0];
	(tm) =	ssettm $0x1  }
0x91: {  	s18 =	sld [smem:$0x3FFB];
	_ =	sdelay $0x3  }
0x92: {  	_ =	strace s18  }
0x93: {  	s3 =	sld [smem:$0x3FFC];
	_ =	sdelay $0x3  }
0x94: {  	_ =	strace s3  }
0x95: {  	s3 =	sld [smem:$0x3FFD];
	_ =	sdelay $0x3  }
0x96: {  	_ =	strace s3  }
0x97: {  	_ =	strace $0x8FFFFFFF  }
0x98: {  	s19 =	sld [smem:$0x3FDB];
	_ =	sdelay $0x1  }
0x99: {  	s4 =	simm.s32 $_scs_section_size  }
0x9a: {  	s5 =	simm.s32 $_size__tile_overlayer_lowered;
	s6 =	simm.s32 $_tile_overlayer_lowered  }
0x9b: {  	s22 =	simm.s32 $0x1BFF;
	s21 =	sshll.u32 s6, $0x1;
	s3 =	sadd.s32 s4, s19  }
0x9c: {  	s7 =	simm.s32 $0x0;
	s20 =	sshll.u32 s5, $0x1;
	s5 =	sadd.s32 s21, s3  }
0x9d: {  	[timem:s7], [sflag:s22] =	dma.local [hbm:s5], s20  }
0x9e: {  	_ =	swait.ge [sflag:s22], s20  }
0x9f: {  	s4 =	ssub.s32 $0x0, s20;
	[sflag:s22] =	ssyncset.done $0x0  }
0xa0: {  	[sflag:s22] =	ssyncadd.s32 s4;
	_ =	sdelay $0x1  }
0xa1: {  	s23 =	simm.s32 $0x1B8B  }
0xa2: {  	_ =	swait.ge [sflag:s23], $0x1  }
0xa3: {  	[sflag:s23] =	ssyncset.done $0x0  }
0xa4: {  	s25 =	simm.s32 $0x1B8E;
	s24 =	sld [smem:$0x3FFE];
	[sflag:s23] =	ssyncadd.s32 $0xFFFFFFFF  }
0xa5: {  	s26 =	simm.s32 $execute0_lowered;
	[smem:$0x3FD2] =	sst s25  }
0xa6: {  	s5 =	sshll.u32 s26, $0x1;
	_ =	strace $0x80000046;
	[dreg:$0x1] =	wrdreg $0xFFFFFFFF  }
0xa7: {  	s28 =	simm.s32 $_size_execute0_lowered;
	s3 =	sadd.s32 s3, s5;
	[dreg:$0x0] =	wrdreg $0x0  }
0xa8: {  	s5 =	sshll.u32 s28, $0x1;
	[dreg:$0x2] =	wrdreg s3  }
0xa9: {  	[dreg:$0x3] =	wrdreg s5  }
0xaa: {  	[dreg:$0x4] =	wrdreg $0xC0  }
0xab: {  	_ =	task [dreg:s7], $0x5FFFF  }
0xac: {  	[dreg:$0x1] =	wrdreg $0xFFFFFFFF  }
0xad: {  	[dreg:$0x0] =	wrdreg $0x60  }
0xae: {  	[dreg:$0x2] =	wrdreg s24  }
0xaf: {  	[dreg:$0x3] =	wrdreg s2  }
0xb0: {  	[dreg:$0x4] =	wrdreg $0x2F000  }
0xb1: {  	[dreg:$0x5] =	wrdreg $0x9  }
0xb2: {  	_ =	task.clear_ibuf [dreg:s7], $0x6FFFF;
	_ =	strace $0x90000046  }
0xb3: {  	s29 =	simm.s32 $0x9;
	_ =	strace $0x80000048  }
0xb4: {  	_ =	swait.ge [sflag:s29], $0x1  }
0xb5: {  	[sflag:s29] =	ssyncadd.s32 $0xFFFFFFFF  }
0xb6: {  	_ =	strace $0x90000048  }
0xb7: {  	_ =	sfence  }
0xb8: {  	s30 =	sld [smem:$0x0];
	_ =	sdelay $0x2  }
0xb9: {  	s31 =	sshll.u32 s1, $0xD;
	s1 =	sshrl.u32 s1, $0x2  }
0xba: {  	s3 =	sand.u32 $0x4000, s31;
	s1 =	sadd.s32 s1, s30  }
0xbb: {  	s0 =	sor.u32 s3, s0;
	s1 =	sshll.u32 s1, $0x11  }
0xbc: {  	s0 =	sor.u32 s1, s0  }
0xbd: {  	s0 =	sadd.s32 $0x8F2B, s0  }
0xbe: {  	[sflag:s0] =	ssyncadd.remote.s32 $0x1  }
0xbf: {  	_ =	sfence.sel $0xFFFF  }
0xc0: {  	[dreg:$0x0] =	wrdreg $0xFFFFFFFF;
	(pc) =	sbr.abs _section_cstart, $3  }
0xc1: {  	[dreg:$0x1] =	wrdreg $0xFFFFFFFF  }
0xc2: {  	_ =	task.clear_ibuf [dreg:s7], $0x2FFFF;
	_ =	strace $0x9FFFFFFF  }
0xc3: {  	(tm) =	ssettm $0x7FFFFFFF  }
tec
execute0_lowered:
.L_overlay_start_1:
0x0: {  	(tag) =	ssettag $0x1  }
0x1: {  	s4 =	rddreg [dreg:$0x0]  }
0x2: {  	s7 =	rddreg [dreg:$0x1]  }
0x3: {  	s2 =	rddreg [dreg:$0x2]  }
0x4: {  	s0 =	rddreg [dreg:$0x3];
	s1 =	stileid.u32  }
0x5: {  	s5 =	srdreg.scid;
	s3 =	simm.s32 $0x0;
	s6 =	smul.u32 $0x280, s1  }
0x6: {  	s9 =	sand.u32 $0x1, s5;
	s29 =	smul.u32 $0x2400, s1;
	[smem:$0x7FF] =	sst s3  }
0x7: {  	s10 =	smul.u32 $0x2C00, s1;
	s13 =	sadd.s32 $0x1E00, s4;
	s31 =	sshll.u32 s1, $0x6  }
0x8: {  	s8 =	ssub.s32 $0x2, s9;
	_ =	strace $0x80000047;
	s12 =	smul.u32 $0x2800, s9  }
0x9: {  	p0 =	sne.s32 s9, $0x0;
	s9 =	simm.s32 $0x2C00;
	s11 =	sshrl.u32 s8, $0x1  }
0xa: {  	s4 =	sadd.s32 s6, s2;
	s5 =	sshrl.u32 s29, $0x3;
	s10 =	sshrl.u32 s10, $0x3  }
.Ltmp0:
0xb: {  	s8 =	ssub.s32 s8, s11;
	s6 =	sadd.s32 s6, s12;
	(pc) =	sbr.rel .LBB2_1-.Ltmp0, $4  }
0xc: {  	s5 =	sadd.s32 s13, s5;
	s10 =	sadd.s32 s13, s10;
	s11 =	simm.s32 $0x80  }
0xd: {  	s12 =	simm.s32 $0x2E80;
	s13 =	sor.u32 $0x1C01, s31;
	s14 =	sshrl.u32 s4, $0x3  }
0xe: {  	s30 =	sshrl.u32 s6, $0x3;
	s5 =	sadd.s32 $0xF800, s5;
	s6 =	sadd.s32 $0xA000, s10  }
0xf: {  	v0 =	vimm.f32 $0.0e+00;
	v1 =	vimm.f32 $1.000000000e+00;
	s8 =	smax.u32 s8, $0x1;
	s10 =	simm.s32 $0x1;
	s7 =	sadd.s32 s7, s30  }
.LBB2_7:
0x10: {  	[sflag:s10] =	ssyncadd.s32 $0xFFFFFF80  }
.LBB2_8:
0x11: {  	s3 =	sadd.s32 $0x1, s3  }
0x12: {  	p1 =	sne.s32 s3, s8  }
.Ltmp1:
0x13: {  	[bflag:$0x0] =	sbarrier.arrive $0xFFFF;
	(pc) =	sbr.rel @!p1 .LBB2_9-.Ltmp1, $4  }
0x14: {  	[hbm:s7], [sflag:s13] =	dma.local [spmem:s14], $0x50  }
0x15: {  	_ =	swait.ge [sflag:s10], $0x50  }
0x16: {  	[sflag:s10] =	ssyncset.done $0x0  }
0x17: {  	[sflag:s10] =	ssyncadd.s32 $0xFFFFFFB0  }
.LBB2_1:
0x18: {  	[tilespmem:$0x2C00] =	vst v0  }
0x19: {  	[tilespmem:$0x2C10] =	vst v0  }
0x1a: {  	[tilespmem:$0x2C20] =	vst v0  }
0x1b: {  	[tilespmem:$0x2C30] =	vst v0  }
0x1c: {  	[tilespmem:$0x2C40] =	vst v0  }
0x1d: {  	[tilespmem:$0x2C50] =	vst v0  }
0x1e: {  	[tilespmem:$0x2C60] =	vst v0  }
0x1f: {  	[tilespmem:$0x2C70] =	vst v0  }
0x20: {  	[tilespmem:$0x2C80] =	vst v0  }
0x21: {  	[tilespmem:$0x2C90] =	vst v0  }
0x22: {  	[tilespmem:$0x2CA0] =	vst v0  }
0x23: {  	[tilespmem:$0x2CB0] =	vst v0  }
0x24: {  	[tilespmem:$0x2CC0] =	vst v0  }
0x25: {  	[tilespmem:$0x2CD0] =	vst v0  }
0x26: {  	[tilespmem:$0x2CE0] =	vst v0  }
0x27: {  	[tilespmem:$0x2CF0] =	vst v0  }
0x28: {  	[tilespmem:$0x2D00] =	vst v0  }
0x29: {  	[tilespmem:$0x2D10] =	vst v0  }
0x2a: {  	[tilespmem:$0x2D20] =	vst v0  }
0x2b: {  	[tilespmem:$0x2D30] =	vst v0  }
0x2c: {  	[tilespmem:$0x2D40] =	vst v0  }
0x2d: {  	[tilespmem:$0x2D50] =	vst v0  }
0x2e: {  	[tilespmem:$0x2D60] =	vst v0  }
0x2f: {  	[tilespmem:$0x2D70] =	vst v0  }
0x30: {  	[tilespmem:$0x2D80] =	vst v0  }
0x31: {  	[tilespmem:$0x2D90] =	vst v0  }
0x32: {  	[tilespmem:$0x2DA0] =	vst v0  }
0x33: {  	[tilespmem:$0x2DB0] =	vst v0  }
0x34: {  	[tilespmem:$0x2DC0] =	vst v0  }
0x35: {  	[tilespmem:$0x2DD0] =	vst v0  }
0x36: {  	[tilespmem:$0x2DE0] =	vst v0  }
0x37: {  	[tilespmem:$0x2DF0] =	vst v0  }
0x38: {  	[tilespmem:$0x2E00] =	vst v0  }
0x39: {  	[tilespmem:$0x2E10] =	vst v0  }
0x3a: {  	[tilespmem:$0x2E20] =	vst v0  }
0x3b: {  	[tilespmem:$0x2E30] =	vst v0  }
0x3c: {  	[tilespmem:$0x2E40] =	vst v0  }
0x3d: {  	[tilespmem:$0x2E50] =	vst v0  }
0x3e: {  	[tilespmem:$0x2E60] =	vst v0  }
0x3f: {  	[tilespmem:$0x2E70] =	vst v0  }
0x40: {  	[tilespmem:$0x2E80] =	vst v1  }
0x41: {  	[tilespmem:$0x2E90] =	vst v1  }
0x42: {  	[tilespmem:$0x2EA0] =	vst v1  }
0x43: {  	[tilespmem:$0x2EB0] =	vst v1  }
0x44: {  	[tilespmem:$0x2EC0] =	vst v1  }
0x45: {  	[tilespmem:$0x2ED0] =	vst v1  }
0x46: {  	[tilespmem:$0x2EE0] =	vst v1  }
.Ltmp2:
0x47: {  	[tilespmem:$0x2EF0] =	vst v1;
	(pc) =	sbr.rel @p0 .LBB2_5-.Ltmp2, $4  }
0x48: {  	[spmem:s4] =	stream.linear.scatter [tilespmem:s9], [sflag:$0x1], $0x280, $0x38;
	[tilespmem:$0x3180] =	vst v63  }
0x49: {  	_ =	swait.ge [sflag:s10], $0x280  }
0x4a: {  	[sflag:s10] =	ssyncset.done $0x0  }
0x4b: {  	s15 =	simm.s32 $0x0;
	[sflag:s10] =	ssyncadd.s32 $0xFFFFFD80  }
0x4c: {  	[tilespmem:s15], [sflag:$0x1] =	stream.linear.gather [hbm4b:s6+s15], $0x2C00, $0x38;
	[tilespmem:$0x3180] =	vst v63  }
0x4d: {  	_ =	swait.ge [sflag:s10], $0x2C00  }
0x4e: {  	[sflag:s10] =	ssyncset.done $0x0  }
0x4f: {  	[sflag:s10] =	ssyncadd.s32 $0xFFFFD400  }
0x50: {  	s31 =	simm.s32 $0x0;
	[bflag:$0x0] =	sbarrier.arrive $0xFFFF  }
0x51: {  	[spmem:s2] =	stream.indirect.scatter.add.f32 [tilespmem:s12], [sflag:$0x1], $0x1, s31, s11, $0xb8;
	[tilespmem:$0x3180] =	vst v63  }
0x52: {  	_ =	swait.ge [sflag:s10], $0x80  }
0x53: {  	s15 =	simm.s32 $0x200;
	[sflag:s10] =	ssyncset.done $0x0  }
.LBB2_3:
0x54: {  	s16 =	sshra.s32 s15, $0x2;
	[sflag:s10] =	ssyncadd.s32 $0xFFFFFF80;
	p1 =	seq.s32 s15, $0xAE00  }
0x55: {  	[spmem:s2] =	stream.indirect.scatter.add.f32 [tilespmem:s12], [sflag:$0x1], $0x1, s16, s11, $0xb8;
	[tilespmem:$0x3180] =	vst v63  }
.Ltmp3:
0x56: {  	_ = 	snop;
	(pc) =	sbr.rel @!p1 .LBB2_3-.Ltmp3, $4  }
0x57: {  	_ = 	snop  }
0x58: {  	s15 =	sadd.s32 $0x200, s15  }
0x59: {  	_ =	swait.ge [sflag:s10], $0x80  }
0x5a: {  	[sflag:s10] =	ssyncset.done $0x0  }
.Ltmp4:
0x5b: {  	(pc) =	sbr.rel .LBB2_8-.Ltmp4, $2  }
0x5c: {  	_ =	sdelay $0x2  }
0x5d: {  	[sflag:s10] =	ssyncadd.s32 $0xFFFFFF80  }
.LBB2_5:
0x5e: {  	[tilespmem:s15], [sflag:$0x1] =	stream.linear.gather [hbm4b:s5+s15], $0x2400, $0x38;
	[tilespmem:$0x3180] =	vst v63  }
0x5f: {  	_ =	swait.ge [sflag:s10], $0x2400  }
0x60: {  	[sflag:s10] =	ssyncset.done $0x0  }
0x61: {  	[sflag:s10] =	ssyncadd.s32 $0xFFFFDC00  }
0x62: {  	s31 =	simm.s32 $0x0;
	[bflag:$0x0] =	sbarrier.arrive $0xFFFF  }
0x63: {  	[spmem:s2] =	stream.indirect.scatter.add.f32 [tilespmem:s12], [sflag:$0x1], $0x1, s31, s11, $0xb8;
	[tilespmem:$0x3180] =	vst v63  }
0x64: {  	_ =	swait.ge [sflag:s10], $0x80  }
0x65: {  	s15 =	simm.s32 $0x200;
	[sflag:s10] =	ssyncset.done $0x0  }
.LBB2_6:
0x66: {  	s16 =	sshra.s32 s15, $0x2;
	[sflag:s10] =	ssyncadd.s32 $0xFFFFFF80;
	p1 =	sne.s32 s15, $0x8E00  }
0x67: {  	[spmem:s2] =	stream.indirect.scatter.add.f32 [tilespmem:s12], [sflag:$0x1], $0x1, s16, s11, $0xb8;
	[tilespmem:$0x3180] =	vst v63  }
.Ltmp5:
0x68: {  	_ = 	snop;
	(pc) =	sbr.rel @p1 .LBB2_6-.Ltmp5, $4  }
0x69: {  	_ = 	snop  }
0x6a: {  	s15 =	sadd.s32 $0x200, s15  }
0x6b: {  	_ =	swait.ge [sflag:s10], $0x80  }
0x6c: {  	[sflag:s10] =	ssyncset.done $0x0  }
.Ltmp6:
0x6d: {  	_ = 	snop;
	(pc) =	sbr.rel .LBB2_7-.Ltmp6, $1  }
0x6e: {  	_ =	sdelay $0x3  }
.LBB2_9:
0x6f: {  	_ =	sfence.sel $0x180000  }
0x70: {  	[bflag:$0x0] =	sbarrier.arrive $0xFFFF  }
0x71: {  	p0 =	sne.s32 s1, $0x0;
	_ =	strace $0x90000047  }
0x72: {  	s0 =	sadd.s32 @!p0 $0x100000, s0;
	[bflag:$0x2] =	sbarrier.arrive $0xFFFF  }
0x73: {  	[sflag:s0] =	ssyncadd.tile.s32 @!p0 $0x1;
	_ =	shalt  }
.Lfunc_end2:
_tile_overlayer_lowered:
.L_overlay_start_2:
0x74: {  	(tag) =	ssettag $0x2  }
0x75: {  	s0 =	rddreg [dreg:$0x0];
	s2 =	stileid.u32  }
0x76: {  	s1 =	rddreg [dreg:$0x1];
	p0 =	sne.s32 s2, $0x0  }
0x77: {  	s3 =	rddreg [dreg:$0x2];
	[bflag:$0x3] =	sbarrier.arrive $0xFFFF;
	s2 =	simm.s32 @!p0 $0x1C01  }
0x78: {  	[timem:s3], [sflag:s2] =	dma.local @!p0 [hbm:s0], s1  }
0x79: {  	s0 =	simm.s32 @!p0 $0x1  }
0x7a: {  	_ =	swait.ge @!p0 [sflag:s0], s1  }
0x7b: {  	s1 =	ssub.s32 @!p0 $0x0, s1;
	[sflag:s0] =	ssyncset.done @!p0 $0x0  }
0x7c: {  	[sflag:s0] =	ssyncadd.s32 @!p0 s1  }
0x7d: {  	[bflag:$0x3] =	sbarrier.arrive $0xFFFF  }
0x7e: {  	_ =	shalt  }

</sc_bundles>
